<compile_context>
chip_gen: v7x
topology: tpu7x:2x2x1
jax: 0.10.2.dev20260603
libtpu: 0.0.44.dev20260713+nightly
codegen_flags: <defaults>
</compile_context>

<pallas_src>
import functools

import jax
import jax.numpy as jnp
import numpy as np
from jax import lax
from jax.experimental import pallas as pl
from jax.experimental.pallas import tpu as pltpu
from jax.experimental.pallas import tpu_sc as plsc

D = 256
NH = 8
NL = 4
NP = 4
HD = D // NH
NTAP = 4
_SHAPES = [(128, 128), (64, 64), (32, 32), (16, 16)]
LQ = sum(h * w for h, w in _SHAPES)
B = 2
BLK = 640
NBLK = LQ // BLK
E = NH * NL * NP * NTAP
ROWS = B * LQ * NH

_lane = np.arange(128)
_lane_l = (_lane // 4) % 4
_lane_h = _lane // 16
_W_l = np.array([_SHAPES[l][1] for l in _lane_l], np.float32)
_H_l = np.array([_SHAPES[l][0] for l in _lane_l], np.float32)
_lsi_np = np.cumsum([0] + [h * w for h, w in _SHAPES])[:-1]
_LSI_H = (_lsi_np[_lane_l] * NH + _lane_h).astype(np.int32)
_Sx = np.zeros((NL, 128), np.float32)
_Sx[_lane_l, _lane] = _W_l
_Sy = np.zeros((NL, 128), np.float32)
_Sy[_lane_l, _lane] = _H_l
_G = (_lane_h[:, None] == _lane_h[None, :]).astype(np.float32)
_Plo = np.zeros((D, 128), np.float32)
_Phi = np.zeros((D, 128), np.float32)
for _j in range(128):
    _Plo[(_j // 16) * HD + (_j % 16), _j] = 1.0
    _Phi[(_j // 16) * HD + 16 + (_j % 16), _j] = 1.0


def _stage1_body(q_ref, v_ref, wv_ref, bv_ref, wa_ref, ba_ref, wox_ref,
                 woy_ref, bx_ref, by_ref, sx_ref, sy_ref, wl_ref, hl_ref,
                 lsih_ref, g_ref, plo_ref, phi_ref, rpx_ref, rpy_ref,
                 val_ref, idx_ref, w_ref):
    b = pl.program_id(0)
    q = q_ref[0]
    v = v_ref[0]
    valf = jnp.dot(v, wv_ref[...], preferred_element_type=jnp.float32,
                   precision=lax.Precision.HIGHEST) + bv_ref[...]

    def bf16_bits(x):
        bits = lax.bitcast_convert_type(x, jnp.int32)
        rnd = bits + 0x7FFF + jnp.bitwise_and(
            lax.shift_right_logical(bits, 16), 1)
        return lax.shift_right_logical(rnd, 16)

    lo = jnp.dot(valf, plo_ref[...], preferred_element_type=jnp.float32,
                 precision=lax.Precision.HIGHEST)
    hi = jnp.dot(valf, phi_ref[...], preferred_element_type=jnp.float32,
                 precision=lax.Precision.HIGHEST)
    val_ref[0] = jnp.bitwise_or(bf16_bits(lo),
                                lax.shift_left(bf16_bits(hi), 16))
    logits = jnp.dot(q, wa_ref[...], preferred_element_type=jnp.float32, precision=lax.Precision.HIGHEST) + ba_ref[...]
    m = jnp.max(logits, axis=1, keepdims=True)
    e = jnp.exp(logits - m)
    den = jnp.dot(e, g_ref[...], preferred_element_type=jnp.float32, precision=lax.Precision.HIGHEST)
    att = e / den
    x = (jnp.dot(q, wox_ref[...], preferred_element_type=jnp.float32, precision=lax.Precision.HIGHEST)
         + jnp.dot(rpx_ref[0], sx_ref[...], preferred_element_type=jnp.float32, precision=lax.Precision.HIGHEST)
         + bx_ref[...])
    y = (jnp.dot(q, woy_ref[...], preferred_element_type=jnp.float32, precision=lax.Precision.HIGHEST)
         + jnp.dot(rpy_ref[0], sy_ref[...], preferred_element_type=jnp.float32, precision=lax.Precision.HIGHEST)
         + by_ref[...])
    wl = wl_ref[...]
    hl = hl_ref[...]
    x0 = jnp.floor(x)
    y0 = jnp.floor(y)
    fx1 = x - x0
    fx0 = 1.0 - fx1
    fy1 = y - y0
    fy0 = 1.0 - fy1
    base_b = b * (LQ * NH)
    lsih = lsih_ref[...]
    for t, (dx, dy) in enumerate(((0, 0), (1, 0), (0, 1), (1, 1))):
        xt = x0 + float(dx)
        yt = y0 + float(dy)
        valid = ((xt >= 0.0) & (xt <= wl - 1.0)
                 & (yt >= 0.0) & (yt <= hl - 1.0))
        xc = jnp.clip(xt, 0.0, wl - 1.0).astype(jnp.int32)
        yc = jnp.clip(yt, 0.0, hl - 1.0).astype(jnp.int32)
        spatial = yc * wl.astype(jnp.int32) + xc
        idx_ref[0, :, t * 128:(t + 1) * 128] = base_b + lsih + spatial * NH
        wt = (fx0 if dx == 0 else fx1) * (fy0 if dy == 0 else fy1)
        w_ref[0, :, t * 128:(t + 1) * 128] = att * wt * valid.astype(jnp.float32)


def _stage1(query, value, rpx, rpy, W_val, b_val, W_attn, b_attn,
            W_offx, W_offy, bx, by):
    consts = [
        jnp.asarray(_Sx), jnp.asarray(_Sy),
        jnp.asarray(_W_l).reshape(1, 128), jnp.asarray(_H_l).reshape(1, 128),
        jnp.asarray(_LSI_H).reshape(1, 128), jnp.asarray(_G),
        jnp.asarray(_Plo), jnp.asarray(_Phi),
    ]

    def whole(shape):
        return pl.BlockSpec(shape, lambda b, i: tuple(0 for _ in shape))

    return pl.pallas_call(
        _stage1_body,
        grid=(B, NBLK),
        in_specs=[
            pl.BlockSpec((1, BLK, D), lambda b, i: (b, i, 0)),
            pl.BlockSpec((1, BLK, D), lambda b, i: (b, i, 0)),
            whole((D, D)), whole((1, D)),
            whole((D, 128)), whole((1, 128)),
            whole((D, 128)), whole((D, 128)),
            whole((1, 128)), whole((1, 128)),
            whole((NL, 128)), whole((NL, 128)),
            whole((1, 128)), whole((1, 128)),
            whole((1, 128)), whole((128, 128)),
            whole((D, 128)), whole((D, 128)),
            pl.BlockSpec((1, BLK, NL), lambda b, i: (b, i, 0)),
            pl.BlockSpec((1, BLK, NL), lambda b, i: (b, i, 0)),
        ],
        out_specs=[
            pl.BlockSpec((1, BLK, 128), lambda b, i: (b, i, 0)),
            pl.BlockSpec((1, BLK, E), lambda b, i: (b, i, 0)),
            pl.BlockSpec((1, BLK, E), lambda b, i: (b, i, 0)),
        ],
        out_shape=[
            jax.ShapeDtypeStruct((B, LQ, 128), jnp.int32),
            jax.ShapeDtypeStruct((B, LQ, E), jnp.int32),
            jax.ShapeDtypeStruct((B, LQ, E), jnp.float32),
        ],
        compiler_params=pltpu.CompilerParams(
            dimension_semantics=("parallel", "parallel")),
    )(query, value, W_val, b_val, W_attn, b_attn, W_offx, W_offy, bx, by,
      *consts, rpx, rpy)


QC = 5
NQ = B * LQ
NGATH = E // 128


def _sc_body(tab_hbm, idx_hbm, w_hbm, out_hbm,
             idx_v, w_v, rows_v, out_v, gsem, osem):
    nc = 2
    wid = lax.axis_index("s") * nc + lax.axis_index("c")
    per_tile = NQ // 32
    iters = per_tile // QC
    qbase = wid * per_tile

    def fetch(q0, s):
        pltpu.sync_copy(idx_hbm.at[pl.ds(q0 * NGATH, QC * NGATH)], idx_v.at[s])
        pltpu.sync_copy(w_hbm.at[pl.ds(q0 * E, QC * E)], w_v.at[s])
        for j in range(QC * NGATH):
            pltpu.async_copy(
                tab_hbm.at[idx_v.at[s, j]],
                rows_v.at[s, pl.ds(j * 128, 128)], gsem)

    def drain(s):
        for j in range(QC * NGATH):
            pltpu.make_async_copy(
                tab_hbm.at[idx_v.at[s, j]],
                rows_v.at[s, pl.ds(j * 128, 128)], gsem).wait()

    def wait_out(s):
        pltpu.make_async_copy(
            out_v.at[s], out_hbm.at[pl.ds(0, QC * NH)], osem).wait()

    def compute(q0, s):
        @functools.partial(plsc.parallel_loop, 0, QC * NH, unroll=2)
        def qh_body(qh):
            rbase = (lax.shift_right_logical(qh, 3) * E
                     + jnp.bitwise_and(qh, 7) * 16)
            z = jnp.zeros((16,), jnp.float32)
            p0 = []
            p1 = []
            for t in range(NTAP):
                wvec = w_v[s, pl.ds(rbase + t * 128, 16)]
                u0, u1, v0, v1 = z, z, z, z
                for k in range(16):
                    wk = wvec[k]
                    r = rbase + t * 128 + k
                    row = rows_v[s, r, 0:16]
                    ev = lax.bitcast_convert_type(
                        lax.shift_left(row, 16), jnp.float32)
                    od = lax.bitcast_convert_type(row, jnp.float32)
                    if k & 1:
                        v0 = v0 + wk * ev
                        v1 = v1 + wk * od
                    else:
                        u0 = u0 + wk * ev
                        u1 = u1 + wk * od
                p0.append(u0 + v0)
                p1.append(u1 + v1)
            out_v[s, qh, 0:16] = (p0[0] + p0[1]) + (p0[2] + p0[3])
            out_v[s, qh, 16:32] = (p1[0] + p1[1]) + (p1[2] + p1[3])

        pltpu.async_copy(out_v.at[s], out_hbm.at[pl.ds(q0 * NH, QC * NH)], osem)

    npairs = iters // 2
    fetch(qbase, 0)

    def pair_body(p, carry):
        q0 = qbase + p * 2 * QC

        fetch(q0 + QC, 1)
        drain(0)

        @pl.when(p >= 1)
        def _():
            wait_out(0)

        compute(q0, 0)

        @pl.when(p + 1 < npairs)
        def _():
            fetch(q0 + 2 * QC, 0)

        drain(1)

        @pl.when(p >= 1)
        def _():
            wait_out(1)

        compute(q0 + QC, 1)
        return carry

    lax.fori_loop(0, npairs, pair_body, 0)
    wait_out(0)
    wait_out(1)


def _combine_sc(tab, idx4, w2):
    mesh = plsc.VectorSubcoreMesh(core_axis_name="c", subcore_axis_name="s")
    run = functools.partial(
        pl.kernel,
        mesh=mesh,
        out_type=jax.ShapeDtypeStruct((ROWS, HD), jnp.float32),
        name="msdeform_combine",
        scratch_types=[
            pltpu.VMEM((2, QC * NGATH, 128), jnp.int32),
            pltpu.VMEM((2, QC * E), jnp.float32),
            pltpu.VMEM((2, QC * E, HD // 2), jnp.int32),
            pltpu.VMEM((2, QC * NH, HD), jnp.float32),
            pltpu.SemaphoreType.DMA,
            pltpu.SemaphoreType.DMA,
        ],
        compiler_params=pltpu.CompilerParams(use_tc_tiling_on_sc=False),
    )(_sc_body)
    return run(tab, idx4, w2)


def _stage2_body(x_ref, w_ref, b_ref, o_ref):
    o_ref[0] = (jnp.dot(x_ref[0], w_ref[...], preferred_element_type=jnp.float32, precision=lax.Precision.HIGHEST)
                + b_ref[...])


def _stage2(x, W_out, b_out):
    return pl.pallas_call(
        _stage2_body,
        grid=(B, NBLK),
        in_specs=[
            pl.BlockSpec((1, BLK, D), lambda b, i: (b, i, 0)),
            pl.BlockSpec((D, D), lambda b, i: (0, 0)),
            pl.BlockSpec((1, D), lambda b, i: (0, 0)),
        ],
        out_specs=pl.BlockSpec((1, BLK, D), lambda b, i: (b, i, 0)),
        out_shape=jax.ShapeDtypeStruct((B, LQ, D), jnp.float32),
        compiler_params=pltpu.CompilerParams(
            dimension_semantics=("parallel", "parallel")),
    )(x, W_out, b_out)


_ATT_PERM = np.array([h * 16 + p * NL + l
                      for h in range(NH) for l in range(NL)
                      for p in range(NP)], np.int32)


def kernel(query, reference_points, value, spatial_shapes, level_start_index,
           W_off, b_off, W_attn, b_attn, W_val, b_val, W_out, b_out):
    W_attn = W_attn[:, _ATT_PERM]
    b_attn = b_attn[_ATT_PERM]
    rpx = reference_points[..., 0]
    rpy = reference_points[..., 1]
    W_offx = W_off[:, 0::2]
    W_offy = W_off[:, 1::2]
    bx = (b_off[0::2] - 0.5).reshape(1, 128)
    by = (b_off[1::2] - 0.5).reshape(1, 128)
    val, idxs, ws = _stage1(
        query, value, rpx, rpy, W_val, b_val.reshape(1, D),
        W_attn, b_attn.reshape(1, 128), W_offx, W_offy, bx, by)
    tab = val.reshape(ROWS, HD // 2)
    idx4 = idxs.reshape(NQ * NGATH, 128)
    w2 = ws.reshape(NQ * E)
    out1 = _combine_sc(tab, idx4, w2).reshape(B, LQ, D)
    return _stage2(out1, W_out, b_out.reshape(1, D))

# --- scband reference (transcript-rebuilt; emitter-appended) ---
"""Pipeline reference for scband-msdeform-attn-20169166422030 (READ-ONLY COPY).

The authoritative reference and input builder live on the scoring server;
editing this copy changes nothing except your own understanding.
"""

import jax, jax.numpy as jnp
import numpy as np

D = 256; NH = 8; NL = 4; NP = 4; HD = D // NH
SHAPES = [(128, 128), (64, 64), (32, 32), (16, 16)]
B = 2; LQ = sum(h * w for h, w in SHAPES)


def _bilinear(val, grid, H, W):
    # val: [BN, HD, H*W], grid: [BN, Q, P, 2] in [-1, 1] (x, y); align_corners=False, zero padding
    BN, Q, P = grid.shape[0], grid.shape[1], grid.shape[2]
    x = ((grid[..., 0] + 1.0) * W - 1.0) / 2.0
    y = ((grid[..., 1] + 1.0) * H - 1.0) / 2.0
    x0 = jnp.floor(x); y0 = jnp.floor(y)
    x1 = x0 + 1.0; y1 = y0 + 1.0
    wx1 = x - x0; wx0 = 1.0 - wx1
    wy1 = y - y0; wy0 = 1.0 - wy1

    def gather(xi, yi):
        valid = ((xi >= 0) & (xi <= W - 1) & (yi >= 0) & (yi <= H - 1)).astype(val.dtype)
        xc = jnp.clip(xi, 0, W - 1).astype(jnp.int32)
        yc = jnp.clip(yi, 0, H - 1).astype(jnp.int32)
        idx = (yc * W + xc).reshape(BN, Q * P)
        g = jnp.take_along_axis(val, idx[:, None, :], axis=2).reshape(BN, -1, Q, P)
        return g * valid[:, None, :, :]

    return (gather(x0, y0) * (wx0 * wy0)[:, None]
            + gather(x1, y0) * (wx1 * wy0)[:, None]
            + gather(x0, y1) * (wx0 * wy1)[:, None]
            + gather(x1, y1) * (wx1 * wy1)[:, None])


def _forward(query, reference_points, value, shapes, spatial_shapes, level_start_index, W_off, b_off, W_attn, b_attn, W_val, b_val, W_out, b_out):
    Bq, Lq, _ = query.shape
    val = (value @ W_val + b_val).reshape(Bq, -1, NH, HD)
    offsets = (query @ W_off + b_off).reshape(Bq, Lq, NH, NL, NP, 2)
    w = jax.nn.softmax((query @ W_attn + b_attn).reshape(Bq, Lq, NH, NL * NP), axis=-1).reshape(Bq, Lq, NH, NL, NP)
    offset_norm = jnp.flip(spatial_shapes, axis=1).astype(jnp.float32)
    locs = reference_points[:, :, None, :, None, :] + offsets / offset_norm[None, None, None, :, None, :]
    grids = 2.0 * locs - 1.0
    sampled = []
    for lid, (H, W) in enumerate(shapes):
        v = jax.lax.dynamic_slice_in_dim(val, level_start_index[lid], H * W, axis=1)
        v = v.transpose(0, 2, 3, 1).reshape(Bq * NH, HD, H * W)
        g = grids[:, :, :, lid].transpose(0, 2, 1, 3, 4).reshape(Bq * NH, Lq, NP, 2)
        sampled.append(_bilinear(v, g, H, W))
    samp = jnp.stack(sampled, axis=-1).reshape(Bq * NH, HD, Lq, NL * NP)
    wt = w.transpose(0, 2, 1, 3, 4).reshape(Bq * NH, 1, Lq, NL * NP)
    out = (samp * wt).sum(-1).reshape(Bq, NH * HD, Lq).transpose(0, 2, 1)
    return out @ W_out + b_out


def setup_inputs(seed: int = 0):
    key = jax.random.key(seed)
    ks = jax.random.split(key, 8)
    return {
        "query": jax.random.normal(ks[0], (B, LQ, D), dtype=jnp.float32),
        "reference_points": jax.random.uniform(ks[1], (B, LQ, NL, 2), dtype=jnp.float32),
        "value": jax.random.normal(ks[2], (B, LQ, D), dtype=jnp.float32),
        "spatial_shapes": jnp.array(SHAPES, dtype=jnp.int32),
        "level_start_index": jnp.array(np.cumsum([0] + [h * w for h, w in SHAPES])[:-1], dtype=jnp.int32),
        "W_off": jax.random.normal(ks[3], (D, NH * NL * NP * 2), dtype=jnp.float32) * 0.01,
        "b_off": jax.random.normal(ks[4], (NH * NL * NP * 2,), dtype=jnp.float32) * 0.5,
        "W_attn": jax.random.normal(ks[5], (D, NH * NL * NP), dtype=jnp.float32) * 0.02,
        "b_attn": jnp.zeros((NH * NL * NP,), dtype=jnp.float32),
        "W_val": jax.random.normal(ks[6], (D, D), dtype=jnp.float32) / np.sqrt(D),
        "b_val": jnp.zeros((D,), dtype=jnp.float32),
        "W_out": jax.random.normal(ks[7], (D, D), dtype=jnp.float32) / np.sqrt(D),
        "b_out": jnp.zeros((D,), dtype=jnp.float32),
    }


def reference(query, reference_points, value, spatial_shapes, level_start_index, W_off, b_off, W_attn, b_attn, W_val, b_val, W_out, b_out):
    shapes = [(int(h), int(w)) for h, w in SHAPES]
    return _forward(query, reference_points, value, shapes, spatial_shapes, level_start_index, W_off, b_off, W_attn, b_attn, W_val, b_val, W_out, b_out)

if __name__ == "__main__":
    import jax
    _d = setup_inputs()
    print(jax.jit(kernel)(*tuple(_d.values())))

</pallas_src>

<mosaic_0001>
#map = affine_map<(d0, d1) -> (0, 0)>
#map1 = affine_map<(d0, d1) -> (0)>
module attributes {stable_mosaic.version = 14 : i64} {
  func.func @msdeform_combine(%arg0: i32, %arg1: i32, %arg2: memref<348160x16xi32, #tpu.memory_space<hbm>>, %arg3: memref<174080x128xi32, #tpu.memory_space<hbm>>, %arg4: memref<22282240xf32, #tpu.memory_space<hbm>>, %arg5: memref<348160x32xf32, #tpu.memory_space<hbm>>, %arg6: memref<2x20x128xi32, #tpu.memory_space<vmem>>, %arg7: memref<2x2560xf32, #tpu.memory_space<vmem>>, %arg8: memref<2x2560x16xi32, #tpu.memory_space<vmem>>, %arg9: memref<2x40x32xf32, #tpu.memory_space<vmem>>, %arg10: memref<!tpu.dma_semaphore, #tpu.memory_space<semaphore_mem>>, %arg11: memref<!tpu.dma_semaphore, #tpu.memory_space<semaphore_mem>>) attributes {dimension_semantics = [#tpu.dimension_semantics<core_parallel>, #tpu.dimension_semantics<subcore_parallel>], iteration_bounds = array<i64: 2, 16>, scalar_prefetch = 0 : i64, scratch_operands = 6 : i64, tpu.core_type = #tpu.core_type<sc_vector_subcore>, window_params = [{transform_indices = #map}, {transform_indices = #map}, {transform_indices = #map1}, {transform_indices = #map}]} {
    %mul3A = arith.constant 2 : i32
    %mul3A_0 = arith.muli %arg1, %mul3A : i32
    %add3A = arith.addi %mul3A_0, %arg0 : i32
    %mul3A_1 = arith.constant 1360 : i32
    %mul3A_2 = arith.muli %add3A, %mul3A_1 : i32
    %mul3A_3 = arith.constant 4 : i32
    %mul3A_4 = arith.muli %mul3A_2, %mul3A_3 : i32
    %run_scoped3A = arith.constant 0 : i32
    "tpu.region"() ({
      %run_scoped3A_301 = tpu.sem_alloc : memref<!tpu.dma_semaphore, #tpu.memory_space<semaphore_mem>>
      %dma_start3A_302 = arith.constant 0 : i32
      %dma_start3A_303 = arith.constant 0 : i32
      %dma_start3A_304 = tpu.memref_slice %arg6[%run_scoped3A, %dma_start3A_302, %dma_start3A_303] : memref<2x20x128xi32, #tpu.memory_space<vmem>> -> memref<1x20x128xi32, #tpu.memory_space<vmem>>
      %dma_start3A_305 = tpu.memref_squeeze %dma_start3A_304 : memref<1x20x128xi32, #tpu.memory_space<vmem>> -> memref<20x128xi32, #tpu.memory_space<vmem>>
      %dma_start3A_306 = arith.constant 0 : i32
      %dma_start3A_307 = tpu.memref_slice %arg3[%mul3A_4, %dma_start3A_306] : memref<174080x128xi32, #tpu.memory_space<hbm>> -> memref<20x128xi32, #tpu.memory_space<hbm>>
      %dma_start3A_308 = arith.constant 0 : i32
      %dma_start3A_309 = arith.constant 0 : i32
      %dma_start3A_310 = tpu.memref_slice %arg6[%run_scoped3A, %dma_start3A_308, %dma_start3A_309] : memref<2x20x128xi32, #tpu.memory_space<vmem>> -> memref<1x20x128xi32, #tpu.memory_space<vmem>>
      %dma_start3A_311 = tpu.memref_squeeze %dma_start3A_310 : memref<1x20x128xi32, #tpu.memory_space<vmem>> -> memref<20x128xi32, #tpu.memory_space<vmem>>
      %dma_start3A_312 = arith.constant 0 : i32
      %dma_start3A_313 = tpu.memref_slice %arg3[%mul3A_4, %dma_start3A_312] : memref<174080x128xi32, #tpu.memory_space<hbm>> -> memref<20x128xi32, #tpu.memory_space<hbm>>
      tpu.enqueue_dma source(%dma_start3A_313 : memref<20x128xi32, #tpu.memory_space<hbm>>) target(%dma_start3A_311 : memref<20x128xi32, #tpu.memory_space<vmem>>) target_semaphore(%run_scoped3A_301 : memref<!tpu.dma_semaphore, #tpu.memory_space<semaphore_mem>>)
      %dma_wait3A_314 = arith.constant 0 : i32
      %dma_wait3A_315 = arith.constant 0 : i32
      %dma_wait3A_316 = tpu.memref_slice %arg6[%run_scoped3A, %dma_wait3A_314, %dma_wait3A_315] : memref<2x20x128xi32, #tpu.memory_space<vmem>> -> memref<1x20x128xi32, #tpu.memory_space<vmem>>
      %dma_wait3A_317 = tpu.memref_squeeze %dma_wait3A_316 : memref<1x20x128xi32, #tpu.memory_space<vmem>> -> memref<20x128xi32, #tpu.memory_space<vmem>>
      %dma_wait3A_318 = arith.constant 0 : i32
      %dma_wait3A_319 = tpu.memref_slice %arg3[%mul3A_4, %dma_wait3A_318] : memref<174080x128xi32, #tpu.memory_space<hbm>> -> memref<20x128xi32, #tpu.memory_space<hbm>>
      %dma_wait3A_320 = arith.constant 0 : i32
      %dma_wait3A_321 = arith.constant 0 : i32
      %dma_wait3A_322 = tpu.memref_slice %arg6[%run_scoped3A, %dma_wait3A_320, %dma_wait3A_321] : memref<2x20x128xi32, #tpu.memory_space<vmem>> -> memref<1x20x128xi32, #tpu.memory_space<vmem>>
      %dma_wait3A_323 = tpu.memref_squeeze %dma_wait3A_322 : memref<1x20x128xi32, #tpu.memory_space<vmem>> -> memref<20x128xi32, #tpu.memory_space<vmem>>
      %dma_wait3A_324 = arith.constant 0 : i32
      %dma_wait3A_325 = tpu.memref_slice %arg3[%mul3A_4, %dma_wait3A_324] : memref<174080x128xi32, #tpu.memory_space<hbm>> -> memref<20x128xi32, #tpu.memory_space<hbm>>
      tpu.wait_dma2 semaphore(%run_scoped3A_301 : memref<!tpu.dma_semaphore, #tpu.memory_space<semaphore_mem>>) src(%dma_wait3A_325 : memref<20x128xi32, #tpu.memory_space<hbm>>) dst(%dma_wait3A_323 : memref<20x128xi32, #tpu.memory_space<vmem>>)
      tpu.yield
    }) : () -> ()
    %mul3A_5 = arith.constant 512 : i32
    %mul3A_6 = arith.muli %mul3A_2, %mul3A_5 : i32
    %run_scoped3A_7 = arith.constant 0 : i32
    "tpu.region"() ({
      %run_scoped3A_301 = tpu.sem_alloc : memref<!tpu.dma_semaphore, #tpu.memory_space<semaphore_mem>>
      %dma_start3A_302 = arith.constant 0 : i32
      %dma_start3A_303 = tpu.memref_slice %arg7[%run_scoped3A_7, %dma_start3A_302] : memref<2x2560xf32, #tpu.memory_space<vmem>> -> memref<1x2560xf32, #tpu.memory_space<vmem>>
      %dma_start3A_304 = tpu.memref_squeeze %dma_start3A_303 : memref<1x2560xf32, #tpu.memory_space<vmem>> -> memref<2560xf32, #tpu.memory_space<vmem>>
      %dma_start3A_305 = tpu.memref_slice %arg4[%mul3A_6] : memref<22282240xf32, #tpu.memory_space<hbm>> -> memref<2560xf32, #tpu.memory_space<hbm>>
      %dma_start3A_306 = arith.constant 0 : i32
      %dma_start3A_307 = tpu.memref_slice %arg7[%run_scoped3A_7, %dma_start3A_306] : memref<2x2560xf32, #tpu.memory_space<vmem>> -> memref<1x2560xf32, #tpu.memory_space<vmem>>
      %dma_start3A_308 = tpu.memref_squeeze %dma_start3A_307 : memref<1x2560xf32, #tpu.memory_space<vmem>> -> memref<2560xf32, #tpu.memory_space<vmem>>
      %dma_start3A_309 = tpu.memref_slice %arg4[%mul3A_6] : memref<22282240xf32, #tpu.memory_space<hbm>> -> memref<2560xf32, #tpu.memory_space<hbm>>
      tpu.enqueue_dma source(%dma_start3A_309 : memref<2560xf32, #tpu.memory_space<hbm>>) target(%dma_start3A_308 : memref<2560xf32, #tpu.memory_space<vmem>>) target_semaphore(%run_scoped3A_301 : memref<!tpu.dma_semaphore, #tpu.memory_space<semaphore_mem>>)
      %dma_wait3A_310 = arith.constant 0 : i32
      %dma_wait3A_311 = tpu.memref_slice %arg7[%run_scoped3A_7, %dma_wait3A_310] : memref<2x2560xf32, #tpu.memory_space<vmem>> -> memref<1x2560xf32, #tpu.memory_space<vmem>>
      %dma_wait3A_312 = tpu.memref_squeeze %dma_wait3A_311 : memref<1x2560xf32, #tpu.memory_space<vmem>> -> memref<2560xf32, #tpu.memory_space<vmem>>
      %dma_wait3A_313 = tpu.memref_slice %arg4[%mul3A_6] : memref<22282240xf32, #tpu.memory_space<hbm>> -> memref<2560xf32, #tpu.memory_space<hbm>>
      %dma_wait3A_314 = arith.constant 0 : i32
      %dma_wait3A_315 = tpu.memref_slice %arg7[%run_scoped3A_7, %dma_wait3A_314] : memref<2x2560xf32, #tpu.memory_space<vmem>> -> memref<1x2560xf32, #tpu.memory_space<vmem>>
      %dma_wait3A_316 = tpu.memref_squeeze %dma_wait3A_315 : memref<1x2560xf32, #tpu.memory_space<vmem>> -> memref<2560xf32, #tpu.memory_space<vmem>>
      %dma_wait3A_317 = tpu.memref_slice %arg4[%mul3A_6] : memref<22282240xf32, #tpu.memory_space<hbm>> -> memref<2560xf32, #tpu.memory_space<hbm>>
      tpu.wait_dma2 semaphore(%run_scoped3A_301 : memref<!tpu.dma_semaphore, #tpu.memory_space<semaphore_mem>>) src(%dma_wait3A_317 : memref<2560xf32, #tpu.memory_space<hbm>>) dst(%dma_wait3A_316 : memref<2560xf32, #tpu.memory_space<vmem>>)
      tpu.yield
    }) : () -> ()
    %dma_start3A = arith.constant 0 : i32
    %dma_start3A_8 = arith.constant 0 : i32
    %dma_start3A_9 = arith.constant 0 : i32
    %dma_start3A_10 = arith.constant 0 : i32
    %dma_start3A_11 = arith.constant 0 : i32
    %dma_start3A_12 = tpu.memref_slice %arg8[%dma_start3A_9, %dma_start3A_10, %dma_start3A_11] : memref<2x2560x16xi32, #tpu.memory_space<vmem>> -> memref<1x128x16xi32, #tpu.memory_space<vmem>>
    %dma_start3A_13 = tpu.memref_squeeze %dma_start3A_12 : memref<1x128x16xi32, #tpu.memory_space<vmem>> -> memref<128x16xi32, #tpu.memory_space<vmem>>
    %dma_start3A_14 = arith.constant 0 : i32
    %dma_start3A_15 = tpu.memref_slice %arg6[%dma_start3A, %dma_start3A_8, %dma_start3A_14] : memref<2x20x128xi32, #tpu.memory_space<vmem>> -> memref<1x1x128xi32, #tpu.memory_space<vmem>>
    %dma_start3A_16 = tpu.memref_squeeze %dma_start3A_15 : memref<1x1x128xi32, #tpu.memory_space<vmem>> -> memref<128xi32, #tpu.memory_space<vmem>>
    %dma_start3A_17 = arith.constant 0 : i32
    %dma_start3A_18 = arith.constant 0 : i32
    %dma_start3A_19 = tpu.memref_slice %arg2[%dma_start3A_17, %dma_start3A_18] : memref<348160x16xi32, #tpu.memory_space<hbm>> -> memref<348160x16xi32, #tpu.memory_space<hbm>>
    tpu.enqueue_indirect_dma source(%dma_start3A_19 : memref<348160x16xi32, #tpu.memory_space<hbm>>) target(%dma_start3A_13 : memref<128x16xi32, #tpu.memory_space<vmem>>) offsets(%dma_start3A_16 : memref<128xi32, #tpu.memory_space<vmem>>) semaphore(%arg10 : memref<!tpu.dma_semaphore, #tpu.memory_space<semaphore_mem>>)
    %dma_start3A_20 = arith.constant 0 : i32
    %dma_start3A_21 = arith.constant 1 : i32
    %dma_start3A_22 = arith.constant 0 : i32
    %dma_start3A_23 = arith.constant 128 : i32
    %dma_start3A_24 = arith.constant 0 : i32
    %dma_start3A_25 = tpu.memref_slice %arg8[%dma_start3A_22, %dma_start3A_23, %dma_start3A_24] : memref<2x2560x16xi32, #tpu.memory_space<vmem>> -> memref<1x128x16xi32, #tpu.memory_space<vmem>>
    %dma_start3A_26 = tpu.memref_squeeze %dma_start3A_25 : memref<1x128x16xi32, #tpu.memory_space<vmem>> -> memref<128x16xi32, #tpu.memory_space<vmem>>
    %dma_start3A_27 = arith.constant 0 : i32
    %dma_start3A_28 = tpu.memref_slice %arg6[%dma_start3A_20, %dma_start3A_21, %dma_start3A_27] : memref<2x20x128xi32, #tpu.memory_space<vmem>> -> memref<1x1x128xi32, #tpu.memory_space<vmem>>
    %dma_start3A_29 = tpu.memref_squeeze %dma_start3A_28 : memref<1x1x128xi32, #tpu.memory_space<vmem>> -> memref<128xi32, #tpu.memory_space<vmem>>
    %dma_start3A_30 = arith.constant 0 : i32
    %dma_start3A_31 = arith.constant 0 : i32
    %dma_start3A_32 = tpu.memref_slice %arg2[%dma_start3A_30, %dma_start3A_31] : memref<348160x16xi32, #tpu.memory_space<hbm>> -> memref<348160x16xi32, #tpu.memory_space<hbm>>
    tpu.enqueue_indirect_dma source(%dma_start3A_32 : memref<348160x16xi32, #tpu.memory_space<hbm>>) target(%dma_start3A_26 : memref<128x16xi32, #tpu.memory_space<vmem>>) offsets(%dma_start3A_29 : memref<128xi32, #tpu.memory_space<vmem>>) semaphore(%arg10 : memref<!tpu.dma_semaphore, #tpu.memory_space<semaphore_mem>>)
    %dma_start3A_33 = arith.constant 0 : i32
    %dma_start3A_34 = arith.constant 2 : i32
    %dma_start3A_35 = arith.constant 0 : i32
    %dma_start3A_36 = arith.constant 256 : i32
    %dma_start3A_37 = arith.constant 0 : i32
    %dma_start3A_38 = tpu.memref_slice %arg8[%dma_start3A_35, %dma_start3A_36, %dma_start3A_37] : memref<2x2560x16xi32, #tpu.memory_space<vmem>> -> memref<1x128x16xi32, #tpu.memory_space<vmem>>
    %dma_start3A_39 = tpu.memref_squeeze %dma_start3A_38 : memref<1x128x16xi32, #tpu.memory_space<vmem>> -> memref<128x16xi32, #tpu.memory_space<vmem>>
    %dma_start3A_40 = arith.constant 0 : i32
    %dma_start3A_41 = tpu.memref_slice %arg6[%dma_start3A_33, %dma_start3A_34, %dma_start3A_40] : memref<2x20x128xi32, #tpu.memory_space<vmem>> -> memref<1x1x128xi32, #tpu.memory_space<vmem>>
    %dma_start3A_42 = tpu.memref_squeeze %dma_start3A_41 : memref<1x1x128xi32, #tpu.memory_space<vmem>> -> memref<128xi32, #tpu.memory_space<vmem>>
    %dma_start3A_43 = arith.constant 0 : i32
    %dma_start3A_44 = arith.constant 0 : i32
    %dma_start3A_45 = tpu.memref_slice %arg2[%dma_start3A_43, %dma_start3A_44] : memref<348160x16xi32, #tpu.memory_space<hbm>> -> memref<348160x16xi32, #tpu.memory_space<hbm>>
    tpu.enqueue_indirect_dma source(%dma_start3A_45 : memref<348160x16xi32, #tpu.memory_space<hbm>>) target(%dma_start3A_39 : memref<128x16xi32, #tpu.memory_space<vmem>>) offsets(%dma_start3A_42 : memref<128xi32, #tpu.memory_space<vmem>>) semaphore(%arg10 : memref<!tpu.dma_semaphore, #tpu.memory_space<semaphore_mem>>)
    %dma_start3A_46 = arith.constant 0 : i32
    %dma_start3A_47 = arith.constant 3 : i32
    %dma_start3A_48 = arith.constant 0 : i32
    %dma_start3A_49 = arith.constant 384 : i32
    %dma_start3A_50 = arith.constant 0 : i32
    %dma_start3A_51 = tpu.memref_slice %arg8[%dma_start3A_48, %dma_start3A_49, %dma_start3A_50] : memref<2x2560x16xi32, #tpu.memory_space<vmem>> -> memref<1x128x16xi32, #tpu.memory_space<vmem>>
    %dma_start3A_52 = tpu.memref_squeeze %dma_start3A_51 : memref<1x128x16xi32, #tpu.memory_space<vmem>> -> memref<128x16xi32, #tpu.memory_space<vmem>>
    %dma_start3A_53 = arith.constant 0 : i32
    %dma_start3A_54 = tpu.memref_slice %arg6[%dma_start3A_46, %dma_start3A_47, %dma_start3A_53] : memref<2x20x128xi32, #tpu.memory_space<vmem>> -> memref<1x1x128xi32, #tpu.memory_space<vmem>>
    %dma_start3A_55 = tpu.memref_squeeze %dma_start3A_54 : memref<1x1x128xi32, #tpu.memory_space<vmem>> -> memref<128xi32, #tpu.memory_space<vmem>>
    %dma_start3A_56 = arith.constant 0 : i32
    %dma_start3A_57 = arith.constant 0 : i32
    %dma_start3A_58 = tpu.memref_slice %arg2[%dma_start3A_56, %dma_start3A_57] : memref<348160x16xi32, #tpu.memory_space<hbm>> -> memref<348160x16xi32, #tpu.memory_space<hbm>>
    tpu.enqueue_indirect_dma source(%dma_start3A_58 : memref<348160x16xi32, #tpu.memory_space<hbm>>) target(%dma_start3A_52 : memref<128x16xi32, #tpu.memory_space<vmem>>) offsets(%dma_start3A_55 : memref<128xi32, #tpu.memory_space<vmem>>) semaphore(%arg10 : memref<!tpu.dma_semaphore, #tpu.memory_space<semaphore_mem>>)
    %dma_start3A_59 = arith.constant 0 : i32
    %dma_start3A_60 = arith.constant 4 : i32
    %dma_start3A_61 = arith.constant 0 : i32
    %dma_start3A_62 = arith.constant 512 : i32
    %dma_start3A_63 = arith.constant 0 : i32
    %dma_start3A_64 = tpu.memref_slice %arg8[%dma_start3A_61, %dma_start3A_62, %dma_start3A_63] : memref<2x2560x16xi32, #tpu.memory_space<vmem>> -> memref<1x128x16xi32, #tpu.memory_space<vmem>>
    %dma_start3A_65 = tpu.memref_squeeze %dma_start3A_64 : memref<1x128x16xi32, #tpu.memory_space<vmem>> -> memref<128x16xi32, #tpu.memory_space<vmem>>
    %dma_start3A_66 = arith.constant 0 : i32
    %dma_start3A_67 = tpu.memref_slice %arg6[%dma_start3A_59, %dma_start3A_60, %dma_start3A_66] : memref<2x20x128xi32, #tpu.memory_space<vmem>> -> memref<1x1x128xi32, #tpu.memory_space<vmem>>
    %dma_start3A_68 = tpu.memref_squeeze %dma_start3A_67 : memref<1x1x128xi32, #tpu.memory_space<vmem>> -> memref<128xi32, #tpu.memory_space<vmem>>
    %dma_start3A_69 = arith.constant 0 : i32
    %dma_start3A_70 = arith.constant 0 : i32
    %dma_start3A_71 = tpu.memref_slice %arg2[%dma_start3A_69, %dma_start3A_70] : memref<348160x16xi32, #tpu.memory_space<hbm>> -> memref<348160x16xi32, #tpu.memory_space<hbm>>
    tpu.enqueue_indirect_dma source(%dma_start3A_71 : memref<348160x16xi32, #tpu.memory_space<hbm>>) target(%dma_start3A_65 : memref<128x16xi32, #tpu.memory_space<vmem>>) offsets(%dma_start3A_68 : memref<128xi32, #tpu.memory_space<vmem>>) semaphore(%arg10 : memref<!tpu.dma_semaphore, #tpu.memory_space<semaphore_mem>>)
    %dma_start3A_72 = arith.constant 0 : i32
    %dma_start3A_73 = arith.constant 5 : i32
    %dma_start3A_74 = arith.constant 0 : i32
    %dma_start3A_75 = arith.constant 640 : i32
    %dma_start3A_76 = arith.constant 0 : i32
    %dma_start3A_77 = tpu.memref_slice %arg8[%dma_start3A_74, %dma_start3A_75, %dma_start3A_76] : memref<2x2560x16xi32, #tpu.memory_space<vmem>> -> memref<1x128x16xi32, #tpu.memory_space<vmem>>
    %dma_start3A_78 = tpu.memref_squeeze %dma_start3A_77 : memref<1x128x16xi32, #tpu.memory_space<vmem>> -> memref<128x16xi32, #tpu.memory_space<vmem>>
    %dma_start3A_79 = arith.constant 0 : i32
    %dma_start3A_80 = tpu.memref_slice %arg6[%dma_start3A_72, %dma_start3A_73, %dma_start3A_79] : memref<2x20x128xi32, #tpu.memory_space<vmem>> -> memref<1x1x128xi32, #tpu.memory_space<vmem>>
    %dma_start3A_81 = tpu.memref_squeeze %dma_start3A_80 : memref<1x1x128xi32, #tpu.memory_space<vmem>> -> memref<128xi32, #tpu.memory_space<vmem>>
    %dma_start3A_82 = arith.constant 0 : i32
    %dma_start3A_83 = arith.constant 0 : i32
    %dma_start3A_84 = tpu.memref_slice %arg2[%dma_start3A_82, %dma_start3A_83] : memref<348160x16xi32, #tpu.memory_space<hbm>> -> memref<348160x16xi32, #tpu.memory_space<hbm>>
    tpu.enqueue_indirect_dma source(%dma_start3A_84 : memref<348160x16xi32, #tpu.memory_space<hbm>>) target(%dma_start3A_78 : memref<128x16xi32, #tpu.memory_space<vmem>>) offsets(%dma_start3A_81 : memref<128xi32, #tpu.memory_space<vmem>>) semaphore(%arg10 : memref<!tpu.dma_semaphore, #tpu.memory_space<semaphore_mem>>)
    %dma_start3A_85 = arith.constant 0 : i32
    %dma_start3A_86 = arith.constant 6 : i32
    %dma_start3A_87 = arith.constant 0 : i32
    %dma_start3A_88 = arith.constant 768 : i32
    %dma_start3A_89 = arith.constant 0 : i32
    %dma_start3A_90 = tpu.memref_slice %arg8[%dma_start3A_87, %dma_start3A_88, %dma_start3A_89] : memref<2x2560x16xi32, #tpu.memory_space<vmem>> -> memref<1x128x16xi32, #tpu.memory_space<vmem>>
    %dma_start3A_91 = tpu.memref_squeeze %dma_start3A_90 : memref<1x128x16xi32, #tpu.memory_space<vmem>> -> memref<128x16xi32, #tpu.memory_space<vmem>>
    %dma_start3A_92 = arith.constant 0 : i32
    %dma_start3A_93 = tpu.memref_slice %arg6[%dma_start3A_85, %dma_start3A_86, %dma_start3A_92] : memref<2x20x128xi32, #tpu.memory_space<vmem>> -> memref<1x1x128xi32, #tpu.memory_space<vmem>>
    %dma_start3A_94 = tpu.memref_squeeze %dma_start3A_93 : memref<1x1x128xi32, #tpu.memory_space<vmem>> -> memref<128xi32, #tpu.memory_space<vmem>>
    %dma_start3A_95 = arith.constant 0 : i32
    %dma_start3A_96 = arith.constant 0 : i32
    %dma_start3A_97 = tpu.memref_slice %arg2[%dma_start3A_95, %dma_start3A_96] : memref<348160x16xi32, #tpu.memory_space<hbm>> -> memref<348160x16xi32, #tpu.memory_space<hbm>>
    tpu.enqueue_indirect_dma source(%dma_start3A_97 : memref<348160x16xi32, #tpu.memory_space<hbm>>) target(%dma_start3A_91 : memref<128x16xi32, #tpu.memory_space<vmem>>) offsets(%dma_start3A_94 : memref<128xi32, #tpu.memory_space<vmem>>) semaphore(%arg10 : memref<!tpu.dma_semaphore, #tpu.memory_space<semaphore_mem>>)
    %dma_start3A_98 = arith.constant 0 : i32
    %dma_start3A_99 = arith.constant 7 : i32
    %dma_start3A_100 = arith.constant 0 : i32
    %dma_start3A_101 = arith.constant 896 : i32
    %dma_start3A_102 = arith.constant 0 : i32
    %dma_start3A_103 = tpu.memref_slice %arg8[%dma_start3A_100, %dma_start3A_101, %dma_start3A_102] : memref<2x2560x16xi32, #tpu.memory_space<vmem>> -> memref<1x128x16xi32, #tpu.memory_space<vmem>>
    %dma_start3A_104 = tpu.memref_squeeze %dma_start3A_103 : memref<1x128x16xi32, #tpu.memory_space<vmem>> -> memref<128x16xi32, #tpu.memory_space<vmem>>
    %dma_start3A_105 = arith.constant 0 : i32
    %dma_start3A_106 = tpu.memref_slice %arg6[%dma_start3A_98, %dma_start3A_99, %dma_start3A_105] : memref<2x20x128xi32, #tpu.memory_space<vmem>> -> memref<1x1x128xi32, #tpu.memory_space<vmem>>
    %dma_start3A_107 = tpu.memref_squeeze %dma_start3A_106 : memref<1x1x128xi32, #tpu.memory_space<vmem>> -> memref<128xi32, #tpu.memory_space<vmem>>
    %dma_start3A_108 = arith.constant 0 : i32
    %dma_start3A_109 = arith.constant 0 : i32
    %dma_start3A_110 = tpu.memref_slice %arg2[%dma_start3A_108, %dma_start3A_109] : memref<348160x16xi32, #tpu.memory_space<hbm>> -> memref<348160x16xi32, #tpu.memory_space<hbm>>
    tpu.enqueue_indirect_dma source(%dma_start3A_110 : memref<348160x16xi32, #tpu.memory_space<hbm>>) target(%dma_start3A_104 : memref<128x16xi32, #tpu.memory_space<vmem>>) offsets(%dma_start3A_107 : memref<128xi32, #tpu.memory_space<vmem>>) semaphore(%arg10 : memref<!tpu.dma_semaphore, #tpu.memory_space<semaphore_mem>>)
    %dma_start3A_111 = arith.constant 0 : i32
    %dma_start3A_112 = arith.constant 8 : i32
    %dma_start3A_113 = arith.constant 0 : i32
    %dma_start3A_114 = arith.constant 1024 : i32
    %dma_start3A_115 = arith.constant 0 : i32
    %dma_start3A_116 = tpu.memref_slice %arg8[%dma_start3A_113, %dma_start3A_114, %dma_start3A_115] : memref<2x2560x16xi32, #tpu.memory_space<vmem>> -> memref<1x128x16xi32, #tpu.memory_space<vmem>>
    %dma_start3A_117 = tpu.memref_squeeze %dma_start3A_116 : memref<1x128x16xi32, #tpu.memory_space<vmem>> -> memref<128x16xi32, #tpu.memory_space<vmem>>
    %dma_start3A_118 = arith.constant 0 : i32
    %dma_start3A_119 = tpu.memref_slice %arg6[%dma_start3A_111, %dma_start3A_112, %dma_start3A_118] : memref<2x20x128xi32, #tpu.memory_space<vmem>> -> memref<1x1x128xi32, #tpu.memory_space<vmem>>
    %dma_start3A_120 = tpu.memref_squeeze %dma_start3A_119 : memref<1x1x128xi32, #tpu.memory_space<vmem>> -> memref<128xi32, #tpu.memory_space<vmem>>
    %dma_start3A_121 = arith.constant 0 : i32
    %dma_start3A_122 = arith.constant 0 : i32
    %dma_start3A_123 = tpu.memref_slice %arg2[%dma_start3A_121, %dma_start3A_122] : memref<348160x16xi32, #tpu.memory_space<hbm>> -> memref<348160x16xi32, #tpu.memory_space<hbm>>
    tpu.enqueue_indirect_dma source(%dma_start3A_123 : memref<348160x16xi32, #tpu.memory_space<hbm>>) target(%dma_start3A_117 : memref<128x16xi32, #tpu.memory_space<vmem>>) offsets(%dma_start3A_120 : memref<128xi32, #tpu.memory_space<vmem>>) semaphore(%arg10 : memref<!tpu.dma_semaphore, #tpu.memory_space<semaphore_mem>>)
    %dma_start3A_124 = arith.constant 0 : i32
    %dma_start3A_125 = arith.constant 9 : i32
    %dma_start3A_126 = arith.constant 0 : i32
    %dma_start3A_127 = arith.constant 1152 : i32
    %dma_start3A_128 = arith.constant 0 : i32
    %dma_start3A_129 = tpu.memref_slice %arg8[%dma_start3A_126, %dma_start3A_127, %dma_start3A_128] : memref<2x2560x16xi32, #tpu.memory_space<vmem>> -> memref<1x128x16xi32, #tpu.memory_space<vmem>>
    %dma_start3A_130 = tpu.memref_squeeze %dma_start3A_129 : memref<1x128x16xi32, #tpu.memory_space<vmem>> -> memref<128x16xi32, #tpu.memory_space<vmem>>
    %dma_start3A_131 = arith.constant 0 : i32
    %dma_start3A_132 = tpu.memref_slice %arg6[%dma_start3A_124, %dma_start3A_125, %dma_start3A_131] : memref<2x20x128xi32, #tpu.memory_space<vmem>> -> memref<1x1x128xi32, #tpu.memory_space<vmem>>
    %dma_start3A_133 = tpu.memref_squeeze %dma_start3A_132 : memref<1x1x128xi32, #tpu.memory_space<vmem>> -> memref<128xi32, #tpu.memory_space<vmem>>
    %dma_start3A_134 = arith.constant 0 : i32
    %dma_start3A_135 = arith.constant 0 : i32
    %dma_start3A_136 = tpu.memref_slice %arg2[%dma_start3A_134, %dma_start3A_135] : memref<348160x16xi32, #tpu.memory_space<hbm>> -> memref<348160x16xi32, #tpu.memory_space<hbm>>
    tpu.enqueue_indirect_dma source(%dma_start3A_136 : memref<348160x16xi32, #tpu.memory_space<hbm>>) target(%dma_start3A_130 : memref<128x16xi32, #tpu.memory_space<vmem>>) offsets(%dma_start3A_133 : memref<128xi32, #tpu.memory_space<vmem>>) semaphore(%arg10 : memref<!tpu.dma_semaphore, #tpu.memory_space<semaphore_mem>>)
    %dma_start3A_137 = arith.constant 0 : i32
    %dma_start3A_138 = arith.constant 10 : i32
    %dma_start3A_139 = arith.constant 0 : i32
    %dma_start3A_140 = arith.constant 1280 : i32
    %dma_start3A_141 = arith.constant 0 : i32
    %dma_start3A_142 = tpu.memref_slice %arg8[%dma_start3A_139, %dma_start3A_140, %dma_start3A_141] : memref<2x2560x16xi32, #tpu.memory_space<vmem>> -> memref<1x128x16xi32, #tpu.memory_space<vmem>>
    %dma_start3A_143 = tpu.memref_squeeze %dma_start3A_142 : memref<1x128x16xi32, #tpu.memory_space<vmem>> -> memref<128x16xi32, #tpu.memory_space<vmem>>
    %dma_start3A_144 = arith.constant 0 : i32
    %dma_start3A_145 = tpu.memref_slice %arg6[%dma_start3A_137, %dma_start3A_138, %dma_start3A_144] : memref<2x20x128xi32, #tpu.memory_space<vmem>> -> memref<1x1x128xi32, #tpu.memory_space<vmem>>
    %dma_start3A_146 = tpu.memref_squeeze %dma_start3A_145 : memref<1x1x128xi32, #tpu.memory_space<vmem>> -> memref<128xi32, #tpu.memory_space<vmem>>
    %dma_start3A_147 = arith.constant 0 : i32
    %dma_start3A_148 = arith.constant 0 : i32
    %dma_start3A_149 = tpu.memref_slice %arg2[%dma_start3A_147, %dma_start3A_148] : memref<348160x16xi32, #tpu.memory_space<hbm>> -> memref<348160x16xi32, #tpu.memory_space<hbm>>
    tpu.enqueue_indirect_dma source(%dma_start3A_149 : memref<348160x16xi32, #tpu.memory_space<hbm>>) target(%dma_start3A_143 : memref<128x16xi32, #tpu.memory_space<vmem>>) offsets(%dma_start3A_146 : memref<128xi32, #tpu.memory_space<vmem>>) semaphore(%arg10 : memref<!tpu.dma_semaphore, #tpu.memory_space<semaphore_mem>>)
    %dma_start3A_150 = arith.constant 0 : i32
    %dma_start3A_151 = arith.constant 11 : i32
    %dma_start3A_152 = arith.constant 0 : i32
    %dma_start3A_153 = arith.constant 1408 : i32
    %dma_start3A_154 = arith.constant 0 : i32
    %dma_start3A_155 = tpu.memref_slice %arg8[%dma_start3A_152, %dma_start3A_153, %dma_start3A_154] : memref<2x2560x16xi32, #tpu.memory_space<vmem>> -> memref<1x128x16xi32, #tpu.memory_space<vmem>>
    %dma_start3A_156 = tpu.memref_squeeze %dma_start3A_155 : memref<1x128x16xi32, #tpu.memory_space<vmem>> -> memref<128x16xi32, #tpu.memory_space<vmem>>
    %dma_start3A_157 = arith.constant 0 : i32
    %dma_start3A_158 = tpu.memref_slice %arg6[%dma_start3A_150, %dma_start3A_151, %dma_start3A_157] : memref<2x20x128xi32, #tpu.memory_space<vmem>> -> memref<1x1x128xi32, #tpu.memory_space<vmem>>
    %dma_start3A_159 = tpu.memref_squeeze %dma_start3A_158 : memref<1x1x128xi32, #tpu.memory_space<vmem>> -> memref<128xi32, #tpu.memory_space<vmem>>
    %dma_start3A_160 = arith.constant 0 : i32
    %dma_start3A_161 = arith.constant 0 : i32
    %dma_start3A_162 = tpu.memref_slice %arg2[%dma_start3A_160, %dma_start3A_161] : memref<348160x16xi32, #tpu.memory_space<hbm>> -> memref<348160x16xi32, #tpu.memory_space<hbm>>
    tpu.enqueue_indirect_dma source(%dma_start3A_162 : memref<348160x16xi32, #tpu.memory_space<hbm>>) target(%dma_start3A_156 : memref<128x16xi32, #tpu.memory_space<vmem>>) offsets(%dma_start3A_159 : memref<128xi32, #tpu.memory_space<vmem>>) semaphore(%arg10 : memref<!tpu.dma_semaphore, #tpu.memory_space<semaphore_mem>>)
    %dma_start3A_163 = arith.constant 0 : i32
    %dma_start3A_164 = arith.constant 12 : i32
    %dma_start3A_165 = arith.constant 0 : i32
    %dma_start3A_166 = arith.constant 1536 : i32
    %dma_start3A_167 = arith.constant 0 : i32
    %dma_start3A_168 = tpu.memref_slice %arg8[%dma_start3A_165, %dma_start3A_166, %dma_start3A_167] : memref<2x2560x16xi32, #tpu.memory_space<vmem>> -> memref<1x128x16xi32, #tpu.memory_space<vmem>>
    %dma_start3A_169 = tpu.memref_squeeze %dma_start3A_168 : memref<1x128x16xi32, #tpu.memory_space<vmem>> -> memref<128x16xi32, #tpu.memory_space<vmem>>
    %dma_start3A_170 = arith.constant 0 : i32
    %dma_start3A_171 = tpu.memref_slice %arg6[%dma_start3A_163, %dma_start3A_164, %dma_start3A_170] : memref<2x20x128xi32, #tpu.memory_space<vmem>> -> memref<1x1x128xi32, #tpu.memory_space<vmem>>
    %dma_start3A_172 = tpu.memref_squeeze %dma_start3A_171 : memref<1x1x128xi32, #tpu.memory_space<vmem>> -> memref<128xi32, #tpu.memory_space<vmem>>
    %dma_start3A_173 = arith.constant 0 : i32
    %dma_start3A_174 = arith.constant 0 : i32
    %dma_start3A_175 = tpu.memref_slice %arg2[%dma_start3A_173, %dma_start3A_174] : memref<348160x16xi32, #tpu.memory_space<hbm>> -> memref<348160x16xi32, #tpu.memory_space<hbm>>
    tpu.enqueue_indirect_dma source(%dma_start3A_175 : memref<348160x16xi32, #tpu.memory_space<hbm>>) target(%dma_start3A_169 : memref<128x16xi32, #tpu.memory_space<vmem>>) offsets(%dma_start3A_172 : memref<128xi32, #tpu.memory_space<vmem>>) semaphore(%arg10 : memref<!tpu.dma_semaphore, #tpu.memory_space<semaphore_mem>>)
    %dma_start3A_176 = arith.constant 0 : i32
    %dma_start3A_177 = arith.constant 13 : i32
    %dma_start3A_178 = arith.constant 0 : i32
    %dma_start3A_179 = arith.constant 1664 : i32
    %dma_start3A_180 = arith.constant 0 : i32
    %dma_start3A_181 = tpu.memref_slice %arg8[%dma_start3A_178, %dma_start3A_179, %dma_start3A_180] : memref<2x2560x16xi32, #tpu.memory_space<vmem>> -> memref<1x128x16xi32, #tpu.memory_space<vmem>>
    %dma_start3A_182 = tpu.memref_squeeze %dma_start3A_181 : memref<1x128x16xi32, #tpu.memory_space<vmem>> -> memref<128x16xi32, #tpu.memory_space<vmem>>
    %dma_start3A_183 = arith.constant 0 : i32
    %dma_start3A_184 = tpu.memref_slice %arg6[%dma_start3A_176, %dma_start3A_177, %dma_start3A_183] : memref<2x20x128xi32, #tpu.memory_space<vmem>> -> memref<1x1x128xi32, #tpu.memory_space<vmem>>
    %dma_start3A_185 = tpu.memref_squeeze %dma_start3A_184 : memref<1x1x128xi32, #tpu.memory_space<vmem>> -> memref<128xi32, #tpu.memory_space<vmem>>
    %dma_start3A_186 = arith.constant 0 : i32
    %dma_start3A_187 = arith.constant 0 : i32
    %dma_start3A_188 = tpu.memref_slice %arg2[%dma_start3A_186, %dma_start3A_187] : memref<348160x16xi32, #tpu.memory_space<hbm>> -> memref<348160x16xi32, #tpu.memory_space<hbm>>
    tpu.enqueue_indirect_dma source(%dma_start3A_188 : memref<348160x16xi32, #tpu.memory_space<hbm>>) target(%dma_start3A_182 : memref<128x16xi32, #tpu.memory_space<vmem>>) offsets(%dma_start3A_185 : memref<128xi32, #tpu.memory_space<vmem>>) semaphore(%arg10 : memref<!tpu.dma_semaphore, #tpu.memory_space<semaphore_mem>>)
    %dma_start3A_189 = arith.constant 0 : i32
    %dma_start3A_190 = arith.constant 14 : i32
    %dma_start3A_191 = arith.constant 0 : i32
    %dma_start3A_192 = arith.constant 1792 : i32
    %dma_start3A_193 = arith.constant 0 : i32
    %dma_start3A_194 = tpu.memref_slice %arg8[%dma_start3A_191, %dma_start3A_192, %dma_start3A_193] : memref<2x2560x16xi32, #tpu.memory_space<vmem>> -> memref<1x128x16xi32, #tpu.memory_space<vmem>>
    %dma_start3A_195 = tpu.memref_squeeze %dma_start3A_194 : memref<1x128x16xi32, #tpu.memory_space<vmem>> -> memref<128x16xi32, #tpu.memory_space<vmem>>
    %dma_start3A_196 = arith.constant 0 : i32
    %dma_start3A_197 = tpu.memref_slice %arg6[%dma_start3A_189, %dma_start3A_190, %dma_start3A_196] : memref<2x20x128xi32, #tpu.memory_space<vmem>> -> memref<1x1x128xi32, #tpu.memory_space<vmem>>
    %dma_start3A_198 = tpu.memref_squeeze %dma_start3A_197 : memref<1x1x128xi32, #tpu.memory_space<vmem>> -> memref<128xi32, #tpu.memory_space<vmem>>
    %dma_start3A_199 = arith.constant 0 : i32
    %dma_start3A_200 = arith.constant 0 : i32
    %dma_start3A_201 = tpu.memref_slice %arg2[%dma_start3A_199, %dma_start3A_200] : memref<348160x16xi32, #tpu.memory_space<hbm>> -> memref<348160x16xi32, #tpu.memory_space<hbm>>
    tpu.enqueue_indirect_dma source(%dma_start3A_201 : memref<348160x16xi32, #tpu.memory_space<hbm>>) target(%dma_start3A_195 : memref<128x16xi32, #tpu.memory_space<vmem>>) offsets(%dma_start3A_198 : memref<128xi32, #tpu.memory_space<vmem>>) semaphore(%arg10 : memref<!tpu.dma_semaphore, #tpu.memory_space<semaphore_mem>>)
    %dma_start3A_202 = arith.constant 0 : i32
    %dma_start3A_203 = arith.constant 15 : i32
    %dma_start3A_204 = arith.constant 0 : i32
    %dma_start3A_205 = arith.constant 1920 : i32
    %dma_start3A_206 = arith.constant 0 : i32
    %dma_start3A_207 = tpu.memref_slice %arg8[%dma_start3A_204, %dma_start3A_205, %dma_start3A_206] : memref<2x2560x16xi32, #tpu.memory_space<vmem>> -> memref<1x128x16xi32, #tpu.memory_space<vmem>>
    %dma_start3A_208 = tpu.memref_squeeze %dma_start3A_207 : memref<1x128x16xi32, #tpu.memory_space<vmem>> -> memref<128x16xi32, #tpu.memory_space<vmem>>
    %dma_start3A_209 = arith.constant 0 : i32
    %dma_start3A_210 = tpu.memref_slice %arg6[%dma_start3A_202, %dma_start3A_203, %dma_start3A_209] : memref<2x20x128xi32, #tpu.memory_space<vmem>> -> memref<1x1x128xi32, #tpu.memory_space<vmem>>
    %dma_start3A_211 = tpu.memref_squeeze %dma_start3A_210 : memref<1x1x128xi32, #tpu.memory_space<vmem>> -> memref<128xi32, #tpu.memory_space<vmem>>
    %dma_start3A_212 = arith.constant 0 : i32
    %dma_start3A_213 = arith.constant 0 : i32
    %dma_start3A_214 = tpu.memref_slice %arg2[%dma_start3A_212, %dma_start3A_213] : memref<348160x16xi32, #tpu.memory_space<hbm>> -> memref<348160x16xi32, #tpu.memory_space<hbm>>
    tpu.enqueue_indirect_dma source(%dma_start3A_214 : memref<348160x16xi32, #tpu.memory_space<hbm>>) target(%dma_start3A_208 : memref<128x16xi32, #tpu.memory_space<vmem>>) offsets(%dma_start3A_211 : memref<128xi32, #tpu.memory_space<vmem>>) semaphore(%arg10 : memref<!tpu.dma_semaphore, #tpu.memory_space<semaphore_mem>>)
    %dma_start3A_215 = arith.constant 0 : i32
    %dma_start3A_216 = arith.constant 16 : i32
    %dma_start3A_217 = arith.constant 0 : i32
    %dma_start3A_218 = arith.constant 2048 : i32
    %dma_start3A_219 = arith.constant 0 : i32
    %dma_start3A_220 = tpu.memref_slice %arg8[%dma_start3A_217, %dma_start3A_218, %dma_start3A_219] : memref<2x2560x16xi32, #tpu.memory_space<vmem>> -> memref<1x128x16xi32, #tpu.memory_space<vmem>>
    %dma_start3A_221 = tpu.memref_squeeze %dma_start3A_220 : memref<1x128x16xi32, #tpu.memory_space<vmem>> -> memref<128x16xi32, #tpu.memory_space<vmem>>
    %dma_start3A_222 = arith.constant 0 : i32
    %dma_start3A_223 = tpu.memref_slice %arg6[%dma_start3A_215, %dma_start3A_216, %dma_start3A_222] : memref<2x20x128xi32, #tpu.memory_space<vmem>> -> memref<1x1x128xi32, #tpu.memory_space<vmem>>
    %dma_start3A_224 = tpu.memref_squeeze %dma_start3A_223 : memref<1x1x128xi32, #tpu.memory_space<vmem>> -> memref<128xi32, #tpu.memory_space<vmem>>
    %dma_start3A_225 = arith.constant 0 : i32
    %dma_start3A_226 = arith.constant 0 : i32
    %dma_start3A_227 = tpu.memref_slice %arg2[%dma_start3A_225, %dma_start3A_226] : memref<348160x16xi32, #tpu.memory_space<hbm>> -> memref<348160x16xi32, #tpu.memory_space<hbm>>
    tpu.enqueue_indirect_dma source(%dma_start3A_227 : memref<348160x16xi32, #tpu.memory_space<hbm>>) target(%dma_start3A_221 : memref<128x16xi32, #tpu.memory_space<vmem>>) offsets(%dma_start3A_224 : memref<128xi32, #tpu.memory_space<vmem>>) semaphore(%arg10 : memref<!tpu.dma_semaphore, #tpu.memory_space<semaphore_mem>>)
    %dma_start3A_228 = arith.constant 0 : i32
    %dma_start3A_229 = arith.constant 17 : i32
    %dma_start3A_230 = arith.constant 0 : i32
    %dma_start3A_231 = arith.constant 2176 : i32
    %dma_start3A_232 = arith.constant 0 : i32
    %dma_start3A_233 = tpu.memref_slice %arg8[%dma_start3A_230, %dma_start3A_231, %dma_start3A_232] : memref<2x2560x16xi32, #tpu.memory_space<vmem>> -> memref<1x128x16xi32, #tpu.memory_space<vmem>>
    %dma_start3A_234 = tpu.memref_squeeze %dma_start3A_233 : memref<1x128x16xi32, #tpu.memory_space<vmem>> -> memref<128x16xi32, #tpu.memory_space<vmem>>
    %dma_start3A_235 = arith.constant 0 : i32
    %dma_start3A_236 = tpu.memref_slice %arg6[%dma_start3A_228, %dma_start3A_229, %dma_start3A_235] : memref<2x20x128xi32, #tpu.memory_space<vmem>> -> memref<1x1x128xi32, #tpu.memory_space<vmem>>
    %dma_start3A_237 = tpu.memref_squeeze %dma_start3A_236 : memref<1x1x128xi32, #tpu.memory_space<vmem>> -> memref<128xi32, #tpu.memory_space<vmem>>
    %dma_start3A_238 = arith.constant 0 : i32
    %dma_start3A_239 = arith.constant 0 : i32
    %dma_start3A_240 = tpu.memref_slice %arg2[%dma_start3A_238, %dma_start3A_239] : memref<348160x16xi32, #tpu.memory_space<hbm>> -> memref<348160x16xi32, #tpu.memory_space<hbm>>
    tpu.enqueue_indirect_dma source(%dma_start3A_240 : memref<348160x16xi32, #tpu.memory_space<hbm>>) target(%dma_start3A_234 : memref<128x16xi32, #tpu.memory_space<vmem>>) offsets(%dma_start3A_237 : memref<128xi32, #tpu.memory_space<vmem>>) semaphore(%arg10 : memref<!tpu.dma_semaphore, #tpu.memory_space<semaphore_mem>>)
    %dma_start3A_241 = arith.constant 0 : i32
    %dma_start3A_242 = arith.constant 18 : i32
    %dma_start3A_243 = arith.constant 0 : i32
    %dma_start3A_244 = arith.constant 2304 : i32
    %dma_start3A_245 = arith.constant 0 : i32
    %dma_start3A_246 = tpu.memref_slice %arg8[%dma_start3A_243, %dma_start3A_244, %dma_start3A_245] : memref<2x2560x16xi32, #tpu.memory_space<vmem>> -> memref<1x128x16xi32, #tpu.memory_space<vmem>>
    %dma_start3A_247 = tpu.memref_squeeze %dma_start3A_246 : memref<1x128x16xi32, #tpu.memory_space<vmem>> -> memref<128x16xi32, #tpu.memory_space<vmem>>
    %dma_start3A_248 = arith.constant 0 : i32
    %dma_start3A_249 = tpu.memref_slice %arg6[%dma_start3A_241, %dma_start3A_242, %dma_start3A_248] : memref<2x20x128xi32, #tpu.memory_space<vmem>> -> memref<1x1x128xi32, #tpu.memory_space<vmem>>
    %dma_start3A_250 = tpu.memref_squeeze %dma_start3A_249 : memref<1x1x128xi32, #tpu.memory_space<vmem>> -> memref<128xi32, #tpu.memory_space<vmem>>
    %dma_start3A_251 = arith.constant 0 : i32
    %dma_start3A_252 = arith.constant 0 : i32
    %dma_start3A_253 = tpu.memref_slice %arg2[%dma_start3A_251, %dma_start3A_252] : memref<348160x16xi32, #tpu.memory_space<hbm>> -> memref<348160x16xi32, #tpu.memory_space<hbm>>
    tpu.enqueue_indirect_dma source(%dma_start3A_253 : memref<348160x16xi32, #tpu.memory_space<hbm>>) target(%dma_start3A_247 : memref<128x16xi32, #tpu.memory_space<vmem>>) offsets(%dma_start3A_250 : memref<128xi32, #tpu.memory_space<vmem>>) semaphore(%arg10 : memref<!tpu.dma_semaphore, #tpu.memory_space<semaphore_mem>>)
    %dma_start3A_254 = arith.constant 0 : i32
    %dma_start3A_255 = arith.constant 19 : i32
    %dma_start3A_256 = arith.constant 0 : i32
    %dma_start3A_257 = arith.constant 2432 : i32
    %dma_start3A_258 = arith.constant 0 : i32
    %dma_start3A_259 = tpu.memref_slice %arg8[%dma_start3A_256, %dma_start3A_257, %dma_start3A_258] : memref<2x2560x16xi32, #tpu.memory_space<vmem>> -> memref<1x128x16xi32, #tpu.memory_space<vmem>>
    %dma_start3A_260 = tpu.memref_squeeze %dma_start3A_259 : memref<1x128x16xi32, #tpu.memory_space<vmem>> -> memref<128x16xi32, #tpu.memory_space<vmem>>
    %dma_start3A_261 = arith.constant 0 : i32
    %dma_start3A_262 = tpu.memref_slice %arg6[%dma_start3A_254, %dma_start3A_255, %dma_start3A_261] : memref<2x20x128xi32, #tpu.memory_space<vmem>> -> memref<1x1x128xi32, #tpu.memory_space<vmem>>
    %dma_start3A_263 = tpu.memref_squeeze %dma_start3A_262 : memref<1x1x128xi32, #tpu.memory_space<vmem>> -> memref<128xi32, #tpu.memory_space<vmem>>
    %dma_start3A_264 = arith.constant 0 : i32
    %dma_start3A_265 = arith.constant 0 : i32
    %dma_start3A_266 = tpu.memref_slice %arg2[%dma_start3A_264, %dma_start3A_265] : memref<348160x16xi32, #tpu.memory_space<hbm>> -> memref<348160x16xi32, #tpu.memory_space<hbm>>
    tpu.enqueue_indirect_dma source(%dma_start3A_266 : memref<348160x16xi32, #tpu.memory_space<hbm>>) target(%dma_start3A_260 : memref<128x16xi32, #tpu.memory_space<vmem>>) offsets(%dma_start3A_263 : memref<128xi32, #tpu.memory_space<vmem>>) semaphore(%arg10 : memref<!tpu.dma_semaphore, #tpu.memory_space<semaphore_mem>>)
    %scan3A = arith.constant 0 : i32
    %scan3A_267 = arith.constant 0 : i32
    %scan3A_268 = arith.constant 136 : i32
    %scan3A_269 = arith.addi %scan3A_267, %scan3A_268 : i32
    %scan3A_270 = arith.constant 1 : i32
    scf.for %scan3A_301 = %scan3A_267 to %scan3A_269 step %scan3A_270  : i32 {
      %mul3A_302 = arith.constant 2 : i32
      %mul3A_303 = arith.muli %scan3A_301, %mul3A_302 : i32
      %mul3A_304 = arith.constant 5 : i32
      %mul3A_305 = arith.muli %mul3A_303, %mul3A_304 : i32
      %add3A_306 = arith.addi %mul3A_2, %mul3A_305 : i32
      %add3A_307 = arith.constant 5 : i32
      %add3A_308 = arith.addi %add3A_306, %add3A_307 : i32
      %mul3A_309 = arith.constant 4 : i32
      %mul3A_310 = arith.muli %add3A_308, %mul3A_309 : i32
      %run_scoped3A_311 = arith.constant 1 : i32
      "tpu.region"() ({
        %run_scoped3A_1140 = tpu.sem_alloc : memref<!tpu.dma_semaphore, #tpu.memory_space<semaphore_mem>>
        %dma_start3A_1141 = arith.constant 0 : i32
        %dma_start3A_1142 = arith.constant 0 : i32
        %dma_start3A_1143 = tpu.memref_slice %arg6[%run_scoped3A_311, %dma_start3A_1141, %dma_start3A_1142] : memref<2x20x128xi32, #tpu.memory_space<vmem>> -> memref<1x20x128xi32, #tpu.memory_space<vmem>>
        %dma_start3A_1144 = tpu.memref_squeeze %dma_start3A_1143 : memref<1x20x128xi32, #tpu.memory_space<vmem>> -> memref<20x128xi32, #tpu.memory_space<vmem>>
        %dma_start3A_1145 = arith.constant 0 : i32
        %dma_start3A_1146 = tpu.memref_slice %arg3[%mul3A_310, %dma_start3A_1145] : memref<174080x128xi32, #tpu.memory_space<hbm>> -> memref<20x128xi32, #tpu.memory_space<hbm>>
        %dma_start3A_1147 = arith.constant 0 : i32
        %dma_start3A_1148 = arith.constant 0 : i32
        %dma_start3A_1149 = tpu.memref_slice %arg6[%run_scoped3A_311, %dma_start3A_1147, %dma_start3A_1148] : memref<2x20x128xi32, #tpu.memory_space<vmem>> -> memref<1x20x128xi32, #tpu.memory_space<vmem>>
        %dma_start3A_1150 = tpu.memref_squeeze %dma_start3A_1149 : memref<1x20x128xi32, #tpu.memory_space<vmem>> -> memref<20x128xi32, #tpu.memory_space<vmem>>
        %dma_start3A_1151 = arith.constant 0 : i32
        %dma_start3A_1152 = tpu.memref_slice %arg3[%mul3A_310, %dma_start3A_1151] : memref<174080x128xi32, #tpu.memory_space<hbm>> -> memref<20x128xi32, #tpu.memory_space<hbm>>
        tpu.enqueue_dma source(%dma_start3A_1152 : memref<20x128xi32, #tpu.memory_space<hbm>>) target(%dma_start3A_1150 : memref<20x128xi32, #tpu.memory_space<vmem>>) target_semaphore(%run_scoped3A_1140 : memref<!tpu.dma_semaphore, #tpu.memory_space<semaphore_mem>>)
        %dma_wait3A_1153 = arith.constant 0 : i32
        %dma_wait3A_1154 = arith.constant 0 : i32
        %dma_wait3A_1155 = tpu.memref_slice %arg6[%run_scoped3A_311, %dma_wait3A_1153, %dma_wait3A_1154] : memref<2x20x128xi32, #tpu.memory_space<vmem>> -> memref<1x20x128xi32, #tpu.memory_space<vmem>>
        %dma_wait3A_1156 = tpu.memref_squeeze %dma_wait3A_1155 : memref<1x20x128xi32, #tpu.memory_space<vmem>> -> memref<20x128xi32, #tpu.memory_space<vmem>>
        %dma_wait3A_1157 = arith.constant 0 : i32
        %dma_wait3A_1158 = tpu.memref_slice %arg3[%mul3A_310, %dma_wait3A_1157] : memref<174080x128xi32, #tpu.memory_space<hbm>> -> memref<20x128xi32, #tpu.memory_space<hbm>>
        %dma_wait3A_1159 = arith.constant 0 : i32
        %dma_wait3A_1160 = arith.constant 0 : i32
        %dma_wait3A_1161 = tpu.memref_slice %arg6[%run_scoped3A_311, %dma_wait3A_1159, %dma_wait3A_1160] : memref<2x20x128xi32, #tpu.memory_space<vmem>> -> memref<1x20x128xi32, #tpu.memory_space<vmem>>
        %dma_wait3A_1162 = tpu.memref_squeeze %dma_wait3A_1161 : memref<1x20x128xi32, #tpu.memory_space<vmem>> -> memref<20x128xi32, #tpu.memory_space<vmem>>
        %dma_wait3A_1163 = arith.constant 0 : i32
        %dma_wait3A_1164 = tpu.memref_slice %arg3[%mul3A_310, %dma_wait3A_1163] : memref<174080x128xi32, #tpu.memory_space<hbm>> -> memref<20x128xi32, #tpu.memory_space<hbm>>
        tpu.wait_dma2 semaphore(%run_scoped3A_1140 : memref<!tpu.dma_semaphore, #tpu.memory_space<semaphore_mem>>) src(%dma_wait3A_1164 : memref<20x128xi32, #tpu.memory_space<hbm>>) dst(%dma_wait3A_1162 : memref<20x128xi32, #tpu.memory_space<vmem>>)
        tpu.yield
      }) : () -> ()
      %mul3A_312 = arith.constant 512 : i32
      %mul3A_313 = arith.muli %add3A_308, %mul3A_312 : i32
      %run_scoped3A_314 = arith.constant 1 : i32
      "tpu.region"() ({
        %run_scoped3A_1140 = tpu.sem_alloc : memref<!tpu.dma_semaphore, #tpu.memory_space<semaphore_mem>>
        %dma_start3A_1141 = arith.constant 0 : i32
        %dma_start3A_1142 = tpu.memref_slice %arg7[%run_scoped3A_314, %dma_start3A_1141] : memref<2x2560xf32, #tpu.memory_space<vmem>> -> memref<1x2560xf32, #tpu.memory_space<vmem>>
        %dma_start3A_1143 = tpu.memref_squeeze %dma_start3A_1142 : memref<1x2560xf32, #tpu.memory_space<vmem>> -> memref<2560xf32, #tpu.memory_space<vmem>>
        %dma_start3A_1144 = tpu.memref_slice %arg4[%mul3A_313] : memref<22282240xf32, #tpu.memory_space<hbm>> -> memref<2560xf32, #tpu.memory_space<hbm>>
        %dma_start3A_1145 = arith.constant 0 : i32
        %dma_start3A_1146 = tpu.memref_slice %arg7[%run_scoped3A_314, %dma_start3A_1145] : memref<2x2560xf32, #tpu.memory_space<vmem>> -> memref<1x2560xf32, #tpu.memory_space<vmem>>
        %dma_start3A_1147 = tpu.memref_squeeze %dma_start3A_1146 : memref<1x2560xf32, #tpu.memory_space<vmem>> -> memref<2560xf32, #tpu.memory_space<vmem>>
        %dma_start3A_1148 = tpu.memref_slice %arg4[%mul3A_313] : memref<22282240xf32, #tpu.memory_space<hbm>> -> memref<2560xf32, #tpu.memory_space<hbm>>
        tpu.enqueue_dma source(%dma_start3A_1148 : memref<2560xf32, #tpu.memory_space<hbm>>) target(%dma_start3A_1147 : memref<2560xf32, #tpu.memory_space<vmem>>) target_semaphore(%run_scoped3A_1140 : memref<!tpu.dma_semaphore, #tpu.memory_space<semaphore_mem>>)
        %dma_wait3A_1149 = arith.constant 0 : i32
        %dma_wait3A_1150 = tpu.memref_slice %arg7[%run_scoped3A_314, %dma_wait3A_1149] : memref<2x2560xf32, #tpu.memory_space<vmem>> -> memref<1x2560xf32, #tpu.memory_space<vmem>>
        %dma_wait3A_1151 = tpu.memref_squeeze %dma_wait3A_1150 : memref<1x2560xf32, #tpu.memory_space<vmem>> -> memref<2560xf32, #tpu.memory_space<vmem>>
        %dma_wait3A_1152 = tpu.memref_slice %arg4[%mul3A_313] : memref<22282240xf32, #tpu.memory_space<hbm>> -> memref<2560xf32, #tpu.memory_space<hbm>>
        %dma_wait3A_1153 = arith.constant 0 : i32
        %dma_wait3A_1154 = tpu.memref_slice %arg7[%run_scoped3A_314, %dma_wait3A_1153] : memref<2x2560xf32, #tpu.memory_space<vmem>> -> memref<1x2560xf32, #tpu.memory_space<vmem>>
        %dma_wait3A_1155 = tpu.memref_squeeze %dma_wait3A_1154 : memref<1x2560xf32, #tpu.memory_space<vmem>> -> memref<2560xf32, #tpu.memory_space<vmem>>
        %dma_wait3A_1156 = tpu.memref_slice %arg4[%mul3A_313] : memref<22282240xf32, #tpu.memory_space<hbm>> -> memref<2560xf32, #tpu.memory_space<hbm>>
        tpu.wait_dma2 semaphore(%run_scoped3A_1140 : memref<!tpu.dma_semaphore, #tpu.memory_space<semaphore_mem>>) src(%dma_wait3A_1156 : memref<2560xf32, #tpu.memory_space<hbm>>) dst(%dma_wait3A_1155 : memref<2560xf32, #tpu.memory_space<vmem>>)
        tpu.yield
      }) : () -> ()
      %dma_start3A_315 = arith.constant 1 : i32
      %dma_start3A_316 = arith.constant 0 : i32
      %dma_start3A_317 = arith.constant 1 : i32
      %dma_start3A_318 = arith.constant 0 : i32
      %dma_start3A_319 = arith.constant 0 : i32
      %dma_start3A_320 = tpu.memref_slice %arg8[%dma_start3A_317, %dma_start3A_318, %dma_start3A_319] : memref<2x2560x16xi32, #tpu.memory_space<vmem>> -> memref<1x128x16xi32, #tpu.memory_space<vmem>>
      %dma_start3A_321 = tpu.memref_squeeze %dma_start3A_320 : memref<1x128x16xi32, #tpu.memory_space<vmem>> -> memref<128x16xi32, #tpu.memory_space<vmem>>
      %dma_start3A_322 = arith.constant 0 : i32
      %dma_start3A_323 = tpu.memref_slice %arg6[%dma_start3A_315, %dma_start3A_316, %dma_start3A_322] : memref<2x20x128xi32, #tpu.memory_space<vmem>> -> memref<1x1x128xi32, #tpu.memory_space<vmem>>
      %dma_start3A_324 = tpu.memref_squeeze %dma_start3A_323 : memref<1x1x128xi32, #tpu.memory_space<vmem>> -> memref<128xi32, #tpu.memory_space<vmem>>
      %dma_start3A_325 = arith.constant 0 : i32
      %dma_start3A_326 = arith.constant 0 : i32
      %dma_start3A_327 = tpu.memref_slice %arg2[%dma_start3A_325, %dma_start3A_326] : memref<348160x16xi32, #tpu.memory_space<hbm>> -> memref<348160x16xi32, #tpu.memory_space<hbm>>
      tpu.enqueue_indirect_dma source(%dma_start3A_327 : memref<348160x16xi32, #tpu.memory_space<hbm>>) target(%dma_start3A_321 : memref<128x16xi32, #tpu.memory_space<vmem>>) offsets(%dma_start3A_324 : memref<128xi32, #tpu.memory_space<vmem>>) semaphore(%arg10 : memref<!tpu.dma_semaphore, #tpu.memory_space<semaphore_mem>>)
      %dma_start3A_328 = arith.constant 1 : i32
      %dma_start3A_329 = arith.constant 1 : i32
      %dma_start3A_330 = arith.constant 1 : i32
      %dma_start3A_331 = arith.constant 128 : i32
      %dma_start3A_332 = arith.constant 0 : i32
      %dma_start3A_333 = tpu.memref_slice %arg8[%dma_start3A_330, %dma_start3A_331, %dma_start3A_332] : memref<2x2560x16xi32, #tpu.memory_space<vmem>> -> memref<1x128x16xi32, #tpu.memory_space<vmem>>
      %dma_start3A_334 = tpu.memref_squeeze %dma_start3A_333 : memref<1x128x16xi32, #tpu.memory_space<vmem>> -> memref<128x16xi32, #tpu.memory_space<vmem>>
      %dma_start3A_335 = arith.constant 0 : i32
      %dma_start3A_336 = tpu.memref_slice %arg6[%dma_start3A_328, %dma_start3A_329, %dma_start3A_335] : memref<2x20x128xi32, #tpu.memory_space<vmem>> -> memref<1x1x128xi32, #tpu.memory_space<vmem>>
      %dma_start3A_337 = tpu.memref_squeeze %dma_start3A_336 : memref<1x1x128xi32, #tpu.memory_space<vmem>> -> memref<128xi32, #tpu.memory_space<vmem>>
      %dma_start3A_338 = arith.constant 0 : i32
      %dma_start3A_339 = arith.constant 0 : i32
      %dma_start3A_340 = tpu.memref_slice %arg2[%dma_start3A_338, %dma_start3A_339] : memref<348160x16xi32, #tpu.memory_space<hbm>> -> memref<348160x16xi32, #tpu.memory_space<hbm>>
      tpu.enqueue_indirect_dma source(%dma_start3A_340 : memref<348160x16xi32, #tpu.memory_space<hbm>>) target(%dma_start3A_334 : memref<128x16xi32, #tpu.memory_space<vmem>>) offsets(%dma_start3A_337 : memref<128xi32, #tpu.memory_space<vmem>>) semaphore(%arg10 : memref<!tpu.dma_semaphore, #tpu.memory_space<semaphore_mem>>)
      %dma_start3A_341 = arith.constant 1 : i32
      %dma_start3A_342 = arith.constant 2 : i32
      %dma_start3A_343 = arith.constant 1 : i32
      %dma_start3A_344 = arith.constant 256 : i32
      %dma_start3A_345 = arith.constant 0 : i32
      %dma_start3A_346 = tpu.memref_slice %arg8[%dma_start3A_343, %dma_start3A_344, %dma_start3A_345] : memref<2x2560x16xi32, #tpu.memory_space<vmem>> -> memref<1x128x16xi32, #tpu.memory_space<vmem>>
      %dma_start3A_347 = tpu.memref_squeeze %dma_start3A_346 : memref<1x128x16xi32, #tpu.memory_space<vmem>> -> memref<128x16xi32, #tpu.memory_space<vmem>>
      %dma_start3A_348 = arith.constant 0 : i32
      %dma_start3A_349 = tpu.memref_slice %arg6[%dma_start3A_341, %dma_start3A_342, %dma_start3A_348] : memref<2x20x128xi32, #tpu.memory_space<vmem>> -> memref<1x1x128xi32, #tpu.memory_space<vmem>>
      %dma_start3A_350 = tpu.memref_squeeze %dma_start3A_349 : memref<1x1x128xi32, #tpu.memory_space<vmem>> -> memref<128xi32, #tpu.memory_space<vmem>>
      %dma_start3A_351 = arith.constant 0 : i32
      %dma_start3A_352 = arith.constant 0 : i32
      %dma_start3A_353 = tpu.memref_slice %arg2[%dma_start3A_351, %dma_start3A_352] : memref<348160x16xi32, #tpu.memory_space<hbm>> -> memref<348160x16xi32, #tpu.memory_space<hbm>>
      tpu.enqueue_indirect_dma source(%dma_start3A_353 : memref<348160x16xi32, #tpu.memory_space<hbm>>) target(%dma_start3A_347 : memref<128x16xi32, #tpu.memory_space<vmem>>) offsets(%dma_start3A_350 : memref<128xi32, #tpu.memory_space<vmem>>) semaphore(%arg10 : memref<!tpu.dma_semaphore, #tpu.memory_space<semaphore_mem>>)
      %dma_start3A_354 = arith.constant 1 : i32
      %dma_start3A_355 = arith.constant 3 : i32
      %dma_start3A_356 = arith.constant 1 : i32
      %dma_start3A_357 = arith.constant 384 : i32
      %dma_start3A_358 = arith.constant 0 : i32
      %dma_start3A_359 = tpu.memref_slice %arg8[%dma_start3A_356, %dma_start3A_357, %dma_start3A_358] : memref<2x2560x16xi32, #tpu.memory_space<vmem>> -> memref<1x128x16xi32, #tpu.memory_space<vmem>>
      %dma_start3A_360 = tpu.memref_squeeze %dma_start3A_359 : memref<1x128x16xi32, #tpu.memory_space<vmem>> -> memref<128x16xi32, #tpu.memory_space<vmem>>
      %dma_start3A_361 = arith.constant 0 : i32
      %dma_start3A_362 = tpu.memref_slice %arg6[%dma_start3A_354, %dma_start3A_355, %dma_start3A_361] : memref<2x20x128xi32, #tpu.memory_space<vmem>> -> memref<1x1x128xi32, #tpu.memory_space<vmem>>
      %dma_start3A_363 = tpu.memref_squeeze %dma_start3A_362 : memref<1x1x128xi32, #tpu.memory_space<vmem>> -> memref<128xi32, #tpu.memory_space<vmem>>
      %dma_start3A_364 = arith.constant 0 : i32
      %dma_start3A_365 = arith.constant 0 : i32
      %dma_start3A_366 = tpu.memref_slice %arg2[%dma_start3A_364, %dma_start3A_365] : memref<348160x16xi32, #tpu.memory_space<hbm>> -> memref<348160x16xi32, #tpu.memory_space<hbm>>
      tpu.enqueue_indirect_dma source(%dma_start3A_366 : memref<348160x16xi32, #tpu.memory_space<hbm>>) target(%dma_start3A_360 : memref<128x16xi32, #tpu.memory_space<vmem>>) offsets(%dma_start3A_363 : memref<128xi32, #tpu.memory_space<vmem>>) semaphore(%arg10 : memref<!tpu.dma_semaphore, #tpu.memory_space<semaphore_mem>>)
      %dma_start3A_367 = arith.constant 1 : i32
      %dma_start3A_368 = arith.constant 4 : i32
      %dma_start3A_369 = arith.constant 1 : i32
      %dma_start3A_370 = arith.constant 512 : i32
      %dma_start3A_371 = arith.constant 0 : i32
      %dma_start3A_372 = tpu.memref_slice %arg8[%dma_start3A_369, %dma_start3A_370, %dma_start3A_371] : memref<2x2560x16xi32, #tpu.memory_space<vmem>> -> memref<1x128x16xi32, #tpu.memory_space<vmem>>
      %dma_start3A_373 = tpu.memref_squeeze %dma_start3A_372 : memref<1x128x16xi32, #tpu.memory_space<vmem>> -> memref<128x16xi32, #tpu.memory_space<vmem>>
      %dma_start3A_374 = arith.constant 0 : i32
      %dma_start3A_375 = tpu.memref_slice %arg6[%dma_start3A_367, %dma_start3A_368, %dma_start3A_374] : memref<2x20x128xi32, #tpu.memory_space<vmem>> -> memref<1x1x128xi32, #tpu.memory_space<vmem>>
      %dma_start3A_376 = tpu.memref_squeeze %dma_start3A_375 : memref<1x1x128xi32, #tpu.memory_space<vmem>> -> memref<128xi32, #tpu.memory_space<vmem>>
      %dma_start3A_377 = arith.constant 0 : i32
      %dma_start3A_378 = arith.constant 0 : i32
      %dma_start3A_379 = tpu.memref_slice %arg2[%dma_start3A_377, %dma_start3A_378] : memref<348160x16xi32, #tpu.memory_space<hbm>> -> memref<348160x16xi32, #tpu.memory_space<hbm>>
      tpu.enqueue_indirect_dma source(%dma_start3A_379 : memref<348160x16xi32, #tpu.memory_space<hbm>>) target(%dma_start3A_373 : memref<128x16xi32, #tpu.memory_space<vmem>>) offsets(%dma_start3A_376 : memref<128xi32, #tpu.memory_space<vmem>>) semaphore(%arg10 : memref<!tpu.dma_semaphore, #tpu.memory_space<semaphore_mem>>)
      %dma_start3A_380 = arith.constant 1 : i32
      %dma_start3A_381 = arith.constant 5 : i32
      %dma_start3A_382 = arith.constant 1 : i32
      %dma_start3A_383 = arith.constant 640 : i32
      %dma_start3A_384 = arith.constant 0 : i32
      %dma_start3A_385 = tpu.memref_slice %arg8[%dma_start3A_382, %dma_start3A_383, %dma_start3A_384] : memref<2x2560x16xi32, #tpu.memory_space<vmem>> -> memref<1x128x16xi32, #tpu.memory_space<vmem>>
      %dma_start3A_386 = tpu.memref_squeeze %dma_start3A_385 : memref<1x128x16xi32, #tpu.memory_space<vmem>> -> memref<128x16xi32, #tpu.memory_space<vmem>>
      %dma_start3A_387 = arith.constant 0 : i32
      %dma_start3A_388 = tpu.memref_slice %arg6[%dma_start3A_380, %dma_start3A_381, %dma_start3A_387] : memref<2x20x128xi32, #tpu.memory_space<vmem>> -> memref<1x1x128xi32, #tpu.memory_space<vmem>>
      %dma_start3A_389 = tpu.memref_squeeze %dma_start3A_388 : memref<1x1x128xi32, #tpu.memory_space<vmem>> -> memref<128xi32, #tpu.memory_space<vmem>>
      %dma_start3A_390 = arith.constant 0 : i32
      %dma_start3A_391 = arith.constant 0 : i32
      %dma_start3A_392 = tpu.memref_slice %arg2[%dma_start3A_390, %dma_start3A_391] : memref<348160x16xi32, #tpu.memory_space<hbm>> -> memref<348160x16xi32, #tpu.memory_space<hbm>>
      tpu.enqueue_indirect_dma source(%dma_start3A_392 : memref<348160x16xi32, #tpu.memory_space<hbm>>) target(%dma_start3A_386 : memref<128x16xi32, #tpu.memory_space<vmem>>) offsets(%dma_start3A_389 : memref<128xi32, #tpu.memory_space<vmem>>) semaphore(%arg10 : memref<!tpu.dma_semaphore, #tpu.memory_space<semaphore_mem>>)
      %dma_start3A_393 = arith.constant 1 : i32
      %dma_start3A_394 = arith.constant 6 : i32
      %dma_start3A_395 = arith.constant 1 : i32
      %dma_start3A_396 = arith.constant 768 : i32
      %dma_start3A_397 = arith.constant 0 : i32
      %dma_start3A_398 = tpu.memref_slice %arg8[%dma_start3A_395, %dma_start3A_396, %dma_start3A_397] : memref<2x2560x16xi32, #tpu.memory_space<vmem>> -> memref<1x128x16xi32, #tpu.memory_space<vmem>>
      %dma_start3A_399 = tpu.memref_squeeze %dma_start3A_398 : memref<1x128x16xi32, #tpu.memory_space<vmem>> -> memref<128x16xi32, #tpu.memory_space<vmem>>
      %dma_start3A_400 = arith.constant 0 : i32
      %dma_start3A_401 = tpu.memref_slice %arg6[%dma_start3A_393, %dma_start3A_394, %dma_start3A_400] : memref<2x20x128xi32, #tpu.memory_space<vmem>> -> memref<1x1x128xi32, #tpu.memory_space<vmem>>
      %dma_start3A_402 = tpu.memref_squeeze %dma_start3A_401 : memref<1x1x128xi32, #tpu.memory_space<vmem>> -> memref<128xi32, #tpu.memory_space<vmem>>
      %dma_start3A_403 = arith.constant 0 : i32
      %dma_start3A_404 = arith.constant 0 : i32
      %dma_start3A_405 = tpu.memref_slice %arg2[%dma_start3A_403, %dma_start3A_404] : memref<348160x16xi32, #tpu.memory_space<hbm>> -> memref<348160x16xi32, #tpu.memory_space<hbm>>
      tpu.enqueue_indirect_dma source(%dma_start3A_405 : memref<348160x16xi32, #tpu.memory_space<hbm>>) target(%dma_start3A_399 : memref<128x16xi32, #tpu.memory_space<vmem>>) offsets(%dma_start3A_402 : memref<128xi32, #tpu.memory_space<vmem>>) semaphore(%arg10 : memref<!tpu.dma_semaphore, #tpu.memory_space<semaphore_mem>>)
      %dma_start3A_406 = arith.constant 1 : i32
      %dma_start3A_407 = arith.constant 7 : i32
      %dma_start3A_408 = arith.constant 1 : i32
      %dma_start3A_409 = arith.constant 896 : i32
      %dma_start3A_410 = arith.constant 0 : i32
      %dma_start3A_411 = tpu.memref_slice %arg8[%dma_start3A_408, %dma_start3A_409, %dma_start3A_410] : memref<2x2560x16xi32, #tpu.memory_space<vmem>> -> memref<1x128x16xi32, #tpu.memory_space<vmem>>
      %dma_start3A_412 = tpu.memref_squeeze %dma_start3A_411 : memref<1x128x16xi32, #tpu.memory_space<vmem>> -> memref<128x16xi32, #tpu.memory_space<vmem>>
      %dma_start3A_413 = arith.constant 0 : i32
      %dma_start3A_414 = tpu.memref_slice %arg6[%dma_start3A_406, %dma_start3A_407, %dma_start3A_413] : memref<2x20x128xi32, #tpu.memory_space<vmem>> -> memref<1x1x128xi32, #tpu.memory_space<vmem>>
      %dma_start3A_415 = tpu.memref_squeeze %dma_start3A_414 : memref<1x1x128xi32, #tpu.memory_space<vmem>> -> memref<128xi32, #tpu.memory_space<vmem>>
      %dma_start3A_416 = arith.constant 0 : i32
      %dma_start3A_417 = arith.constant 0 : i32
      %dma_start3A_418 = tpu.memref_slice %arg2[%dma_start3A_416, %dma_start3A_417] : memref<348160x16xi32, #tpu.memory_space<hbm>> -> memref<348160x16xi32, #tpu.memory_space<hbm>>
      tpu.enqueue_indirect_dma source(%dma_start3A_418 : memref<348160x16xi32, #tpu.memory_space<hbm>>) target(%dma_start3A_412 : memref<128x16xi32, #tpu.memory_space<vmem>>) offsets(%dma_start3A_415 : memref<128xi32, #tpu.memory_space<vmem>>) semaphore(%arg10 : memref<!tpu.dma_semaphore, #tpu.memory_space<semaphore_mem>>)
      %dma_start3A_419 = arith.constant 1 : i32
      %dma_start3A_420 = arith.constant 8 : i32
      %dma_start3A_421 = arith.constant 1 : i32
      %dma_start3A_422 = arith.constant 1024 : i32
      %dma_start3A_423 = arith.constant 0 : i32
      %dma_start3A_424 = tpu.memref_slice %arg8[%dma_start3A_421, %dma_start3A_422, %dma_start3A_423] : memref<2x2560x16xi32, #tpu.memory_space<vmem>> -> memref<1x128x16xi32, #tpu.memory_space<vmem>>
      %dma_start3A_425 = tpu.memref_squeeze %dma_start3A_424 : memref<1x128x16xi32, #tpu.memory_space<vmem>> -> memref<128x16xi32, #tpu.memory_space<vmem>>
      %dma_start3A_426 = arith.constant 0 : i32
      %dma_start3A_427 = tpu.memref_slice %arg6[%dma_start3A_419, %dma_start3A_420, %dma_start3A_426] : memref<2x20x128xi32, #tpu.memory_space<vmem>> -> memref<1x1x128xi32, #tpu.memory_space<vmem>>
      %dma_start3A_428 = tpu.memref_squeeze %dma_start3A_427 : memref<1x1x128xi32, #tpu.memory_space<vmem>> -> memref<128xi32, #tpu.memory_space<vmem>>
      %dma_start3A_429 = arith.constant 0 : i32
      %dma_start3A_430 = arith.constant 0 : i32
      %dma_start3A_431 = tpu.memref_slice %arg2[%dma_start3A_429, %dma_start3A_430] : memref<348160x16xi32, #tpu.memory_space<hbm>> -> memref<348160x16xi32, #tpu.memory_space<hbm>>
      tpu.enqueue_indirect_dma source(%dma_start3A_431 : memref<348160x16xi32, #tpu.memory_space<hbm>>) target(%dma_start3A_425 : memref<128x16xi32, #tpu.memory_space<vmem>>) offsets(%dma_start3A_428 : memref<128xi32, #tpu.memory_space<vmem>>) semaphore(%arg10 : memref<!tpu.dma_semaphore, #tpu.memory_space<semaphore_mem>>)
      %dma_start3A_432 = arith.constant 1 : i32
      %dma_start3A_433 = arith.constant 9 : i32
      %dma_start3A_434 = arith.constant 1 : i32
      %dma_start3A_435 = arith.constant 1152 : i32
      %dma_start3A_436 = arith.constant 0 : i32
      %dma_start3A_437 = tpu.memref_slice %arg8[%dma_start3A_434, %dma_start3A_435, %dma_start3A_436] : memref<2x2560x16xi32, #tpu.memory_space<vmem>> -> memref<1x128x16xi32, #tpu.memory_space<vmem>>
      %dma_start3A_438 = tpu.memref_squeeze %dma_start3A_437 : memref<1x128x16xi32, #tpu.memory_space<vmem>> -> memref<128x16xi32, #tpu.memory_space<vmem>>
      %dma_start3A_439 = arith.constant 0 : i32
      %dma_start3A_440 = tpu.memref_slice %arg6[%dma_start3A_432, %dma_start3A_433, %dma_start3A_439] : memref<2x20x128xi32, #tpu.memory_space<vmem>> -> memref<1x1x128xi32, #tpu.memory_space<vmem>>
      %dma_start3A_441 = tpu.memref_squeeze %dma_start3A_440 : memref<1x1x128xi32, #tpu.memory_space<vmem>> -> memref<128xi32, #tpu.memory_space<vmem>>
      %dma_start3A_442 = arith.constant 0 : i32
      %dma_start3A_443 = arith.constant 0 : i32
      %dma_start3A_444 = tpu.memref_slice %arg2[%dma_start3A_442, %dma_start3A_443] : memref<348160x16xi32, #tpu.memory_space<hbm>> -> memref<348160x16xi32, #tpu.memory_space<hbm>>
      tpu.enqueue_indirect_dma source(%dma_start3A_444 : memref<348160x16xi32, #tpu.memory_space<hbm>>) target(%dma_start3A_438 : memref<128x16xi32, #tpu.memory_space<vmem>>) offsets(%dma_start3A_441 : memref<128xi32, #tpu.memory_space<vmem>>) semaphore(%arg10 : memref<!tpu.dma_semaphore, #tpu.memory_space<semaphore_mem>>)
      %dma_start3A_445 = arith.constant 1 : i32
      %dma_start3A_446 = arith.constant 10 : i32
      %dma_start3A_447 = arith.constant 1 : i32
      %dma_start3A_448 = arith.constant 1280 : i32
      %dma_start3A_449 = arith.constant 0 : i32
      %dma_start3A_450 = tpu.memref_slice %arg8[%dma_start3A_447, %dma_start3A_448, %dma_start3A_449] : memref<2x2560x16xi32, #tpu.memory_space<vmem>> -> memref<1x128x16xi32, #tpu.memory_space<vmem>>
      %dma_start3A_451 = tpu.memref_squeeze %dma_start3A_450 : memref<1x128x16xi32, #tpu.memory_space<vmem>> -> memref<128x16xi32, #tpu.memory_space<vmem>>
      %dma_start3A_452 = arith.constant 0 : i32
      %dma_start3A_453 = tpu.memref_slice %arg6[%dma_start3A_445, %dma_start3A_446, %dma_start3A_452] : memref<2x20x128xi32, #tpu.memory_space<vmem>> -> memref<1x1x128xi32, #tpu.memory_space<vmem>>
      %dma_start3A_454 = tpu.memref_squeeze %dma_start3A_453 : memref<1x1x128xi32, #tpu.memory_space<vmem>> -> memref<128xi32, #tpu.memory_space<vmem>>
      %dma_start3A_455 = arith.constant 0 : i32
      %dma_start3A_456 = arith.constant 0 : i32
      %dma_start3A_457 = tpu.memref_slice %arg2[%dma_start3A_455, %dma_start3A_456] : memref<348160x16xi32, #tpu.memory_space<hbm>> -> memref<348160x16xi32, #tpu.memory_space<hbm>>
      tpu.enqueue_indirect_dma source(%dma_start3A_457 : memref<348160x16xi32, #tpu.memory_space<hbm>>) target(%dma_start3A_451 : memref<128x16xi32, #tpu.memory_space<vmem>>) offsets(%dma_start3A_454 : memref<128xi32, #tpu.memory_space<vmem>>) semaphore(%arg10 : memref<!tpu.dma_semaphore, #tpu.memory_space<semaphore_mem>>)
      %dma_start3A_458 = arith.constant 1 : i32
      %dma_start3A_459 = arith.constant 11 : i32
      %dma_start3A_460 = arith.constant 1 : i32
      %dma_start3A_461 = arith.constant 1408 : i32
      %dma_start3A_462 = arith.constant 0 : i32
      %dma_start3A_463 = tpu.memref_slice %arg8[%dma_start3A_460, %dma_start3A_461, %dma_start3A_462] : memref<2x2560x16xi32, #tpu.memory_space<vmem>> -> memref<1x128x16xi32, #tpu.memory_space<vmem>>
      %dma_start3A_464 = tpu.memref_squeeze %dma_start3A_463 : memref<1x128x16xi32, #tpu.memory_space<vmem>> -> memref<128x16xi32, #tpu.memory_space<vmem>>
      %dma_start3A_465 = arith.constant 0 : i32
      %dma_start3A_466 = tpu.memref_slice %arg6[%dma_start3A_458, %dma_start3A_459, %dma_start3A_465] : memref<2x20x128xi32, #tpu.memory_space<vmem>> -> memref<1x1x128xi32, #tpu.memory_space<vmem>>
      %dma_start3A_467 = tpu.memref_squeeze %dma_start3A_466 : memref<1x1x128xi32, #tpu.memory_space<vmem>> -> memref<128xi32, #tpu.memory_space<vmem>>
      %dma_start3A_468 = arith.constant 0 : i32
      %dma_start3A_469 = arith.constant 0 : i32
      %dma_start3A_470 = tpu.memref_slice %arg2[%dma_start3A_468, %dma_start3A_469] : memref<348160x16xi32, #tpu.memory_space<hbm>> -> memref<348160x16xi32, #tpu.memory_space<hbm>>
      tpu.enqueue_indirect_dma source(%dma_start3A_470 : memref<348160x16xi32, #tpu.memory_space<hbm>>) target(%dma_start3A_464 : memref<128x16xi32, #tpu.memory_space<vmem>>) offsets(%dma_start3A_467 : memref<128xi32, #tpu.memory_space<vmem>>) semaphore(%arg10 : memref<!tpu.dma_semaphore, #tpu.memory_space<semaphore_mem>>)
      %dma_start3A_471 = arith.constant 1 : i32
      %dma_start3A_472 = arith.constant 12 : i32
      %dma_start3A_473 = arith.constant 1 : i32
      %dma_start3A_474 = arith.constant 1536 : i32
      %dma_start3A_475 = arith.constant 0 : i32
      %dma_start3A_476 = tpu.memref_slice %arg8[%dma_start3A_473, %dma_start3A_474, %dma_start3A_475] : memref<2x2560x16xi32, #tpu.memory_space<vmem>> -> memref<1x128x16xi32, #tpu.memory_space<vmem>>
      %dma_start3A_477 = tpu.memref_squeeze %dma_start3A_476 : memref<1x128x16xi32, #tpu.memory_space<vmem>> -> memref<128x16xi32, #tpu.memory_space<vmem>>
      %dma_start3A_478 = arith.constant 0 : i32
      %dma_start3A_479 = tpu.memref_slice %arg6[%dma_start3A_471, %dma_start3A_472, %dma_start3A_478] : memref<2x20x128xi32, #tpu.memory_space<vmem>> -> memref<1x1x128xi32, #tpu.memory_space<vmem>>
      %dma_start3A_480 = tpu.memref_squeeze %dma_start3A_479 : memref<1x1x128xi32, #tpu.memory_space<vmem>> -> memref<128xi32, #tpu.memory_space<vmem>>
      %dma_start3A_481 = arith.constant 0 : i32
      %dma_start3A_482 = arith.constant 0 : i32
      %dma_start3A_483 = tpu.memref_slice %arg2[%dma_start3A_481, %dma_start3A_482] : memref<348160x16xi32, #tpu.memory_space<hbm>> -> memref<348160x16xi32, #tpu.memory_space<hbm>>
      tpu.enqueue_indirect_dma source(%dma_start3A_483 : memref<348160x16xi32, #tpu.memory_space<hbm>>) target(%dma_start3A_477 : memref<128x16xi32, #tpu.memory_space<vmem>>) offsets(%dma_start3A_480 : memref<128xi32, #tpu.memory_space<vmem>>) semaphore(%arg10 : memref<!tpu.dma_semaphore, #tpu.memory_space<semaphore_mem>>)
      %dma_start3A_484 = arith.constant 1 : i32
      %dma_start3A_485 = arith.constant 13 : i32
      %dma_start3A_486 = arith.constant 1 : i32
      %dma_start3A_487 = arith.constant 1664 : i32
      %dma_start3A_488 = arith.constant 0 : i32
      %dma_start3A_489 = tpu.memref_slice %arg8[%dma_start3A_486, %dma_start3A_487, %dma_start3A_488] : memref<2x2560x16xi32, #tpu.memory_space<vmem>> -> memref<1x128x16xi32, #tpu.memory_space<vmem>>
      %dma_start3A_490 = tpu.memref_squeeze %dma_start3A_489 : memref<1x128x16xi32, #tpu.memory_space<vmem>> -> memref<128x16xi32, #tpu.memory_space<vmem>>
      %dma_start3A_491 = arith.constant 0 : i32
      %dma_start3A_492 = tpu.memref_slice %arg6[%dma_start3A_484, %dma_start3A_485, %dma_start3A_491] : memref<2x20x128xi32, #tpu.memory_space<vmem>> -> memref<1x1x128xi32, #tpu.memory_space<vmem>>
      %dma_start3A_493 = tpu.memref_squeeze %dma_start3A_492 : memref<1x1x128xi32, #tpu.memory_space<vmem>> -> memref<128xi32, #tpu.memory_space<vmem>>
      %dma_start3A_494 = arith.constant 0 : i32
      %dma_start3A_495 = arith.constant 0 : i32
      %dma_start3A_496 = tpu.memref_slice %arg2[%dma_start3A_494, %dma_start3A_495] : memref<348160x16xi32, #tpu.memory_space<hbm>> -> memref<348160x16xi32, #tpu.memory_space<hbm>>
      tpu.enqueue_indirect_dma source(%dma_start3A_496 : memref<348160x16xi32, #tpu.memory_space<hbm>>) target(%dma_start3A_490 : memref<128x16xi32, #tpu.memory_space<vmem>>) offsets(%dma_start3A_493 : memref<128xi32, #tpu.memory_space<vmem>>) semaphore(%arg10 : memref<!tpu.dma_semaphore, #tpu.memory_space<semaphore_mem>>)
      %dma_start3A_497 = arith.constant 1 : i32
      %dma_start3A_498 = arith.constant 14 : i32
      %dma_start3A_499 = arith.constant 1 : i32
      %dma_start3A_500 = arith.constant 1792 : i32
      %dma_start3A_501 = arith.constant 0 : i32
      %dma_start3A_502 = tpu.memref_slice %arg8[%dma_start3A_499, %dma_start3A_500, %dma_start3A_501] : memref<2x2560x16xi32, #tpu.memory_space<vmem>> -> memref<1x128x16xi32, #tpu.memory_space<vmem>>
      %dma_start3A_503 = tpu.memref_squeeze %dma_start3A_502 : memref<1x128x16xi32, #tpu.memory_space<vmem>> -> memref<128x16xi32, #tpu.memory_space<vmem>>
      %dma_start3A_504 = arith.constant 0 : i32
      %dma_start3A_505 = tpu.memref_slice %arg6[%dma_start3A_497, %dma_start3A_498, %dma_start3A_504] : memref<2x20x128xi32, #tpu.memory_space<vmem>> -> memref<1x1x128xi32, #tpu.memory_space<vmem>>
      %dma_start3A_506 = tpu.memref_squeeze %dma_start3A_505 : memref<1x1x128xi32, #tpu.memory_space<vmem>> -> memref<128xi32, #tpu.memory_space<vmem>>
      %dma_start3A_507 = arith.constant 0 : i32
      %dma_start3A_508 = arith.constant 0 : i32
      %dma_start3A_509 = tpu.memref_slice %arg2[%dma_start3A_507, %dma_start3A_508] : memref<348160x16xi32, #tpu.memory_space<hbm>> -> memref<348160x16xi32, #tpu.memory_space<hbm>>
      tpu.enqueue_indirect_dma source(%dma_start3A_509 : memref<348160x16xi32, #tpu.memory_space<hbm>>) target(%dma_start3A_503 : memref<128x16xi32, #tpu.memory_space<vmem>>) offsets(%dma_start3A_506 : memref<128xi32, #tpu.memory_space<vmem>>) semaphore(%arg10 : memref<!tpu.dma_semaphore, #tpu.memory_space<semaphore_mem>>)
      %dma_start3A_510 = arith.constant 1 : i32
      %dma_start3A_511 = arith.constant 15 : i32
      %dma_start3A_512 = arith.constant 1 : i32
      %dma_start3A_513 = arith.constant 1920 : i32
      %dma_start3A_514 = arith.constant 0 : i32
      %dma_start3A_515 = tpu.memref_slice %arg8[%dma_start3A_512, %dma_start3A_513, %dma_start3A_514] : memref<2x2560x16xi32, #tpu.memory_space<vmem>> -> memref<1x128x16xi32, #tpu.memory_space<vmem>>
      %dma_start3A_516 = tpu.memref_squeeze %dma_start3A_515 : memref<1x128x16xi32, #tpu.memory_space<vmem>> -> memref<128x16xi32, #tpu.memory_space<vmem>>
      %dma_start3A_517 = arith.constant 0 : i32
      %dma_start3A_518 = tpu.memref_slice %arg6[%dma_start3A_510, %dma_start3A_511, %dma_start3A_517] : memref<2x20x128xi32, #tpu.memory_space<vmem>> -> memref<1x1x128xi32, #tpu.memory_space<vmem>>
      %dma_start3A_519 = tpu.memref_squeeze %dma_start3A_518 : memref<1x1x128xi32, #tpu.memory_space<vmem>> -> memref<128xi32, #tpu.memory_space<vmem>>
      %dma_start3A_520 = arith.constant 0 : i32
      %dma_start3A_521 = arith.constant 0 : i32
      %dma_start3A_522 = tpu.memref_slice %arg2[%dma_start3A_520, %dma_start3A_521] : memref<348160x16xi32, #tpu.memory_space<hbm>> -> memref<348160x16xi32, #tpu.memory_space<hbm>>
      tpu.enqueue_indirect_dma source(%dma_start3A_522 : memref<348160x16xi32, #tpu.memory_space<hbm>>) target(%dma_start3A_516 : memref<128x16xi32, #tpu.memory_space<vmem>>) offsets(%dma_start3A_519 : memref<128xi32, #tpu.memory_space<vmem>>) semaphore(%arg10 : memref<!tpu.dma_semaphore, #tpu.memory_space<semaphore_mem>>)
      %dma_start3A_523 = arith.constant 1 : i32
      %dma_start3A_524 = arith.constant 16 : i32
      %dma_start3A_525 = arith.constant 1 : i32
      %dma_start3A_526 = arith.constant 2048 : i32
      %dma_start3A_527 = arith.constant 0 : i32
      %dma_start3A_528 = tpu.memref_slice %arg8[%dma_start3A_525, %dma_start3A_526, %dma_start3A_527] : memref<2x2560x16xi32, #tpu.memory_space<vmem>> -> memref<1x128x16xi32, #tpu.memory_space<vmem>>
      %dma_start3A_529 = tpu.memref_squeeze %dma_start3A_528 : memref<1x128x16xi32, #tpu.memory_space<vmem>> -> memref<128x16xi32, #tpu.memory_space<vmem>>
      %dma_start3A_530 = arith.constant 0 : i32
      %dma_start3A_531 = tpu.memref_slice %arg6[%dma_start3A_523, %dma_start3A_524, %dma_start3A_530] : memref<2x20x128xi32, #tpu.memory_space<vmem>> -> memref<1x1x128xi32, #tpu.memory_space<vmem>>
      %dma_start3A_532 = tpu.memref_squeeze %dma_start3A_531 : memref<1x1x128xi32, #tpu.memory_space<vmem>> -> memref<128xi32, #tpu.memory_space<vmem>>
      %dma_start3A_533 = arith.constant 0 : i32
      %dma_start3A_534 = arith.constant 0 : i32
      %dma_start3A_535 = tpu.memref_slice %arg2[%dma_start3A_533, %dma_start3A_534] : memref<348160x16xi32, #tpu.memory_space<hbm>> -> memref<348160x16xi32, #tpu.memory_space<hbm>>
      tpu.enqueue_indirect_dma source(%dma_start3A_535 : memref<348160x16xi32, #tpu.memory_space<hbm>>) target(%dma_start3A_529 : memref<128x16xi32, #tpu.memory_space<vmem>>) offsets(%dma_start3A_532 : memref<128xi32, #tpu.memory_space<vmem>>) semaphore(%arg10 : memref<!tpu.dma_semaphore, #tpu.memory_space<semaphore_mem>>)
      %dma_start3A_536 = arith.constant 1 : i32
      %dma_start3A_537 = arith.constant 17 : i32
      %dma_start3A_538 = arith.constant 1 : i32
      %dma_start3A_539 = arith.constant 2176 : i32
      %dma_start3A_540 = arith.constant 0 : i32
      %dma_start3A_541 = tpu.memref_slice %arg8[%dma_start3A_538, %dma_start3A_539, %dma_start3A_540] : memref<2x2560x16xi32, #tpu.memory_space<vmem>> -> memref<1x128x16xi32, #tpu.memory_space<vmem>>
      %dma_start3A_542 = tpu.memref_squeeze %dma_start3A_541 : memref<1x128x16xi32, #tpu.memory_space<vmem>> -> memref<128x16xi32, #tpu.memory_space<vmem>>
      %dma_start3A_543 = arith.constant 0 : i32
      %dma_start3A_544 = tpu.memref_slice %arg6[%dma_start3A_536, %dma_start3A_537, %dma_start3A_543] : memref<2x20x128xi32, #tpu.memory_space<vmem>> -> memref<1x1x128xi32, #tpu.memory_space<vmem>>
      %dma_start3A_545 = tpu.memref_squeeze %dma_start3A_544 : memref<1x1x128xi32, #tpu.memory_space<vmem>> -> memref<128xi32, #tpu.memory_space<vmem>>
      %dma_start3A_546 = arith.constant 0 : i32
      %dma_start3A_547 = arith.constant 0 : i32
      %dma_start3A_548 = tpu.memref_slice %arg2[%dma_start3A_546, %dma_start3A_547] : memref<348160x16xi32, #tpu.memory_space<hbm>> -> memref<348160x16xi32, #tpu.memory_space<hbm>>
      tpu.enqueue_indirect_dma source(%dma_start3A_548 : memref<348160x16xi32, #tpu.memory_space<hbm>>) target(%dma_start3A_542 : memref<128x16xi32, #tpu.memory_space<vmem>>) offsets(%dma_start3A_545 : memref<128xi32, #tpu.memory_space<vmem>>) semaphore(%arg10 : memref<!tpu.dma_semaphore, #tpu.memory_space<semaphore_mem>>)
      %dma_start3A_549 = arith.constant 1 : i32
      %dma_start3A_550 = arith.constant 18 : i32
      %dma_start3A_551 = arith.constant 1 : i32
      %dma_start3A_552 = arith.constant 2304 : i32
      %dma_start3A_553 = arith.constant 0 : i32
      %dma_start3A_554 = tpu.memref_slice %arg8[%dma_start3A_551, %dma_start3A_552, %dma_start3A_553] : memref<2x2560x16xi32, #tpu.memory_space<vmem>> -> memref<1x128x16xi32, #tpu.memory_space<vmem>>
      %dma_start3A_555 = tpu.memref_squeeze %dma_start3A_554 : memref<1x128x16xi32, #tpu.memory_space<vmem>> -> memref<128x16xi32, #tpu.memory_space<vmem>>
      %dma_start3A_556 = arith.constant 0 : i32
      %dma_start3A_557 = tpu.memref_slice %arg6[%dma_start3A_549, %dma_start3A_550, %dma_start3A_556] : memref<2x20x128xi32, #tpu.memory_space<vmem>> -> memref<1x1x128xi32, #tpu.memory_space<vmem>>
      %dma_start3A_558 = tpu.memref_squeeze %dma_start3A_557 : memref<1x1x128xi32, #tpu.memory_space<vmem>> -> memref<128xi32, #tpu.memory_space<vmem>>
      %dma_start3A_559 = arith.constant 0 : i32
      %dma_start3A_560 = arith.constant 0 : i32
      %dma_start3A_561 = tpu.memref_slice %arg2[%dma_start3A_559, %dma_start3A_560] : memref<348160x16xi32, #tpu.memory_space<hbm>> -> memref<348160x16xi32, #tpu.memory_space<hbm>>
      tpu.enqueue_indirect_dma source(%dma_start3A_561 : memref<348160x16xi32, #tpu.memory_space<hbm>>) target(%dma_start3A_555 : memref<128x16xi32, #tpu.memory_space<vmem>>) offsets(%dma_start3A_558 : memref<128xi32, #tpu.memory_space<vmem>>) semaphore(%arg10 : memref<!tpu.dma_semaphore, #tpu.memory_space<semaphore_mem>>)
      %dma_start3A_562 = arith.constant 1 : i32
      %dma_start3A_563 = arith.constant 19 : i32
      %dma_start3A_564 = arith.constant 1 : i32
      %dma_start3A_565 = arith.constant 2432 : i32
      %dma_start3A_566 = arith.constant 0 : i32
      %dma_start3A_567 = tpu.memref_slice %arg8[%dma_start3A_564, %dma_start3A_565, %dma_start3A_566] : memref<2x2560x16xi32, #tpu.memory_space<vmem>> -> memref<1x128x16xi32, #tpu.memory_space<vmem>>
      %dma_start3A_568 = tpu.memref_squeeze %dma_start3A_567 : memref<1x128x16xi32, #tpu.memory_space<vmem>> -> memref<128x16xi32, #tpu.memory_space<vmem>>
      %dma_start3A_569 = arith.constant 0 : i32
      %dma_start3A_570 = tpu.memref_slice %arg6[%dma_start3A_562, %dma_start3A_563, %dma_start3A_569] : memref<2x20x128xi32, #tpu.memory_space<vmem>> -> memref<1x1x128xi32, #tpu.memory_space<vmem>>
      %dma_start3A_571 = tpu.memref_squeeze %dma_start3A_570 : memref<1x1x128xi32, #tpu.memory_space<vmem>> -> memref<128xi32, #tpu.memory_space<vmem>>
      %dma_start3A_572 = arith.constant 0 : i32
      %dma_start3A_573 = arith.constant 0 : i32
      %dma_start3A_574 = tpu.memref_slice %arg2[%dma_start3A_572, %dma_start3A_573] : memref<348160x16xi32, #tpu.memory_space<hbm>> -> memref<348160x16xi32, #tpu.memory_space<hbm>>
      tpu.enqueue_indirect_dma source(%dma_start3A_574 : memref<348160x16xi32, #tpu.memory_space<hbm>>) target(%dma_start3A_568 : memref<128x16xi32, #tpu.memory_space<vmem>>) offsets(%dma_start3A_571 : memref<128xi32, #tpu.memory_space<vmem>>) semaphore(%arg10 : memref<!tpu.dma_semaphore, #tpu.memory_space<semaphore_mem>>)
      %dma_wait3A_575 = arith.constant 0 : i32
      %dma_wait3A_576 = arith.constant 0 : i32
      %dma_wait3A_577 = arith.constant 0 : i32
      %dma_wait3A_578 = arith.constant 0 : i32
      %dma_wait3A_579 = arith.constant 0 : i32
      %dma_wait3A_580 = tpu.memref_slice %arg8[%dma_wait3A_577, %dma_wait3A_578, %dma_wait3A_579] : memref<2x2560x16xi32, #tpu.memory_space<vmem>> -> memref<1x128x16xi32, #tpu.memory_space<vmem>>
      %dma_wait3A_581 = tpu.memref_squeeze %dma_wait3A_580 : memref<1x128x16xi32, #tpu.memory_space<vmem>> -> memref<128x16xi32, #tpu.memory_space<vmem>>
      %dma_wait3A_582 = arith.constant 0 : i32
      %dma_wait3A_583 = tpu.memref_slice %arg6[%dma_wait3A_575, %dma_wait3A_576, %dma_wait3A_582] : memref<2x20x128xi32, #tpu.memory_space<vmem>> -> memref<1x1x128xi32, #tpu.memory_space<vmem>>
      %dma_wait3A_584 = tpu.memref_squeeze %dma_wait3A_583 : memref<1x1x128xi32, #tpu.memory_space<vmem>> -> memref<128xi32, #tpu.memory_space<vmem>>
      %dma_wait3A_585 = arith.constant 0 : i32
      %dma_wait3A_586 = arith.constant 0 : i32
      %dma_wait3A_587 = tpu.memref_slice %arg2[%dma_wait3A_585, %dma_wait3A_586] : memref<348160x16xi32, #tpu.memory_space<hbm>> -> memref<348160x16xi32, #tpu.memory_space<hbm>>
      tpu.wait_indirect_dma semaphore(%arg10 : memref<!tpu.dma_semaphore, #tpu.memory_space<semaphore_mem>>) src(%dma_wait3A_587 : memref<348160x16xi32, #tpu.memory_space<hbm>>) dst(%dma_wait3A_581 : memref<128x16xi32, #tpu.memory_space<vmem>>)
      %dma_wait3A_588 = arith.constant 0 : i32
      %dma_wait3A_589 = arith.constant 1 : i32
      %dma_wait3A_590 = arith.constant 0 : i32
      %dma_wait3A_591 = arith.constant 128 : i32
      %dma_wait3A_592 = arith.constant 0 : i32
      %dma_wait3A_593 = tpu.memref_slice %arg8[%dma_wait3A_590, %dma_wait3A_591, %dma_wait3A_592] : memref<2x2560x16xi32, #tpu.memory_space<vmem>> -> memref<1x128x16xi32, #tpu.memory_space<vmem>>
      %dma_wait3A_594 = tpu.memref_squeeze %dma_wait3A_593 : memref<1x128x16xi32, #tpu.memory_space<vmem>> -> memref<128x16xi32, #tpu.memory_space<vmem>>
      %dma_wait3A_595 = arith.constant 0 : i32
      %dma_wait3A_596 = tpu.memref_slice %arg6[%dma_wait3A_588, %dma_wait3A_589, %dma_wait3A_595] : memref<2x20x128xi32, #tpu.memory_space<vmem>> -> memref<1x1x128xi32, #tpu.memory_space<vmem>>
      %dma_wait3A_597 = tpu.memref_squeeze %dma_wait3A_596 : memref<1x1x128xi32, #tpu.memory_space<vmem>> -> memref<128xi32, #tpu.memory_space<vmem>>
      %dma_wait3A_598 = arith.constant 0 : i32
      %dma_wait3A_599 = arith.constant 0 : i32
      %dma_wait3A_600 = tpu.memref_slice %arg2[%dma_wait3A_598, %dma_wait3A_599] : memref<348160x16xi32, #tpu.memory_space<hbm>> -> memref<348160x16xi32, #tpu.memory_space<hbm>>
      tpu.wait_indirect_dma semaphore(%arg10 : memref<!tpu.dma_semaphore, #tpu.memory_space<semaphore_mem>>) src(%dma_wait3A_600 : memref<348160x16xi32, #tpu.memory_space<hbm>>) dst(%dma_wait3A_594 : memref<128x16xi32, #tpu.memory_space<vmem>>)
      %dma_wait3A_601 = arith.constant 0 : i32
      %dma_wait3A_602 = arith.constant 2 : i32
      %dma_wait3A_603 = arith.constant 0 : i32
      %dma_wait3A_604 = arith.constant 256 : i32
      %dma_wait3A_605 = arith.constant 0 : i32
      %dma_wait3A_606 = tpu.memref_slice %arg8[%dma_wait3A_603, %dma_wait3A_604, %dma_wait3A_605] : memref<2x2560x16xi32, #tpu.memory_space<vmem>> -> memref<1x128x16xi32, #tpu.memory_space<vmem>>
      %dma_wait3A_607 = tpu.memref_squeeze %dma_wait3A_606 : memref<1x128x16xi32, #tpu.memory_space<vmem>> -> memref<128x16xi32, #tpu.memory_space<vmem>>
      %dma_wait3A_608 = arith.constant 0 : i32
      %dma_wait3A_609 = tpu.memref_slice %arg6[%dma_wait3A_601, %dma_wait3A_602, %dma_wait3A_608] : memref<2x20x128xi32, #tpu.memory_space<vmem>> -> memref<1x1x128xi32, #tpu.memory_space<vmem>>
      %dma_wait3A_610 = tpu.memref_squeeze %dma_wait3A_609 : memref<1x1x128xi32, #tpu.memory_space<vmem>> -> memref<128xi32, #tpu.memory_space<vmem>>
      %dma_wait3A_611 = arith.constant 0 : i32
      %dma_wait3A_612 = arith.constant 0 : i32
      %dma_wait3A_613 = tpu.memref_slice %arg2[%dma_wait3A_611, %dma_wait3A_612] : memref<348160x16xi32, #tpu.memory_space<hbm>> -> memref<348160x16xi32, #tpu.memory_space<hbm>>
      tpu.wait_indirect_dma semaphore(%arg10 : memref<!tpu.dma_semaphore, #tpu.memory_space<semaphore_mem>>) src(%dma_wait3A_613 : memref<348160x16xi32, #tpu.memory_space<hbm>>) dst(%dma_wait3A_607 : memref<128x16xi32, #tpu.memory_space<vmem>>)
      %dma_wait3A_614 = arith.constant 0 : i32
      %dma_wait3A_615 = arith.constant 3 : i32
      %dma_wait3A_616 = arith.constant 0 : i32
      %dma_wait3A_617 = arith.constant 384 : i32
      %dma_wait3A_618 = arith.constant 0 : i32
      %dma_wait3A_619 = tpu.memref_slice %arg8[%dma_wait3A_616, %dma_wait3A_617, %dma_wait3A_618] : memref<2x2560x16xi32, #tpu.memory_space<vmem>> -> memref<1x128x16xi32, #tpu.memory_space<vmem>>
      %dma_wait3A_620 = tpu.memref_squeeze %dma_wait3A_619 : memref<1x128x16xi32, #tpu.memory_space<vmem>> -> memref<128x16xi32, #tpu.memory_space<vmem>>
      %dma_wait3A_621 = arith.constant 0 : i32
      %dma_wait3A_622 = tpu.memref_slice %arg6[%dma_wait3A_614, %dma_wait3A_615, %dma_wait3A_621] : memref<2x20x128xi32, #tpu.memory_space<vmem>> -> memref<1x1x128xi32, #tpu.memory_space<vmem>>
      %dma_wait3A_623 = tpu.memref_squeeze %dma_wait3A_622 : memref<1x1x128xi32, #tpu.memory_space<vmem>> -> memref<128xi32, #tpu.memory_space<vmem>>
      %dma_wait3A_624 = arith.constant 0 : i32
      %dma_wait3A_625 = arith.constant 0 : i32
      %dma_wait3A_626 = tpu.memref_slice %arg2[%dma_wait3A_624, %dma_wait3A_625] : memref<348160x16xi32, #tpu.memory_space<hbm>> -> memref<348160x16xi32, #tpu.memory_space<hbm>>
      tpu.wait_indirect_dma semaphore(%arg10 : memref<!tpu.dma_semaphore, #tpu.memory_space<semaphore_mem>>) src(%dma_wait3A_626 : memref<348160x16xi32, #tpu.memory_space<hbm>>) dst(%dma_wait3A_620 : memref<128x16xi32, #tpu.memory_space<vmem>>)
      %dma_wait3A_627 = arith.constant 0 : i32
      %dma_wait3A_628 = arith.constant 4 : i32
      %dma_wait3A_629 = arith.constant 0 : i32
      %dma_wait3A_630 = arith.constant 512 : i32
      %dma_wait3A_631 = arith.constant 0 : i32
      %dma_wait3A_632 = tpu.memref_slice %arg8[%dma_wait3A_629, %dma_wait3A_630, %dma_wait3A_631] : memref<2x2560x16xi32, #tpu.memory_space<vmem>> -> memref<1x128x16xi32, #tpu.memory_space<vmem>>
      %dma_wait3A_633 = tpu.memref_squeeze %dma_wait3A_632 : memref<1x128x16xi32, #tpu.memory_space<vmem>> -> memref<128x16xi32, #tpu.memory_space<vmem>>
      %dma_wait3A_634 = arith.constant 0 : i32
      %dma_wait3A_635 = tpu.memref_slice %arg6[%dma_wait3A_627, %dma_wait3A_628, %dma_wait3A_634] : memref<2x20x128xi32, #tpu.memory_space<vmem>> -> memref<1x1x128xi32, #tpu.memory_space<vmem>>
      %dma_wait3A_636 = tpu.memref_squeeze %dma_wait3A_635 : memref<1x1x128xi32, #tpu.memory_space<vmem>> -> memref<128xi32, #tpu.memory_space<vmem>>
      %dma_wait3A_637 = arith.constant 0 : i32
      %dma_wait3A_638 = arith.constant 0 : i32
      %dma_wait3A_639 = tpu.memref_slice %arg2[%dma_wait3A_637, %dma_wait3A_638] : memref<348160x16xi32, #tpu.memory_space<hbm>> -> memref<348160x16xi32, #tpu.memory_space<hbm>>
      tpu.wait_indirect_dma semaphore(%arg10 : memref<!tpu.dma_semaphore, #tpu.memory_space<semaphore_mem>>) src(%dma_wait3A_639 : memref<348160x16xi32, #tpu.memory_space<hbm>>) dst(%dma_wait3A_633 : memref<128x16xi32, #tpu.memory_space<vmem>>)
      %dma_wait3A_640 = arith.constant 0 : i32
      %dma_wait3A_641 = arith.constant 5 : i32
      %dma_wait3A_642 = arith.constant 0 : i32
      %dma_wait3A_643 = arith.constant 640 : i32
      %dma_wait3A_644 = arith.constant 0 : i32
      %dma_wait3A_645 = tpu.memref_slice %arg8[%dma_wait3A_642, %dma_wait3A_643, %dma_wait3A_644] : memref<2x2560x16xi32, #tpu.memory_space<vmem>> -> memref<1x128x16xi32, #tpu.memory_space<vmem>>
      %dma_wait3A_646 = tpu.memref_squeeze %dma_wait3A_645 : memref<1x128x16xi32, #tpu.memory_space<vmem>> -> memref<128x16xi32, #tpu.memory_space<vmem>>
      %dma_wait3A_647 = arith.constant 0 : i32
      %dma_wait3A_648 = tpu.memref_slice %arg6[%dma_wait3A_640, %dma_wait3A_641, %dma_wait3A_647] : memref<2x20x128xi32, #tpu.memory_space<vmem>> -> memref<1x1x128xi32, #tpu.memory_space<vmem>>
      %dma_wait3A_649 = tpu.memref_squeeze %dma_wait3A_648 : memref<1x1x128xi32, #tpu.memory_space<vmem>> -> memref<128xi32, #tpu.memory_space<vmem>>
      %dma_wait3A_650 = arith.constant 0 : i32
      %dma_wait3A_651 = arith.constant 0 : i32
      %dma_wait3A_652 = tpu.memref_slice %arg2[%dma_wait3A_650, %dma_wait3A_651] : memref<348160x16xi32, #tpu.memory_space<hbm>> -> memref<348160x16xi32, #tpu.memory_space<hbm>>
      tpu.wait_indirect_dma semaphore(%arg10 : memref<!tpu.dma_semaphore, #tpu.memory_space<semaphore_mem>>) src(%dma_wait3A_652 : memref<348160x16xi32, #tpu.memory_space<hbm>>) dst(%dma_wait3A_646 : memref<128x16xi32, #tpu.memory_space<vmem>>)
      %dma_wait3A_653 = arith.constant 0 : i32
      %dma_wait3A_654 = arith.constant 6 : i32
      %dma_wait3A_655 = arith.constant 0 : i32
      %dma_wait3A_656 = arith.constant 768 : i32
      %dma_wait3A_657 = arith.constant 0 : i32
      %dma_wait3A_658 = tpu.memref_slice %arg8[%dma_wait3A_655, %dma_wait3A_656, %dma_wait3A_657] : memref<2x2560x16xi32, #tpu.memory_space<vmem>> -> memref<1x128x16xi32, #tpu.memory_space<vmem>>
      %dma_wait3A_659 = tpu.memref_squeeze %dma_wait3A_658 : memref<1x128x16xi32, #tpu.memory_space<vmem>> -> memref<128x16xi32, #tpu.memory_space<vmem>>
      %dma_wait3A_660 = arith.constant 0 : i32
      %dma_wait3A_661 = tpu.memref_slice %arg6[%dma_wait3A_653, %dma_wait3A_654, %dma_wait3A_660] : memref<2x20x128xi32, #tpu.memory_space<vmem>> -> memref<1x1x128xi32, #tpu.memory_space<vmem>>
      %dma_wait3A_662 = tpu.memref_squeeze %dma_wait3A_661 : memref<1x1x128xi32, #tpu.memory_space<vmem>> -> memref<128xi32, #tpu.memory_space<vmem>>
      %dma_wait3A_663 = arith.constant 0 : i32
      %dma_wait3A_664 = arith.constant 0 : i32
      %dma_wait3A_665 = tpu.memref_slice %arg2[%dma_wait3A_663, %dma_wait3A_664] : memref<348160x16xi32, #tpu.memory_space<hbm>> -> memref<348160x16xi32, #tpu.memory_space<hbm>>
      tpu.wait_indirect_dma semaphore(%arg10 : memref<!tpu.dma_semaphore, #tpu.memory_space<semaphore_mem>>) src(%dma_wait3A_665 : memref<348160x16xi32, #tpu.memory_space<hbm>>) dst(%dma_wait3A_659 : memref<128x16xi32, #tpu.memory_space<vmem>>)
      %dma_wait3A_666 = arith.constant 0 : i32
      %dma_wait3A_667 = arith.constant 7 : i32
      %dma_wait3A_668 = arith.constant 0 : i32
      %dma_wait3A_669 = arith.constant 896 : i32
      %dma_wait3A_670 = arith.constant 0 : i32
      %dma_wait3A_671 = tpu.memref_slice %arg8[%dma_wait3A_668, %dma_wait3A_669, %dma_wait3A_670] : memref<2x2560x16xi32, #tpu.memory_space<vmem>> -> memref<1x128x16xi32, #tpu.memory_space<vmem>>
      %dma_wait3A_672 = tpu.memref_squeeze %dma_wait3A_671 : memref<1x128x16xi32, #tpu.memory_space<vmem>> -> memref<128x16xi32, #tpu.memory_space<vmem>>
      %dma_wait3A_673 = arith.constant 0 : i32
      %dma_wait3A_674 = tpu.memref_slice %arg6[%dma_wait3A_666, %dma_wait3A_667, %dma_wait3A_673] : memref<2x20x128xi32, #tpu.memory_space<vmem>> -> memref<1x1x128xi32, #tpu.memory_space<vmem>>
      %dma_wait3A_675 = tpu.memref_squeeze %dma_wait3A_674 : memref<1x1x128xi32, #tpu.memory_space<vmem>> -> memref<128xi32, #tpu.memory_space<vmem>>
      %dma_wait3A_676 = arith.constant 0 : i32
      %dma_wait3A_677 = arith.constant 0 : i32
      %dma_wait3A_678 = tpu.memref_slice %arg2[%dma_wait3A_676, %dma_wait3A_677] : memref<348160x16xi32, #tpu.memory_space<hbm>> -> memref<348160x16xi32, #tpu.memory_space<hbm>>
      tpu.wait_indirect_dma semaphore(%arg10 : memref<!tpu.dma_semaphore, #tpu.memory_space<semaphore_mem>>) src(%dma_wait3A_678 : memref<348160x16xi32, #tpu.memory_space<hbm>>) dst(%dma_wait3A_672 : memref<128x16xi32, #tpu.memory_space<vmem>>)
      %dma_wait3A_679 = arith.constant 0 : i32
      %dma_wait3A_680 = arith.constant 8 : i32
      %dma_wait3A_681 = arith.constant 0 : i32
      %dma_wait3A_682 = arith.constant 1024 : i32
      %dma_wait3A_683 = arith.constant 0 : i32
      %dma_wait3A_684 = tpu.memref_slice %arg8[%dma_wait3A_681, %dma_wait3A_682, %dma_wait3A_683] : memref<2x2560x16xi32, #tpu.memory_space<vmem>> -> memref<1x128x16xi32, #tpu.memory_space<vmem>>
      %dma_wait3A_685 = tpu.memref_squeeze %dma_wait3A_684 : memref<1x128x16xi32, #tpu.memory_space<vmem>> -> memref<128x16xi32, #tpu.memory_space<vmem>>
      %dma_wait3A_686 = arith.constant 0 : i32
      %dma_wait3A_687 = tpu.memref_slice %arg6[%dma_wait3A_679, %dma_wait3A_680, %dma_wait3A_686] : memref<2x20x128xi32, #tpu.memory_space<vmem>> -> memref<1x1x128xi32, #tpu.memory_space<vmem>>
      %dma_wait3A_688 = tpu.memref_squeeze %dma_wait3A_687 : memref<1x1x128xi32, #tpu.memory_space<vmem>> -> memref<128xi32, #tpu.memory_space<vmem>>
      %dma_wait3A_689 = arith.constant 0 : i32
      %dma_wait3A_690 = arith.constant 0 : i32
      %dma_wait3A_691 = tpu.memref_slice %arg2[%dma_wait3A_689, %dma_wait3A_690] : memref<348160x16xi32, #tpu.memory_space<hbm>> -> memref<348160x16xi32, #tpu.memory_space<hbm>>
      tpu.wait_indirect_dma semaphore(%arg10 : memref<!tpu.dma_semaphore, #tpu.memory_space<semaphore_mem>>) src(%dma_wait3A_691 : memref<348160x16xi32, #tpu.memory_space<hbm>>) dst(%dma_wait3A_685 : memref<128x16xi32, #tpu.memory_space<vmem>>)
      %dma_wait3A_692 = arith.constant 0 : i32
      %dma_wait3A_693 = arith.constant 9 : i32
      %dma_wait3A_694 = arith.constant 0 : i32
      %dma_wait3A_695 = arith.constant 1152 : i32
      %dma_wait3A_696 = arith.constant 0 : i32
      %dma_wait3A_697 = tpu.memref_slice %arg8[%dma_wait3A_694, %dma_wait3A_695, %dma_wait3A_696] : memref<2x2560x16xi32, #tpu.memory_space<vmem>> -> memref<1x128x16xi32, #tpu.memory_space<vmem>>
      %dma_wait3A_698 = tpu.memref_squeeze %dma_wait3A_697 : memref<1x128x16xi32, #tpu.memory_space<vmem>> -> memref<128x16xi32, #tpu.memory_space<vmem>>
      %dma_wait3A_699 = arith.constant 0 : i32
      %dma_wait3A_700 = tpu.memref_slice %arg6[%dma_wait3A_692, %dma_wait3A_693, %dma_wait3A_699] : memref<2x20x128xi32, #tpu.memory_space<vmem>> -> memref<1x1x128xi32, #tpu.memory_space<vmem>>
      %dma_wait3A_701 = tpu.memref_squeeze %dma_wait3A_700 : memref<1x1x128xi32, #tpu.memory_space<vmem>> -> memref<128xi32, #tpu.memory_space<vmem>>
      %dma_wait3A_702 = arith.constant 0 : i32
      %dma_wait3A_703 = arith.constant 0 : i32
      %dma_wait3A_704 = tpu.memref_slice %arg2[%dma_wait3A_702, %dma_wait3A_703] : memref<348160x16xi32, #tpu.memory_space<hbm>> -> memref<348160x16xi32, #tpu.memory_space<hbm>>
      tpu.wait_indirect_dma semaphore(%arg10 : memref<!tpu.dma_semaphore, #tpu.memory_space<semaphore_mem>>) src(%dma_wait3A_704 : memref<348160x16xi32, #tpu.memory_space<hbm>>) dst(%dma_wait3A_698 : memref<128x16xi32, #tpu.memory_space<vmem>>)
      %dma_wait3A_705 = arith.constant 0 : i32
      %dma_wait3A_706 = arith.constant 10 : i32
      %dma_wait3A_707 = arith.constant 0 : i32
      %dma_wait3A_708 = arith.constant 1280 : i32
      %dma_wait3A_709 = arith.constant 0 : i32
      %dma_wait3A_710 = tpu.memref_slice %arg8[%dma_wait3A_707, %dma_wait3A_708, %dma_wait3A_709] : memref<2x2560x16xi32, #tpu.memory_space<vmem>> -> memref<1x128x16xi32, #tpu.memory_space<vmem>>
      %dma_wait3A_711 = tpu.memref_squeeze %dma_wait3A_710 : memref<1x128x16xi32, #tpu.memory_space<vmem>> -> memref<128x16xi32, #tpu.memory_space<vmem>>
      %dma_wait3A_712 = arith.constant 0 : i32
      %dma_wait3A_713 = tpu.memref_slice %arg6[%dma_wait3A_705, %dma_wait3A_706, %dma_wait3A_712] : memref<2x20x128xi32, #tpu.memory_space<vmem>> -> memref<1x1x128xi32, #tpu.memory_space<vmem>>
      %dma_wait3A_714 = tpu.memref_squeeze %dma_wait3A_713 : memref<1x1x128xi32, #tpu.memory_space<vmem>> -> memref<128xi32, #tpu.memory_space<vmem>>
      %dma_wait3A_715 = arith.constant 0 : i32
      %dma_wait3A_716 = arith.constant 0 : i32
      %dma_wait3A_717 = tpu.memref_slice %arg2[%dma_wait3A_715, %dma_wait3A_716] : memref<348160x16xi32, #tpu.memory_space<hbm>> -> memref<348160x16xi32, #tpu.memory_space<hbm>>
      tpu.wait_indirect_dma semaphore(%arg10 : memref<!tpu.dma_semaphore, #tpu.memory_space<semaphore_mem>>) src(%dma_wait3A_717 : memref<348160x16xi32, #tpu.memory_space<hbm>>) dst(%dma_wait3A_711 : memref<128x16xi32, #tpu.memory_space<vmem>>)
      %dma_wait3A_718 = arith.constant 0 : i32
      %dma_wait3A_719 = arith.constant 11 : i32
      %dma_wait3A_720 = arith.constant 0 : i32
      %dma_wait3A_721 = arith.constant 1408 : i32
      %dma_wait3A_722 = arith.constant 0 : i32
      %dma_wait3A_723 = tpu.memref_slice %arg8[%dma_wait3A_720, %dma_wait3A_721, %dma_wait3A_722] : memref<2x2560x16xi32, #tpu.memory_space<vmem>> -> memref<1x128x16xi32, #tpu.memory_space<vmem>>
      %dma_wait3A_724 = tpu.memref_squeeze %dma_wait3A_723 : memref<1x128x16xi32, #tpu.memory_space<vmem>> -> memref<128x16xi32, #tpu.memory_space<vmem>>
      %dma_wait3A_725 = arith.constant 0 : i32
      %dma_wait3A_726 = tpu.memref_slice %arg6[%dma_wait3A_718, %dma_wait3A_719, %dma_wait3A_725] : memref<2x20x128xi32, #tpu.memory_space<vmem>> -> memref<1x1x128xi32, #tpu.memory_space<vmem>>
      %dma_wait3A_727 = tpu.memref_squeeze %dma_wait3A_726 : memref<1x1x128xi32, #tpu.memory_space<vmem>> -> memref<128xi32, #tpu.memory_space<vmem>>
      %dma_wait3A_728 = arith.constant 0 : i32
      %dma_wait3A_729 = arith.constant 0 : i32
      %dma_wait3A_730 = tpu.memref_slice %arg2[%dma_wait3A_728, %dma_wait3A_729] : memref<348160x16xi32, #tpu.memory_space<hbm>> -> memref<348160x16xi32, #tpu.memory_space<hbm>>
      tpu.wait_indirect_dma semaphore(%arg10 : memref<!tpu.dma_semaphore, #tpu.memory_space<semaphore_mem>>) src(%dma_wait3A_730 : memref<348160x16xi32, #tpu.memory_space<hbm>>) dst(%dma_wait3A_724 : memref<128x16xi32, #tpu.memory_space<vmem>>)
      %dma_wait3A_731 = arith.constant 0 : i32
      %dma_wait3A_732 = arith.constant 12 : i32
      %dma_wait3A_733 = arith.constant 0 : i32
      %dma_wait3A_734 = arith.constant 1536 : i32
      %dma_wait3A_735 = arith.constant 0 : i32
      %dma_wait3A_736 = tpu.memref_slice %arg8[%dma_wait3A_733, %dma_wait3A_734, %dma_wait3A_735] : memref<2x2560x16xi32, #tpu.memory_space<vmem>> -> memref<1x128x16xi32, #tpu.memory_space<vmem>>
      %dma_wait3A_737 = tpu.memref_squeeze %dma_wait3A_736 : memref<1x128x16xi32, #tpu.memory_space<vmem>> -> memref<128x16xi32, #tpu.memory_space<vmem>>
      %dma_wait3A_738 = arith.constant 0 : i32
      %dma_wait3A_739 = tpu.memref_slice %arg6[%dma_wait3A_731, %dma_wait3A_732, %dma_wait3A_738] : memref<2x20x128xi32, #tpu.memory_space<vmem>> -> memref<1x1x128xi32, #tpu.memory_space<vmem>>
      %dma_wait3A_740 = tpu.memref_squeeze %dma_wait3A_739 : memref<1x1x128xi32, #tpu.memory_space<vmem>> -> memref<128xi32, #tpu.memory_space<vmem>>
      %dma_wait3A_741 = arith.constant 0 : i32
      %dma_wait3A_742 = arith.constant 0 : i32
      %dma_wait3A_743 = tpu.memref_slice %arg2[%dma_wait3A_741, %dma_wait3A_742] : memref<348160x16xi32, #tpu.memory_space<hbm>> -> memref<348160x16xi32, #tpu.memory_space<hbm>>
      tpu.wait_indirect_dma semaphore(%arg10 : memref<!tpu.dma_semaphore, #tpu.memory_space<semaphore_mem>>) src(%dma_wait3A_743 : memref<348160x16xi32, #tpu.memory_space<hbm>>) dst(%dma_wait3A_737 : memref<128x16xi32, #tpu.memory_space<vmem>>)
      %dma_wait3A_744 = arith.constant 0 : i32
      %dma_wait3A_745 = arith.constant 13 : i32
      %dma_wait3A_746 = arith.constant 0 : i32
      %dma_wait3A_747 = arith.constant 1664 : i32
      %dma_wait3A_748 = arith.constant 0 : i32
      %dma_wait3A_749 = tpu.memref_slice %arg8[%dma_wait3A_746, %dma_wait3A_747, %dma_wait3A_748] : memref<2x2560x16xi32, #tpu.memory_space<vmem>> -> memref<1x128x16xi32, #tpu.memory_space<vmem>>
      %dma_wait3A_750 = tpu.memref_squeeze %dma_wait3A_749 : memref<1x128x16xi32, #tpu.memory_space<vmem>> -> memref<128x16xi32, #tpu.memory_space<vmem>>
      %dma_wait3A_751 = arith.constant 0 : i32
      %dma_wait3A_752 = tpu.memref_slice %arg6[%dma_wait3A_744, %dma_wait3A_745, %dma_wait3A_751] : memref<2x20x128xi32, #tpu.memory_space<vmem>> -> memref<1x1x128xi32, #tpu.memory_space<vmem>>
      %dma_wait3A_753 = tpu.memref_squeeze %dma_wait3A_752 : memref<1x1x128xi32, #tpu.memory_space<vmem>> -> memref<128xi32, #tpu.memory_space<vmem>>
      %dma_wait3A_754 = arith.constant 0 : i32
      %dma_wait3A_755 = arith.constant 0 : i32
      %dma_wait3A_756 = tpu.memref_slice %arg2[%dma_wait3A_754, %dma_wait3A_755] : memref<348160x16xi32, #tpu.memory_space<hbm>> -> memref<348160x16xi32, #tpu.memory_space<hbm>>
      tpu.wait_indirect_dma semaphore(%arg10 : memref<!tpu.dma_semaphore, #tpu.memory_space<semaphore_mem>>) src(%dma_wait3A_756 : memref<348160x16xi32, #tpu.memory_space<hbm>>) dst(%dma_wait3A_750 : memref<128x16xi32, #tpu.memory_space<vmem>>)
      %dma_wait3A_757 = arith.constant 0 : i32
      %dma_wait3A_758 = arith.constant 14 : i32
      %dma_wait3A_759 = arith.constant 0 : i32
      %dma_wait3A_760 = arith.constant 1792 : i32
      %dma_wait3A_761 = arith.constant 0 : i32
      %dma_wait3A_762 = tpu.memref_slice %arg8[%dma_wait3A_759, %dma_wait3A_760, %dma_wait3A_761] : memref<2x2560x16xi32, #tpu.memory_space<vmem>> -> memref<1x128x16xi32, #tpu.memory_space<vmem>>
      %dma_wait3A_763 = tpu.memref_squeeze %dma_wait3A_762 : memref<1x128x16xi32, #tpu.memory_space<vmem>> -> memref<128x16xi32, #tpu.memory_space<vmem>>
      %dma_wait3A_764 = arith.constant 0 : i32
      %dma_wait3A_765 = tpu.memref_slice %arg6[%dma_wait3A_757, %dma_wait3A_758, %dma_wait3A_764] : memref<2x20x128xi32, #tpu.memory_space<vmem>> -> memref<1x1x128xi32, #tpu.memory_space<vmem>>
      %dma_wait3A_766 = tpu.memref_squeeze %dma_wait3A_765 : memref<1x1x128xi32, #tpu.memory_space<vmem>> -> memref<128xi32, #tpu.memory_space<vmem>>
      %dma_wait3A_767 = arith.constant 0 : i32
      %dma_wait3A_768 = arith.constant 0 : i32
      %dma_wait3A_769 = tpu.memref_slice %arg2[%dma_wait3A_767, %dma_wait3A_768] : memref<348160x16xi32, #tpu.memory_space<hbm>> -> memref<348160x16xi32, #tpu.memory_space<hbm>>
      tpu.wait_indirect_dma semaphore(%arg10 : memref<!tpu.dma_semaphore, #tpu.memory_space<semaphore_mem>>) src(%dma_wait3A_769 : memref<348160x16xi32, #tpu.memory_space<hbm>>) dst(%dma_wait3A_763 : memref<128x16xi32, #tpu.memory_space<vmem>>)
      %dma_wait3A_770 = arith.constant 0 : i32
      %dma_wait3A_771 = arith.constant 15 : i32
      %dma_wait3A_772 = arith.constant 0 : i32
      %dma_wait3A_773 = arith.constant 1920 : i32
      %dma_wait3A_774 = arith.constant 0 : i32
      %dma_wait3A_775 = tpu.memref_slice %arg8[%dma_wait3A_772, %dma_wait3A_773, %dma_wait3A_774] : memref<2x2560x16xi32, #tpu.memory_space<vmem>> -> memref<1x128x16xi32, #tpu.memory_space<vmem>>
      %dma_wait3A_776 = tpu.memref_squeeze %dma_wait3A_775 : memref<1x128x16xi32, #tpu.memory_space<vmem>> -> memref<128x16xi32, #tpu.memory_space<vmem>>
      %dma_wait3A_777 = arith.constant 0 : i32
      %dma_wait3A_778 = tpu.memref_slice %arg6[%dma_wait3A_770, %dma_wait3A_771, %dma_wait3A_777] : memref<2x20x128xi32, #tpu.memory_space<vmem>> -> memref<1x1x128xi32, #tpu.memory_space<vmem>>
      %dma_wait3A_779 = tpu.memref_squeeze %dma_wait3A_778 : memref<1x1x128xi32, #tpu.memory_space<vmem>> -> memref<128xi32, #tpu.memory_space<vmem>>
      %dma_wait3A_780 = arith.constant 0 : i32
      %dma_wait3A_781 = arith.constant 0 : i32
      %dma_wait3A_782 = tpu.memref_slice %arg2[%dma_wait3A_780, %dma_wait3A_781] : memref<348160x16xi32, #tpu.memory_space<hbm>> -> memref<348160x16xi32, #tpu.memory_space<hbm>>
      tpu.wait_indirect_dma semaphore(%arg10 : memref<!tpu.dma_semaphore, #tpu.memory_space<semaphore_mem>>) src(%dma_wait3A_782 : memref<348160x16xi32, #tpu.memory_space<hbm>>) dst(%dma_wait3A_776 : memref<128x16xi32, #tpu.memory_space<vmem>>)
      %dma_wait3A_783 = arith.constant 0 : i32
      %dma_wait3A_784 = arith.constant 16 : i32
      %dma_wait3A_785 = arith.constant 0 : i32
      %dma_wait3A_786 = arith.constant 2048 : i32
      %dma_wait3A_787 = arith.constant 0 : i32
      %dma_wait3A_788 = tpu.memref_slice %arg8[%dma_wait3A_785, %dma_wait3A_786, %dma_wait3A_787] : memref<2x2560x16xi32, #tpu.memory_space<vmem>> -> memref<1x128x16xi32, #tpu.memory_space<vmem>>
      %dma_wait3A_789 = tpu.memref_squeeze %dma_wait3A_788 : memref<1x128x16xi32, #tpu.memory_space<vmem>> -> memref<128x16xi32, #tpu.memory_space<vmem>>
      %dma_wait3A_790 = arith.constant 0 : i32
      %dma_wait3A_791 = tpu.memref_slice %arg6[%dma_wait3A_783, %dma_wait3A_784, %dma_wait3A_790] : memref<2x20x128xi32, #tpu.memory_space<vmem>> -> memref<1x1x128xi32, #tpu.memory_space<vmem>>
      %dma_wait3A_792 = tpu.memref_squeeze %dma_wait3A_791 : memref<1x1x128xi32, #tpu.memory_space<vmem>> -> memref<128xi32, #tpu.memory_space<vmem>>
      %dma_wait3A_793 = arith.constant 0 : i32
      %dma_wait3A_794 = arith.constant 0 : i32
      %dma_wait3A_795 = tpu.memref_slice %arg2[%dma_wait3A_793, %dma_wait3A_794] : memref<348160x16xi32, #tpu.memory_space<hbm>> -> memref<348160x16xi32, #tpu.memory_space<hbm>>
      tpu.wait_indirect_dma semaphore(%arg10 : memref<!tpu.dma_semaphore, #tpu.memory_space<semaphore_mem>>) src(%dma_wait3A_795 : memref<348160x16xi32, #tpu.memory_space<hbm>>) dst(%dma_wait3A_789 : memref<128x16xi32, #tpu.memory_space<vmem>>)
      %dma_wait3A_796 = arith.constant 0 : i32
      %dma_wait3A_797 = arith.constant 17 : i32
      %dma_wait3A_798 = arith.constant 0 : i32
      %dma_wait3A_799 = arith.constant 2176 : i32
      %dma_wait3A_800 = arith.constant 0 : i32
      %dma_wait3A_801 = tpu.memref_slice %arg8[%dma_wait3A_798, %dma_wait3A_799, %dma_wait3A_800] : memref<2x2560x16xi32, #tpu.memory_space<vmem>> -> memref<1x128x16xi32, #tpu.memory_space<vmem>>
      %dma_wait3A_802 = tpu.memref_squeeze %dma_wait3A_801 : memref<1x128x16xi32, #tpu.memory_space<vmem>> -> memref<128x16xi32, #tpu.memory_space<vmem>>
      %dma_wait3A_803 = arith.constant 0 : i32
      %dma_wait3A_804 = tpu.memref_slice %arg6[%dma_wait3A_796, %dma_wait3A_797, %dma_wait3A_803] : memref<2x20x128xi32, #tpu.memory_space<vmem>> -> memref<1x1x128xi32, #tpu.memory_space<vmem>>
      %dma_wait3A_805 = tpu.memref_squeeze %dma_wait3A_804 : memref<1x1x128xi32, #tpu.memory_space<vmem>> -> memref<128xi32, #tpu.memory_space<vmem>>
      %dma_wait3A_806 = arith.constant 0 : i32
      %dma_wait3A_807 = arith.constant 0 : i32
      %dma_wait3A_808 = tpu.memref_slice %arg2[%dma_wait3A_806, %dma_wait3A_807] : memref<348160x16xi32, #tpu.memory_space<hbm>> -> memref<348160x16xi32, #tpu.memory_space<hbm>>
      tpu.wait_indirect_dma semaphore(%arg10 : memref<!tpu.dma_semaphore, #tpu.memory_space<semaphore_mem>>) src(%dma_wait3A_808 : memref<348160x16xi32, #tpu.memory_space<hbm>>) dst(%dma_wait3A_802 : memref<128x16xi32, #tpu.memory_space<vmem>>)
      %dma_wait3A_809 = arith.constant 0 : i32
      %dma_wait3A_810 = arith.constant 18 : i32
      %dma_wait3A_811 = arith.constant 0 : i32
      %dma_wait3A_812 = arith.constant 2304 : i32
      %dma_wait3A_813 = arith.constant 0 : i32
      %dma_wait3A_814 = tpu.memref_slice %arg8[%dma_wait3A_811, %dma_wait3A_812, %dma_wait3A_813] : memref<2x2560x16xi32, #tpu.memory_space<vmem>> -> memref<1x128x16xi32, #tpu.memory_space<vmem>>
      %dma_wait3A_815 = tpu.memref_squeeze %dma_wait3A_814 : memref<1x128x16xi32, #tpu.memory_space<vmem>> -> memref<128x16xi32, #tpu.memory_space<vmem>>
      %dma_wait3A_816 = arith.constant 0 : i32
      %dma_wait3A_817 = tpu.memref_slice %arg6[%dma_wait3A_809, %dma_wait3A_810, %dma_wait3A_816] : memref<2x20x128xi32, #tpu.memory_space<vmem>> -> memref<1x1x128xi32, #tpu.memory_space<vmem>>
      %dma_wait3A_818 = tpu.memref_squeeze %dma_wait3A_817 : memref<1x1x128xi32, #tpu.memory_space<vmem>> -> memref<128xi32, #tpu.memory_space<vmem>>
      %dma_wait3A_819 = arith.constant 0 : i32
      %dma_wait3A_820 = arith.constant 0 : i32
      %dma_wait3A_821 = tpu.memref_slice %arg2[%dma_wait3A_819, %dma_wait3A_820] : memref<348160x16xi32, #tpu.memory_space<hbm>> -> memref<348160x16xi32, #tpu.memory_space<hbm>>
      tpu.wait_indirect_dma semaphore(%arg10 : memref<!tpu.dma_semaphore, #tpu.memory_space<semaphore_mem>>) src(%dma_wait3A_821 : memref<348160x16xi32, #tpu.memory_space<hbm>>) dst(%dma_wait3A_815 : memref<128x16xi32, #tpu.memory_space<vmem>>)
      %dma_wait3A_822 = arith.constant 0 : i32
      %dma_wait3A_823 = arith.constant 19 : i32
      %dma_wait3A_824 = arith.constant 0 : i32
      %dma_wait3A_825 = arith.constant 2432 : i32
      %dma_wait3A_826 = arith.constant 0 : i32
      %dma_wait3A_827 = tpu.memref_slice %arg8[%dma_wait3A_824, %dma_wait3A_825, %dma_wait3A_826] : memref<2x2560x16xi32, #tpu.memory_space<vmem>> -> memref<1x128x16xi32, #tpu.memory_space<vmem>>
      %dma_wait3A_828 = tpu.memref_squeeze %dma_wait3A_827 : memref<1x128x16xi32, #tpu.memory_space<vmem>> -> memref<128x16xi32, #tpu.memory_space<vmem>>
      %dma_wait3A_829 = arith.constant 0 : i32
      %dma_wait3A_830 = tpu.memref_slice %arg6[%dma_wait3A_822, %dma_wait3A_823, %dma_wait3A_829] : memref<2x20x128xi32, #tpu.memory_space<vmem>> -> memref<1x1x128xi32, #tpu.memory_space<vmem>>
      %dma_wait3A_831 = tpu.memref_squeeze %dma_wait3A_830 : memref<1x1x128xi32, #tpu.memory_space<vmem>> -> memref<128xi32, #tpu.memory_space<vmem>>
      %dma_wait3A_832 = arith.constant 0 : i32
      %dma_wait3A_833 = arith.constant 0 : i32
      %dma_wait3A_834 = tpu.memref_slice %arg2[%dma_wait3A_832, %dma_wait3A_833] : memref<348160x16xi32, #tpu.memory_space<hbm>> -> memref<348160x16xi32, #tpu.memory_space<hbm>>
      tpu.wait_indirect_dma semaphore(%arg10 : memref<!tpu.dma_semaphore, #tpu.memory_space<semaphore_mem>>) src(%dma_wait3A_834 : memref<348160x16xi32, #tpu.memory_space<hbm>>) dst(%dma_wait3A_828 : memref<128x16xi32, #tpu.memory_space<vmem>>)
      %ge3A = arith.constant 1 : i32
      %ge3A_835 = arith.cmpi sge, %scan3A_301, %ge3A : i32
      %convert_element_type3A = arith.extui %ge3A_835 : i1 to i32
      %cond3A = arith.constant 0 : i32
      %cond3A_836 = arith.cmpi ne, %convert_element_type3A, %cond3A : i32
      scf.if %cond3A_836 {
        %dma_wait3A_1140 = arith.constant 0 : i32
        %dma_wait3A_1141 = arith.constant 0 : i32
        %dma_wait3A_1142 = arith.constant 0 : i32
        %dma_wait3A_1143 = tpu.memref_slice %arg9[%dma_wait3A_1140, %dma_wait3A_1141, %dma_wait3A_1142] : memref<2x40x32xf32, #tpu.memory_space<vmem>> -> memref<1x40x32xf32, #tpu.memory_space<vmem>>
        %dma_wait3A_1144 = tpu.memref_squeeze %dma_wait3A_1143 : memref<1x40x32xf32, #tpu.memory_space<vmem>> -> memref<40x32xf32, #tpu.memory_space<vmem>>
        %dma_wait3A_1145 = arith.constant 0 : i32
        %dma_wait3A_1146 = arith.constant 0 : i32
        %dma_wait3A_1147 = tpu.memref_slice %arg5[%dma_wait3A_1145, %dma_wait3A_1146] : memref<348160x32xf32, #tpu.memory_space<hbm>> -> memref<40x32xf32, #tpu.memory_space<hbm>>
        %dma_wait3A_1148 = arith.constant 0 : i32
        %dma_wait3A_1149 = arith.constant 0 : i32
        %dma_wait3A_1150 = tpu.memref_slice %arg5[%dma_wait3A_1148, %dma_wait3A_1149] : memref<348160x32xf32, #tpu.memory_space<hbm>> -> memref<40x32xf32, #tpu.memory_space<hbm>>
        %dma_wait3A_1151 = arith.constant 0 : i32
        %dma_wait3A_1152 = arith.constant 0 : i32
        %dma_wait3A_1153 = tpu.memref_slice %arg9[%dma_wait3A_1140, %dma_wait3A_1151, %dma_wait3A_1152] : memref<2x40x32xf32, #tpu.memory_space<vmem>> -> memref<1x40x32xf32, #tpu.memory_space<vmem>>
        %dma_wait3A_1154 = tpu.memref_squeeze %dma_wait3A_1153 : memref<1x40x32xf32, #tpu.memory_space<vmem>> -> memref<40x32xf32, #tpu.memory_space<vmem>>
        tpu.wait_dma2 semaphore(%arg11 : memref<!tpu.dma_semaphore, #tpu.memory_space<semaphore_mem>>) src(%dma_wait3A_1154 : memref<40x32xf32, #tpu.memory_space<vmem>>) dst(%dma_wait3A_1150 : memref<40x32xf32, #tpu.memory_space<hbm>>)
      } else {
      }
      %mul3A_837 = arith.constant 8 : i32
      %mul3A_838 = arith.muli %add3A_306, %mul3A_837 : i32
      %dma_start3A_839 = arith.constant 0 : i32
      %dma_start3A_840 = arith.constant 0 : i32
      %dma_start3A_841 = arith.constant 0 : i32
      %dma_start3A_842 = tpu.memref_slice %arg9[%dma_start3A_839, %dma_start3A_840, %dma_start3A_841] : memref<2x40x32xf32, #tpu.memory_space<vmem>> -> memref<1x40x32xf32, #tpu.memory_space<vmem>>
      %dma_start3A_843 = tpu.memref_squeeze %dma_start3A_842 : memref<1x40x32xf32, #tpu.memory_space<vmem>> -> memref<40x32xf32, #tpu.memory_space<vmem>>
      %dma_start3A_844 = arith.constant 0 : i32
      %dma_start3A_845 = tpu.memref_slice %arg5[%mul3A_838, %dma_start3A_844] : memref<348160x32xf32, #tpu.memory_space<hbm>> -> memref<40x32xf32, #tpu.memory_space<hbm>>
      %dma_start3A_846 = arith.constant 0 : i32
      %dma_start3A_847 = tpu.memref_slice %arg5[%mul3A_838, %dma_start3A_846] : memref<348160x32xf32, #tpu.memory_space<hbm>> -> memref<40x32xf32, #tpu.memory_space<hbm>>
      %dma_start3A_848 = arith.constant 0 : i32
      %dma_start3A_849 = arith.constant 0 : i32
      %dma_start3A_850 = tpu.memref_slice %arg9[%dma_start3A_839, %dma_start3A_848, %dma_start3A_849] : memref<2x40x32xf32, #tpu.memory_space<vmem>> -> memref<1x40x32xf32, #tpu.memory_space<vmem>>
      %dma_start3A_851 = tpu.memref_squeeze %dma_start3A_850 : memref<1x40x32xf32, #tpu.memory_space<vmem>> -> memref<40x32xf32, #tpu.memory_space<vmem>>
      tpu.enqueue_dma source(%dma_start3A_851 : memref<40x32xf32, #tpu.memory_space<vmem>>) target(%dma_start3A_847 : memref<40x32xf32, #tpu.memory_space<hbm>>) target_semaphore(%arg11 : memref<!tpu.dma_semaphore, #tpu.memory_space<semaphore_mem>>)
      %add3A_852 = arith.constant 1 : i32
      %add3A_853 = arith.addi %scan3A_301, %add3A_852 : i32
      %lt3A = arith.constant 136 : i32
      %lt3A_854 = arith.cmpi slt, %add3A_853, %lt3A : i32
      %convert_element_type3A_855 = arith.extui %lt3A_854 : i1 to i32
      %cond3A_856 = arith.constant 0 : i32
      %cond3A_857 = arith.cmpi ne, %convert_element_type3A_855, %cond3A_856 : i32
      scf.if %cond3A_857 {
        %add3A_1140 = arith.constant 10 : i32
        %add3A_1141 = arith.addi %add3A_306, %add3A_1140 : i32
        %mul3A_1142 = arith.constant 4 : i32
        %mul3A_1143 = arith.muli %add3A_1141, %mul3A_1142 : i32
        %run_scoped3A_1144 = arith.constant 0 : i32
        "tpu.region"() ({
          %run_scoped3A_1408 = tpu.sem_alloc : memref<!tpu.dma_semaphore, #tpu.memory_space<semaphore_mem>>
          %dma_start3A_1409 = arith.constant 0 : i32
          %dma_start3A_1410 = arith.constant 0 : i32
          %dma_start3A_1411 = tpu.memref_slice %arg6[%run_scoped3A_1144, %dma_start3A_1409, %dma_start3A_1410] : memref<2x20x128xi32, #tpu.memory_space<vmem>> -> memref<1x20x128xi32, #tpu.memory_space<vmem>>
          %dma_start3A_1412 = tpu.memref_squeeze %dma_start3A_1411 : memref<1x20x128xi32, #tpu.memory_space<vmem>> -> memref<20x128xi32, #tpu.memory_space<vmem>>
          %dma_start3A_1413 = arith.constant 0 : i32
          %dma_start3A_1414 = tpu.memref_slice %arg3[%mul3A_1143, %dma_start3A_1413] : memref<174080x128xi32, #tpu.memory_space<hbm>> -> memref<20x128xi32, #tpu.memory_space<hbm>>
          %dma_start3A_1415 = arith.constant 0 : i32
          %dma_start3A_1416 = arith.constant 0 : i32
          %dma_start3A_1417 = tpu.memref_slice %arg6[%run_scoped3A_1144, %dma_start3A_1415, %dma_start3A_1416] : memref<2x20x128xi32, #tpu.memory_space<vmem>> -> memref<1x20x128xi32, #tpu.memory_space<vmem>>
          %dma_start3A_1418 = tpu.memref_squeeze %dma_start3A_1417 : memref<1x20x128xi32, #tpu.memory_space<vmem>> -> memref<20x128xi32, #tpu.memory_space<vmem>>
          %dma_start3A_1419 = arith.constant 0 : i32
          %dma_start3A_1420 = tpu.memref_slice %arg3[%mul3A_1143, %dma_start3A_1419] : memref<174080x128xi32, #tpu.memory_space<hbm>> -> memref<20x128xi32, #tpu.memory_space<hbm>>
          tpu.enqueue_dma source(%dma_start3A_1420 : memref<20x128xi32, #tpu.memory_space<hbm>>) target(%dma_start3A_1418 : memref<20x128xi32, #tpu.memory_space<vmem>>) target_semaphore(%run_scoped3A_1408 : memref<!tpu.dma_semaphore, #tpu.memory_space<semaphore_mem>>)
          %dma_wait3A_1421 = arith.constant 0 : i32
          %dma_wait3A_1422 = arith.constant 0 : i32
          %dma_wait3A_1423 = tpu.memref_slice %arg6[%run_scoped3A_1144, %dma_wait3A_1421, %dma_wait3A_1422] : memref<2x20x128xi32, #tpu.memory_space<vmem>> -> memref<1x20x128xi32, #tpu.memory_space<vmem>>
          %dma_wait3A_1424 = tpu.memref_squeeze %dma_wait3A_1423 : memref<1x20x128xi32, #tpu.memory_space<vmem>> -> memref<20x128xi32, #tpu.memory_space<vmem>>
          %dma_wait3A_1425 = arith.constant 0 : i32
          %dma_wait3A_1426 = tpu.memref_slice %arg3[%mul3A_1143, %dma_wait3A_1425] : memref<174080x128xi32, #tpu.memory_space<hbm>> -> memref<20x128xi32, #tpu.memory_space<hbm>>
          %dma_wait3A_1427 = arith.constant 0 : i32
          %dma_wait3A_1428 = arith.constant 0 : i32
          %dma_wait3A_1429 = tpu.memref_slice %arg6[%run_scoped3A_1144, %dma_wait3A_1427, %dma_wait3A_1428] : memref<2x20x128xi32, #tpu.memory_space<vmem>> -> memref<1x20x128xi32, #tpu.memory_space<vmem>>
          %dma_wait3A_1430 = tpu.memref_squeeze %dma_wait3A_1429 : memref<1x20x128xi32, #tpu.memory_space<vmem>> -> memref<20x128xi32, #tpu.memory_space<vmem>>
          %dma_wait3A_1431 = arith.constant 0 : i32
          %dma_wait3A_1432 = tpu.memref_slice %arg3[%mul3A_1143, %dma_wait3A_1431] : memref<174080x128xi32, #tpu.memory_space<hbm>> -> memref<20x128xi32, #tpu.memory_space<hbm>>
          tpu.wait_dma2 semaphore(%run_scoped3A_1408 : memref<!tpu.dma_semaphore, #tpu.memory_space<semaphore_mem>>) src(%dma_wait3A_1432 : memref<20x128xi32, #tpu.memory_space<hbm>>) dst(%dma_wait3A_1430 : memref<20x128xi32, #tpu.memory_space<vmem>>)
          tpu.yield
        }) : () -> ()
        %mul3A_1145 = arith.constant 512 : i32
        %mul3A_1146 = arith.muli %add3A_1141, %mul3A_1145 : i32
        %run_scoped3A_1147 = arith.constant 0 : i32
        "tpu.region"() ({
          %run_scoped3A_1408 = tpu.sem_alloc : memref<!tpu.dma_semaphore, #tpu.memory_space<semaphore_mem>>
          %dma_start3A_1409 = arith.constant 0 : i32
          %dma_start3A_1410 = tpu.memref_slice %arg7[%run_scoped3A_1147, %dma_start3A_1409] : memref<2x2560xf32, #tpu.memory_space<vmem>> -> memref<1x2560xf32, #tpu.memory_space<vmem>>
          %dma_start3A_1411 = tpu.memref_squeeze %dma_start3A_1410 : memref<1x2560xf32, #tpu.memory_space<vmem>> -> memref<2560xf32, #tpu.memory_space<vmem>>
          %dma_start3A_1412 = tpu.memref_slice %arg4[%mul3A_1146] : memref<22282240xf32, #tpu.memory_space<hbm>> -> memref<2560xf32, #tpu.memory_space<hbm>>
          %dma_start3A_1413 = arith.constant 0 : i32
          %dma_start3A_1414 = tpu.memref_slice %arg7[%run_scoped3A_1147, %dma_start3A_1413] : memref<2x2560xf32, #tpu.memory_space<vmem>> -> memref<1x2560xf32, #tpu.memory_space<vmem>>
          %dma_start3A_1415 = tpu.memref_squeeze %dma_start3A_1414 : memref<1x2560xf32, #tpu.memory_space<vmem>> -> memref<2560xf32, #tpu.memory_space<vmem>>
          %dma_start3A_1416 = tpu.memref_slice %arg4[%mul3A_1146] : memref<22282240xf32, #tpu.memory_space<hbm>> -> memref<2560xf32, #tpu.memory_space<hbm>>
          tpu.enqueue_dma source(%dma_start3A_1416 : memref<2560xf32, #tpu.memory_space<hbm>>) target(%dma_start3A_1415 : memref<2560xf32, #tpu.memory_space<vmem>>) target_semaphore(%run_scoped3A_1408 : memref<!tpu.dma_semaphore, #tpu.memory_space<semaphore_mem>>)
          %dma_wait3A_1417 = arith.constant 0 : i32
          %dma_wait3A_1418 = tpu.memref_slice %arg7[%run_scoped3A_1147, %dma_wait3A_1417] : memref<2x2560xf32, #tpu.memory_space<vmem>> -> memref<1x2560xf32, #tpu.memory_space<vmem>>
          %dma_wait3A_1419 = tpu.memref_squeeze %dma_wait3A_1418 : memref<1x2560xf32, #tpu.memory_space<vmem>> -> memref<2560xf32, #tpu.memory_space<vmem>>
          %dma_wait3A_1420 = tpu.memref_slice %arg4[%mul3A_1146] : memref<22282240xf32, #tpu.memory_space<hbm>> -> memref<2560xf32, #tpu.memory_space<hbm>>
          %dma_wait3A_1421 = arith.constant 0 : i32
          %dma_wait3A_1422 = tpu.memref_slice %arg7[%run_scoped3A_1147, %dma_wait3A_1421] : memref<2x2560xf32, #tpu.memory_space<vmem>> -> memref<1x2560xf32, #tpu.memory_space<vmem>>
          %dma_wait3A_1423 = tpu.memref_squeeze %dma_wait3A_1422 : memref<1x2560xf32, #tpu.memory_space<vmem>> -> memref<2560xf32, #tpu.memory_space<vmem>>
          %dma_wait3A_1424 = tpu.memref_slice %arg4[%mul3A_1146] : memref<22282240xf32, #tpu.memory_space<hbm>> -> memref<2560xf32, #tpu.memory_space<hbm>>
          tpu.wait_dma2 semaphore(%run_scoped3A_1408 : memref<!tpu.dma_semaphore, #tpu.memory_space<semaphore_mem>>) src(%dma_wait3A_1424 : memref<2560xf32, #tpu.memory_space<hbm>>) dst(%dma_wait3A_1423 : memref<2560xf32, #tpu.memory_space<vmem>>)
          tpu.yield
        }) : () -> ()
        %dma_start3A_1148 = arith.constant 0 : i32
        %dma_start3A_1149 = arith.constant 0 : i32
        %dma_start3A_1150 = arith.constant 0 : i32
        %dma_start3A_1151 = arith.constant 0 : i32
        %dma_start3A_1152 = arith.constant 0 : i32
        %dma_start3A_1153 = tpu.memref_slice %arg8[%dma_start3A_1150, %dma_start3A_1151, %dma_start3A_1152] : memref<2x2560x16xi32, #tpu.memory_space<vmem>> -> memref<1x128x16xi32, #tpu.memory_space<vmem>>
        %dma_start3A_1154 = tpu.memref_squeeze %dma_start3A_1153 : memref<1x128x16xi32, #tpu.memory_space<vmem>> -> memref<128x16xi32, #tpu.memory_space<vmem>>
        %dma_start3A_1155 = arith.constant 0 : i32
        %dma_start3A_1156 = tpu.memref_slice %arg6[%dma_start3A_1148, %dma_start3A_1149, %dma_start3A_1155] : memref<2x20x128xi32, #tpu.memory_space<vmem>> -> memref<1x1x128xi32, #tpu.memory_space<vmem>>
        %dma_start3A_1157 = tpu.memref_squeeze %dma_start3A_1156 : memref<1x1x128xi32, #tpu.memory_space<vmem>> -> memref<128xi32, #tpu.memory_space<vmem>>
        %dma_start3A_1158 = arith.constant 0 : i32
        %dma_start3A_1159 = arith.constant 0 : i32
        %dma_start3A_1160 = tpu.memref_slice %arg2[%dma_start3A_1158, %dma_start3A_1159] : memref<348160x16xi32, #tpu.memory_space<hbm>> -> memref<348160x16xi32, #tpu.memory_space<hbm>>
        tpu.enqueue_indirect_dma source(%dma_start3A_1160 : memref<348160x16xi32, #tpu.memory_space<hbm>>) target(%dma_start3A_1154 : memref<128x16xi32, #tpu.memory_space<vmem>>) offsets(%dma_start3A_1157 : memref<128xi32, #tpu.memory_space<vmem>>) semaphore(%arg10 : memref<!tpu.dma_semaphore, #tpu.memory_space<semaphore_mem>>)
        %dma_start3A_1161 = arith.constant 0 : i32
        %dma_start3A_1162 = arith.constant 1 : i32
        %dma_start3A_1163 = arith.constant 0 : i32
        %dma_start3A_1164 = arith.constant 128 : i32
        %dma_start3A_1165 = arith.constant 0 : i32
        %dma_start3A_1166 = tpu.memref_slice %arg8[%dma_start3A_1163, %dma_start3A_1164, %dma_start3A_1165] : memref<2x2560x16xi32, #tpu.memory_space<vmem>> -> memref<1x128x16xi32, #tpu.memory_space<vmem>>
        %dma_start3A_1167 = tpu.memref_squeeze %dma_start3A_1166 : memref<1x128x16xi32, #tpu.memory_space<vmem>> -> memref<128x16xi32, #tpu.memory_space<vmem>>
        %dma_start3A_1168 = arith.constant 0 : i32
        %dma_start3A_1169 = tpu.memref_slice %arg6[%dma_start3A_1161, %dma_start3A_1162, %dma_start3A_1168] : memref<2x20x128xi32, #tpu.memory_space<vmem>> -> memref<1x1x128xi32, #tpu.memory_space<vmem>>
        %dma_start3A_1170 = tpu.memref_squeeze %dma_start3A_1169 : memref<1x1x128xi32, #tpu.memory_space<vmem>> -> memref<128xi32, #tpu.memory_space<vmem>>
        %dma_start3A_1171 = arith.constant 0 : i32
        %dma_start3A_1172 = arith.constant 0 : i32
        %dma_start3A_1173 = tpu.memref_slice %arg2[%dma_start3A_1171, %dma_start3A_1172] : memref<348160x16xi32, #tpu.memory_space<hbm>> -> memref<348160x16xi32, #tpu.memory_space<hbm>>
        tpu.enqueue_indirect_dma source(%dma_start3A_1173 : memref<348160x16xi32, #tpu.memory_space<hbm>>) target(%dma_start3A_1167 : memref<128x16xi32, #tpu.memory_space<vmem>>) offsets(%dma_start3A_1170 : memref<128xi32, #tpu.memory_space<vmem>>) semaphore(%arg10 : memref<!tpu.dma_semaphore, #tpu.memory_space<semaphore_mem>>)
        %dma_start3A_1174 = arith.constant 0 : i32
        %dma_start3A_1175 = arith.constant 2 : i32
        %dma_start3A_1176 = arith.constant 0 : i32
        %dma_start3A_1177 = arith.constant 256 : i32
        %dma_start3A_1178 = arith.constant 0 : i32
        %dma_start3A_1179 = tpu.memref_slice %arg8[%dma_start3A_1176, %dma_start3A_1177, %dma_start3A_1178] : memref<2x2560x16xi32, #tpu.memory_space<vmem>> -> memref<1x128x16xi32, #tpu.memory_space<vmem>>
        %dma_start3A_1180 = tpu.memref_squeeze %dma_start3A_1179 : memref<1x128x16xi32, #tpu.memory_space<vmem>> -> memref<128x16xi32, #tpu.memory_space<vmem>>
        %dma_start3A_1181 = arith.constant 0 : i32
        %dma_start3A_1182 = tpu.memref_slice %arg6[%dma_start3A_1174, %dma_start3A_1175, %dma_start3A_1181] : memref<2x20x128xi32, #tpu.memory_space<vmem>> -> memref<1x1x128xi32, #tpu.memory_space<vmem>>
        %dma_start3A_1183 = tpu.memref_squeeze %dma_start3A_1182 : memref<1x1x128xi32, #tpu.memory_space<vmem>> -> memref<128xi32, #tpu.memory_space<vmem>>
        %dma_start3A_1184 = arith.constant 0 : i32
        %dma_start3A_1185 = arith.constant 0 : i32
        %dma_start3A_1186 = tpu.memref_slice %arg2[%dma_start3A_1184, %dma_start3A_1185] : memref<348160x16xi32, #tpu.memory_space<hbm>> -> memref<348160x16xi32, #tpu.memory_space<hbm>>
        tpu.enqueue_indirect_dma source(%dma_start3A_1186 : memref<348160x16xi32, #tpu.memory_space<hbm>>) target(%dma_start3A_1180 : memref<128x16xi32, #tpu.memory_space<vmem>>) offsets(%dma_start3A_1183 : memref<128xi32, #tpu.memory_space<vmem>>) semaphore(%arg10 : memref<!tpu.dma_semaphore, #tpu.memory_space<semaphore_mem>>)
        %dma_start3A_1187 = arith.constant 0 : i32
        %dma_start3A_1188 = arith.constant 3 : i32
        %dma_start3A_1189 = arith.constant 0 : i32
        %dma_start3A_1190 = arith.constant 384 : i32
        %dma_start3A_1191 = arith.constant 0 : i32
        %dma_start3A_1192 = tpu.memref_slice %arg8[%dma_start3A_1189, %dma_start3A_1190, %dma_start3A_1191] : memref<2x2560x16xi32, #tpu.memory_space<vmem>> -> memref<1x128x16xi32, #tpu.memory_space<vmem>>
        %dma_start3A_1193 = tpu.memref_squeeze %dma_start3A_1192 : memref<1x128x16xi32, #tpu.memory_space<vmem>> -> memref<128x16xi32, #tpu.memory_space<vmem>>
        %dma_start3A_1194 = arith.constant 0 : i32
        %dma_start3A_1195 = tpu.memref_slice %arg6[%dma_start3A_1187, %dma_start3A_1188, %dma_start3A_1194] : memref<2x20x128xi32, #tpu.memory_space<vmem>> -> memref<1x1x128xi32, #tpu.memory_space<vmem>>
        %dma_start3A_1196 = tpu.memref_squeeze %dma_start3A_1195 : memref<1x1x128xi32, #tpu.memory_space<vmem>> -> memref<128xi32, #tpu.memory_space<vmem>>
        %dma_start3A_1197 = arith.constant 0 : i32
        %dma_start3A_1198 = arith.constant 0 : i32
        %dma_start3A_1199 = tpu.memref_slice %arg2[%dma_start3A_1197, %dma_start3A_1198] : memref<348160x16xi32, #tpu.memory_space<hbm>> -> memref<348160x16xi32, #tpu.memory_space<hbm>>
        tpu.enqueue_indirect_dma source(%dma_start3A_1199 : memref<348160x16xi32, #tpu.memory_space<hbm>>) target(%dma_start3A_1193 : memref<128x16xi32, #tpu.memory_space<vmem>>) offsets(%dma_start3A_1196 : memref<128xi32, #tpu.memory_space<vmem>>) semaphore(%arg10 : memref<!tpu.dma_semaphore, #tpu.memory_space<semaphore_mem>>)
        %dma_start3A_1200 = arith.constant 0 : i32
        %dma_start3A_1201 = arith.constant 4 : i32
        %dma_start3A_1202 = arith.constant 0 : i32
        %dma_start3A_1203 = arith.constant 512 : i32
        %dma_start3A_1204 = arith.constant 0 : i32
        %dma_start3A_1205 = tpu.memref_slice %arg8[%dma_start3A_1202, %dma_start3A_1203, %dma_start3A_1204] : memref<2x2560x16xi32, #tpu.memory_space<vmem>> -> memref<1x128x16xi32, #tpu.memory_space<vmem>>
        %dma_start3A_1206 = tpu.memref_squeeze %dma_start3A_1205 : memref<1x128x16xi32, #tpu.memory_space<vmem>> -> memref<128x16xi32, #tpu.memory_space<vmem>>
        %dma_start3A_1207 = arith.constant 0 : i32
        %dma_start3A_1208 = tpu.memref_slice %arg6[%dma_start3A_1200, %dma_start3A_1201, %dma_start3A_1207] : memref<2x20x128xi32, #tpu.memory_space<vmem>> -> memref<1x1x128xi32, #tpu.memory_space<vmem>>
        %dma_start3A_1209 = tpu.memref_squeeze %dma_start3A_1208 : memref<1x1x128xi32, #tpu.memory_space<vmem>> -> memref<128xi32, #tpu.memory_space<vmem>>
        %dma_start3A_1210 = arith.constant 0 : i32
        %dma_start3A_1211 = arith.constant 0 : i32
        %dma_start3A_1212 = tpu.memref_slice %arg2[%dma_start3A_1210, %dma_start3A_1211] : memref<348160x16xi32, #tpu.memory_space<hbm>> -> memref<348160x16xi32, #tpu.memory_space<hbm>>
        tpu.enqueue_indirect_dma source(%dma_start3A_1212 : memref<348160x16xi32, #tpu.memory_space<hbm>>) target(%dma_start3A_1206 : memref<128x16xi32, #tpu.memory_space<vmem>>) offsets(%dma_start3A_1209 : memref<128xi32, #tpu.memory_space<vmem>>) semaphore(%arg10 : memref<!tpu.dma_semaphore, #tpu.memory_space<semaphore_mem>>)
        %dma_start3A_1213 = arith.constant 0 : i32
        %dma_start3A_1214 = arith.constant 5 : i32
        %dma_start3A_1215 = arith.constant 0 : i32
        %dma_start3A_1216 = arith.constant 640 : i32
        %dma_start3A_1217 = arith.constant 0 : i32
        %dma_start3A_1218 = tpu.memref_slice %arg8[%dma_start3A_1215, %dma_start3A_1216, %dma_start3A_1217] : memref<2x2560x16xi32, #tpu.memory_space<vmem>> -> memref<1x128x16xi32, #tpu.memory_space<vmem>>
        %dma_start3A_1219 = tpu.memref_squeeze %dma_start3A_1218 : memref<1x128x16xi32, #tpu.memory_space<vmem>> -> memref<128x16xi32, #tpu.memory_space<vmem>>
        %dma_start3A_1220 = arith.constant 0 : i32
        %dma_start3A_1221 = tpu.memref_slice %arg6[%dma_start3A_1213, %dma_start3A_1214, %dma_start3A_1220] : memref<2x20x128xi32, #tpu.memory_space<vmem>> -> memref<1x1x128xi32, #tpu.memory_space<vmem>>
        %dma_start3A_1222 = tpu.memref_squeeze %dma_start3A_1221 : memref<1x1x128xi32, #tpu.memory_space<vmem>> -> memref<128xi32, #tpu.memory_space<vmem>>
        %dma_start3A_1223 = arith.constant 0 : i32
        %dma_start3A_1224 = arith.constant 0 : i32
        %dma_start3A_1225 = tpu.memref_slice %arg2[%dma_start3A_1223, %dma_start3A_1224] : memref<348160x16xi32, #tpu.memory_space<hbm>> -> memref<348160x16xi32, #tpu.memory_space<hbm>>
        tpu.enqueue_indirect_dma source(%dma_start3A_1225 : memref<348160x16xi32, #tpu.memory_space<hbm>>) target(%dma_start3A_1219 : memref<128x16xi32, #tpu.memory_space<vmem>>) offsets(%dma_start3A_1222 : memref<128xi32, #tpu.memory_space<vmem>>) semaphore(%arg10 : memref<!tpu.dma_semaphore, #tpu.memory_space<semaphore_mem>>)
        %dma_start3A_1226 = arith.constant 0 : i32
        %dma_start3A_1227 = arith.constant 6 : i32
        %dma_start3A_1228 = arith.constant 0 : i32
        %dma_start3A_1229 = arith.constant 768 : i32
        %dma_start3A_1230 = arith.constant 0 : i32
        %dma_start3A_1231 = tpu.memref_slice %arg8[%dma_start3A_1228, %dma_start3A_1229, %dma_start3A_1230] : memref<2x2560x16xi32, #tpu.memory_space<vmem>> -> memref<1x128x16xi32, #tpu.memory_space<vmem>>
        %dma_start3A_1232 = tpu.memref_squeeze %dma_start3A_1231 : memref<1x128x16xi32, #tpu.memory_space<vmem>> -> memref<128x16xi32, #tpu.memory_space<vmem>>
        %dma_start3A_1233 = arith.constant 0 : i32
        %dma_start3A_1234 = tpu.memref_slice %arg6[%dma_start3A_1226, %dma_start3A_1227, %dma_start3A_1233] : memref<2x20x128xi32, #tpu.memory_space<vmem>> -> memref<1x1x128xi32, #tpu.memory_space<vmem>>
        %dma_start3A_1235 = tpu.memref_squeeze %dma_start3A_1234 : memref<1x1x128xi32, #tpu.memory_space<vmem>> -> memref<128xi32, #tpu.memory_space<vmem>>
        %dma_start3A_1236 = arith.constant 0 : i32
        %dma_start3A_1237 = arith.constant 0 : i32
        %dma_start3A_1238 = tpu.memref_slice %arg2[%dma_start3A_1236, %dma_start3A_1237] : memref<348160x16xi32, #tpu.memory_space<hbm>> -> memref<348160x16xi32, #tpu.memory_space<hbm>>
        tpu.enqueue_indirect_dma source(%dma_start3A_1238 : memref<348160x16xi32, #tpu.memory_space<hbm>>) target(%dma_start3A_1232 : memref<128x16xi32, #tpu.memory_space<vmem>>) offsets(%dma_start3A_1235 : memref<128xi32, #tpu.memory_space<vmem>>) semaphore(%arg10 : memref<!tpu.dma_semaphore, #tpu.memory_space<semaphore_mem>>)
        %dma_start3A_1239 = arith.constant 0 : i32
        %dma_start3A_1240 = arith.constant 7 : i32
        %dma_start3A_1241 = arith.constant 0 : i32
        %dma_start3A_1242 = arith.constant 896 : i32
        %dma_start3A_1243 = arith.constant 0 : i32
        %dma_start3A_1244 = tpu.memref_slice %arg8[%dma_start3A_1241, %dma_start3A_1242, %dma_start3A_1243] : memref<2x2560x16xi32, #tpu.memory_space<vmem>> -> memref<1x128x16xi32, #tpu.memory_space<vmem>>
        %dma_start3A_1245 = tpu.memref_squeeze %dma_start3A_1244 : memref<1x128x16xi32, #tpu.memory_space<vmem>> -> memref<128x16xi32, #tpu.memory_space<vmem>>
        %dma_start3A_1246 = arith.constant 0 : i32
        %dma_start3A_1247 = tpu.memref_slice %arg6[%dma_start3A_1239, %dma_start3A_1240, %dma_start3A_1246] : memref<2x20x128xi32, #tpu.memory_space<vmem>> -> memref<1x1x128xi32, #tpu.memory_space<vmem>>
        %dma_start3A_1248 = tpu.memref_squeeze %dma_start3A_1247 : memref<1x1x128xi32, #tpu.memory_space<vmem>> -> memref<128xi32, #tpu.memory_space<vmem>>
        %dma_start3A_1249 = arith.constant 0 : i32
        %dma_start3A_1250 = arith.constant 0 : i32
        %dma_start3A_1251 = tpu.memref_slice %arg2[%dma_start3A_1249, %dma_start3A_1250] : memref<348160x16xi32, #tpu.memory_space<hbm>> -> memref<348160x16xi32, #tpu.memory_space<hbm>>
        tpu.enqueue_indirect_dma source(%dma_start3A_1251 : memref<348160x16xi32, #tpu.memory_space<hbm>>) target(%dma_start3A_1245 : memref<128x16xi32, #tpu.memory_space<vmem>>) offsets(%dma_start3A_1248 : memref<128xi32, #tpu.memory_space<vmem>>) semaphore(%arg10 : memref<!tpu.dma_semaphore, #tpu.memory_space<semaphore_mem>>)
        %dma_start3A_1252 = arith.constant 0 : i32
        %dma_start3A_1253 = arith.constant 8 : i32
        %dma_start3A_1254 = arith.constant 0 : i32
        %dma_start3A_1255 = arith.constant 1024 : i32
        %dma_start3A_1256 = arith.constant 0 : i32
        %dma_start3A_1257 = tpu.memref_slice %arg8[%dma_start3A_1254, %dma_start3A_1255, %dma_start3A_1256] : memref<2x2560x16xi32, #tpu.memory_space<vmem>> -> memref<1x128x16xi32, #tpu.memory_space<vmem>>
        %dma_start3A_1258 = tpu.memref_squeeze %dma_start3A_1257 : memref<1x128x16xi32, #tpu.memory_space<vmem>> -> memref<128x16xi32, #tpu.memory_space<vmem>>
        %dma_start3A_1259 = arith.constant 0 : i32
        %dma_start3A_1260 = tpu.memref_slice %arg6[%dma_start3A_1252, %dma_start3A_1253, %dma_start3A_1259] : memref<2x20x128xi32, #tpu.memory_space<vmem>> -> memref<1x1x128xi32, #tpu.memory_space<vmem>>
        %dma_start3A_1261 = tpu.memref_squeeze %dma_start3A_1260 : memref<1x1x128xi32, #tpu.memory_space<vmem>> -> memref<128xi32, #tpu.memory_space<vmem>>
        %dma_start3A_1262 = arith.constant 0 : i32
        %dma_start3A_1263 = arith.constant 0 : i32
        %dma_start3A_1264 = tpu.memref_slice %arg2[%dma_start3A_1262, %dma_start3A_1263] : memref<348160x16xi32, #tpu.memory_space<hbm>> -> memref<348160x16xi32, #tpu.memory_space<hbm>>
        tpu.enqueue_indirect_dma source(%dma_start3A_1264 : memref<348160x16xi32, #tpu.memory_space<hbm>>) target(%dma_start3A_1258 : memref<128x16xi32, #tpu.memory_space<vmem>>) offsets(%dma_start3A_1261 : memref<128xi32, #tpu.memory_space<vmem>>) semaphore(%arg10 : memref<!tpu.dma_semaphore, #tpu.memory_space<semaphore_mem>>)
        %dma_start3A_1265 = arith.constant 0 : i32
        %dma_start3A_1266 = arith.constant 9 : i32
        %dma_start3A_1267 = arith.constant 0 : i32
        %dma_start3A_1268 = arith.constant 1152 : i32
        %dma_start3A_1269 = arith.constant 0 : i32
        %dma_start3A_1270 = tpu.memref_slice %arg8[%dma_start3A_1267, %dma_start3A_1268, %dma_start3A_1269] : memref<2x2560x16xi32, #tpu.memory_space<vmem>> -> memref<1x128x16xi32, #tpu.memory_space<vmem>>
        %dma_start3A_1271 = tpu.memref_squeeze %dma_start3A_1270 : memref<1x128x16xi32, #tpu.memory_space<vmem>> -> memref<128x16xi32, #tpu.memory_space<vmem>>
        %dma_start3A_1272 = arith.constant 0 : i32
        %dma_start3A_1273 = tpu.memref_slice %arg6[%dma_start3A_1265, %dma_start3A_1266, %dma_start3A_1272] : memref<2x20x128xi32, #tpu.memory_space<vmem>> -> memref<1x1x128xi32, #tpu.memory_space<vmem>>
        %dma_start3A_1274 = tpu.memref_squeeze %dma_start3A_1273 : memref<1x1x128xi32, #tpu.memory_space<vmem>> -> memref<128xi32, #tpu.memory_space<vmem>>
        %dma_start3A_1275 = arith.constant 0 : i32
        %dma_start3A_1276 = arith.constant 0 : i32
        %dma_start3A_1277 = tpu.memref_slice %arg2[%dma_start3A_1275, %dma_start3A_1276] : memref<348160x16xi32, #tpu.memory_space<hbm>> -> memref<348160x16xi32, #tpu.memory_space<hbm>>
        tpu.enqueue_indirect_dma source(%dma_start3A_1277 : memref<348160x16xi32, #tpu.memory_space<hbm>>) target(%dma_start3A_1271 : memref<128x16xi32, #tpu.memory_space<vmem>>) offsets(%dma_start3A_1274 : memref<128xi32, #tpu.memory_space<vmem>>) semaphore(%arg10 : memref<!tpu.dma_semaphore, #tpu.memory_space<semaphore_mem>>)
        %dma_start3A_1278 = arith.constant 0 : i32
        %dma_start3A_1279 = arith.constant 10 : i32
        %dma_start3A_1280 = arith.constant 0 : i32
        %dma_start3A_1281 = arith.constant 1280 : i32
        %dma_start3A_1282 = arith.constant 0 : i32
        %dma_start3A_1283 = tpu.memref_slice %arg8[%dma_start3A_1280, %dma_start3A_1281, %dma_start3A_1282] : memref<2x2560x16xi32, #tpu.memory_space<vmem>> -> memref<1x128x16xi32, #tpu.memory_space<vmem>>
        %dma_start3A_1284 = tpu.memref_squeeze %dma_start3A_1283 : memref<1x128x16xi32, #tpu.memory_space<vmem>> -> memref<128x16xi32, #tpu.memory_space<vmem>>
        %dma_start3A_1285 = arith.constant 0 : i32
        %dma_start3A_1286 = tpu.memref_slice %arg6[%dma_start3A_1278, %dma_start3A_1279, %dma_start3A_1285] : memref<2x20x128xi32, #tpu.memory_space<vmem>> -> memref<1x1x128xi32, #tpu.memory_space<vmem>>
        %dma_start3A_1287 = tpu.memref_squeeze %dma_start3A_1286 : memref<1x1x128xi32, #tpu.memory_space<vmem>> -> memref<128xi32, #tpu.memory_space<vmem>>
        %dma_start3A_1288 = arith.constant 0 : i32
        %dma_start3A_1289 = arith.constant 0 : i32
        %dma_start3A_1290 = tpu.memref_slice %arg2[%dma_start3A_1288, %dma_start3A_1289] : memref<348160x16xi32, #tpu.memory_space<hbm>> -> memref<348160x16xi32, #tpu.memory_space<hbm>>
        tpu.enqueue_indirect_dma source(%dma_start3A_1290 : memref<348160x16xi32, #tpu.memory_space<hbm>>) target(%dma_start3A_1284 : memref<128x16xi32, #tpu.memory_space<vmem>>) offsets(%dma_start3A_1287 : memref<128xi32, #tpu.memory_space<vmem>>) semaphore(%arg10 : memref<!tpu.dma_semaphore, #tpu.memory_space<semaphore_mem>>)
        %dma_start3A_1291 = arith.constant 0 : i32
        %dma_start3A_1292 = arith.constant 11 : i32
        %dma_start3A_1293 = arith.constant 0 : i32
        %dma_start3A_1294 = arith.constant 1408 : i32
        %dma_start3A_1295 = arith.constant 0 : i32
        %dma_start3A_1296 = tpu.memref_slice %arg8[%dma_start3A_1293, %dma_start3A_1294, %dma_start3A_1295] : memref<2x2560x16xi32, #tpu.memory_space<vmem>> -> memref<1x128x16xi32, #tpu.memory_space<vmem>>
        %dma_start3A_1297 = tpu.memref_squeeze %dma_start3A_1296 : memref<1x128x16xi32, #tpu.memory_space<vmem>> -> memref<128x16xi32, #tpu.memory_space<vmem>>
        %dma_start3A_1298 = arith.constant 0 : i32
        %dma_start3A_1299 = tpu.memref_slice %arg6[%dma_start3A_1291, %dma_start3A_1292, %dma_start3A_1298] : memref<2x20x128xi32, #tpu.memory_space<vmem>> -> memref<1x1x128xi32, #tpu.memory_space<vmem>>
        %dma_start3A_1300 = tpu.memref_squeeze %dma_start3A_1299 : memref<1x1x128xi32, #tpu.memory_space<vmem>> -> memref<128xi32, #tpu.memory_space<vmem>>
        %dma_start3A_1301 = arith.constant 0 : i32
        %dma_start3A_1302 = arith.constant 0 : i32
        %dma_start3A_1303 = tpu.memref_slice %arg2[%dma_start3A_1301, %dma_start3A_1302] : memref<348160x16xi32, #tpu.memory_space<hbm>> -> memref<348160x16xi32, #tpu.memory_space<hbm>>
        tpu.enqueue_indirect_dma source(%dma_start3A_1303 : memref<348160x16xi32, #tpu.memory_space<hbm>>) target(%dma_start3A_1297 : memref<128x16xi32, #tpu.memory_space<vmem>>) offsets(%dma_start3A_1300 : memref<128xi32, #tpu.memory_space<vmem>>) semaphore(%arg10 : memref<!tpu.dma_semaphore, #tpu.memory_space<semaphore_mem>>)
        %dma_start3A_1304 = arith.constant 0 : i32
        %dma_start3A_1305 = arith.constant 12 : i32
        %dma_start3A_1306 = arith.constant 0 : i32
        %dma_start3A_1307 = arith.constant 1536 : i32
        %dma_start3A_1308 = arith.constant 0 : i32
        %dma_start3A_1309 = tpu.memref_slice %arg8[%dma_start3A_1306, %dma_start3A_1307, %dma_start3A_1308] : memref<2x2560x16xi32, #tpu.memory_space<vmem>> -> memref<1x128x16xi32, #tpu.memory_space<vmem>>
        %dma_start3A_1310 = tpu.memref_squeeze %dma_start3A_1309 : memref<1x128x16xi32, #tpu.memory_space<vmem>> -> memref<128x16xi32, #tpu.memory_space<vmem>>
        %dma_start3A_1311 = arith.constant 0 : i32
        %dma_start3A_1312 = tpu.memref_slice %arg6[%dma_start3A_1304, %dma_start3A_1305, %dma_start3A_1311] : memref<2x20x128xi32, #tpu.memory_space<vmem>> -> memref<1x1x128xi32, #tpu.memory_space<vmem>>
        %dma_start3A_1313 = tpu.memref_squeeze %dma_start3A_1312 : memref<1x1x128xi32, #tpu.memory_space<vmem>> -> memref<128xi32, #tpu.memory_space<vmem>>
        %dma_start3A_1314 = arith.constant 0 : i32
        %dma_start3A_1315 = arith.constant 0 : i32
        %dma_start3A_1316 = tpu.memref_slice %arg2[%dma_start3A_1314, %dma_start3A_1315] : memref<348160x16xi32, #tpu.memory_space<hbm>> -> memref<348160x16xi32, #tpu.memory_space<hbm>>
        tpu.enqueue_indirect_dma source(%dma_start3A_1316 : memref<348160x16xi32, #tpu.memory_space<hbm>>) target(%dma_start3A_1310 : memref<128x16xi32, #tpu.memory_space<vmem>>) offsets(%dma_start3A_1313 : memref<128xi32, #tpu.memory_space<vmem>>) semaphore(%arg10 : memref<!tpu.dma_semaphore, #tpu.memory_space<semaphore_mem>>)
        %dma_start3A_1317 = arith.constant 0 : i32
        %dma_start3A_1318 = arith.constant 13 : i32
        %dma_start3A_1319 = arith.constant 0 : i32
        %dma_start3A_1320 = arith.constant 1664 : i32
        %dma_start3A_1321 = arith.constant 0 : i32
        %dma_start3A_1322 = tpu.memref_slice %arg8[%dma_start3A_1319, %dma_start3A_1320, %dma_start3A_1321] : memref<2x2560x16xi32, #tpu.memory_space<vmem>> -> memref<1x128x16xi32, #tpu.memory_space<vmem>>
        %dma_start3A_1323 = tpu.memref_squeeze %dma_start3A_1322 : memref<1x128x16xi32, #tpu.memory_space<vmem>> -> memref<128x16xi32, #tpu.memory_space<vmem>>
        %dma_start3A_1324 = arith.constant 0 : i32
        %dma_start3A_1325 = tpu.memref_slice %arg6[%dma_start3A_1317, %dma_start3A_1318, %dma_start3A_1324] : memref<2x20x128xi32, #tpu.memory_space<vmem>> -> memref<1x1x128xi32, #tpu.memory_space<vmem>>
        %dma_start3A_1326 = tpu.memref_squeeze %dma_start3A_1325 : memref<1x1x128xi32, #tpu.memory_space<vmem>> -> memref<128xi32, #tpu.memory_space<vmem>>
        %dma_start3A_1327 = arith.constant 0 : i32
        %dma_start3A_1328 = arith.constant 0 : i32
        %dma_start3A_1329 = tpu.memref_slice %arg2[%dma_start3A_1327, %dma_start3A_1328] : memref<348160x16xi32, #tpu.memory_space<hbm>> -> memref<348160x16xi32, #tpu.memory_space<hbm>>
        tpu.enqueue_indirect_dma source(%dma_start3A_1329 : memref<348160x16xi32, #tpu.memory_space<hbm>>) target(%dma_start3A_1323 : memref<128x16xi32, #tpu.memory_space<vmem>>) offsets(%dma_start3A_1326 : memref<128xi32, #tpu.memory_space<vmem>>) semaphore(%arg10 : memref<!tpu.dma_semaphore, #tpu.memory_space<semaphore_mem>>)
        %dma_start3A_1330 = arith.constant 0 : i32
        %dma_start3A_1331 = arith.constant 14 : i32
        %dma_start3A_1332 = arith.constant 0 : i32
        %dma_start3A_1333 = arith.constant 1792 : i32
        %dma_start3A_1334 = arith.constant 0 : i32
        %dma_start3A_1335 = tpu.memref_slice %arg8[%dma_start3A_1332, %dma_start3A_1333, %dma_start3A_1334] : memref<2x2560x16xi32, #tpu.memory_space<vmem>> -> memref<1x128x16xi32, #tpu.memory_space<vmem>>
        %dma_start3A_1336 = tpu.memref_squeeze %dma_start3A_1335 : memref<1x128x16xi32, #tpu.memory_space<vmem>> -> memref<128x16xi32, #tpu.memory_space<vmem>>
        %dma_start3A_1337 = arith.constant 0 : i32
        %dma_start3A_1338 = tpu.memref_slice %arg6[%dma_start3A_1330, %dma_start3A_1331, %dma_start3A_1337] : memref<2x20x128xi32, #tpu.memory_space<vmem>> -> memref<1x1x128xi32, #tpu.memory_space<vmem>>
        %dma_start3A_1339 = tpu.memref_squeeze %dma_start3A_1338 : memref<1x1x128xi32, #tpu.memory_space<vmem>> -> memref<128xi32, #tpu.memory_space<vmem>>
        %dma_start3A_1340 = arith.constant 0 : i32
        %dma_start3A_1341 = arith.constant 0 : i32
        %dma_start3A_1342 = tpu.memref_slice %arg2[%dma_start3A_1340, %dma_start3A_1341] : memref<348160x16xi32, #tpu.memory_space<hbm>> -> memref<348160x16xi32, #tpu.memory_space<hbm>>
        tpu.enqueue_indirect_dma source(%dma_start3A_1342 : memref<348160x16xi32, #tpu.memory_space<hbm>>) target(%dma_start3A_1336 : memref<128x16xi32, #tpu.memory_space<vmem>>) offsets(%dma_start3A_1339 : memref<128xi32, #tpu.memory_space<vmem>>) semaphore(%arg10 : memref<!tpu.dma_semaphore, #tpu.memory_space<semaphore_mem>>)
        %dma_start3A_1343 = arith.constant 0 : i32
        %dma_start3A_1344 = arith.constant 15 : i32
        %dma_start3A_1345 = arith.constant 0 : i32
        %dma_start3A_1346 = arith.constant 1920 : i32
        %dma_start3A_1347 = arith.constant 0 : i32
        %dma_start3A_1348 = tpu.memref_slice %arg8[%dma_start3A_1345, %dma_start3A_1346, %dma_start3A_1347] : memref<2x2560x16xi32, #tpu.memory_space<vmem>> -> memref<1x128x16xi32, #tpu.memory_space<vmem>>
        %dma_start3A_1349 = tpu.memref_squeeze %dma_start3A_1348 : memref<1x128x16xi32, #tpu.memory_space<vmem>> -> memref<128x16xi32, #tpu.memory_space<vmem>>
        %dma_start3A_1350 = arith.constant 0 : i32
        %dma_start3A_1351 = tpu.memref_slice %arg6[%dma_start3A_1343, %dma_start3A_1344, %dma_start3A_1350] : memref<2x20x128xi32, #tpu.memory_space<vmem>> -> memref<1x1x128xi32, #tpu.memory_space<vmem>>
        %dma_start3A_1352 = tpu.memref_squeeze %dma_start3A_1351 : memref<1x1x128xi32, #tpu.memory_space<vmem>> -> memref<128xi32, #tpu.memory_space<vmem>>
        %dma_start3A_1353 = arith.constant 0 : i32
        %dma_start3A_1354 = arith.constant 0 : i32
        %dma_start3A_1355 = tpu.memref_slice %arg2[%dma_start3A_1353, %dma_start3A_1354] : memref<348160x16xi32, #tpu.memory_space<hbm>> -> memref<348160x16xi32, #tpu.memory_space<hbm>>
        tpu.enqueue_indirect_dma source(%dma_start3A_1355 : memref<348160x16xi32, #tpu.memory_space<hbm>>) target(%dma_start3A_1349 : memref<128x16xi32, #tpu.memory_space<vmem>>) offsets(%dma_start3A_1352 : memref<128xi32, #tpu.memory_space<vmem>>) semaphore(%arg10 : memref<!tpu.dma_semaphore, #tpu.memory_space<semaphore_mem>>)
        %dma_start3A_1356 = arith.constant 0 : i32
        %dma_start3A_1357 = arith.constant 16 : i32
        %dma_start3A_1358 = arith.constant 0 : i32
        %dma_start3A_1359 = arith.constant 2048 : i32
        %dma_start3A_1360 = arith.constant 0 : i32
        %dma_start3A_1361 = tpu.memref_slice %arg8[%dma_start3A_1358, %dma_start3A_1359, %dma_start3A_1360] : memref<2x2560x16xi32, #tpu.memory_space<vmem>> -> memref<1x128x16xi32, #tpu.memory_space<vmem>>
        %dma_start3A_1362 = tpu.memref_squeeze %dma_start3A_1361 : memref<1x128x16xi32, #tpu.memory_space<vmem>> -> memref<128x16xi32, #tpu.memory_space<vmem>>
        %dma_start3A_1363 = arith.constant 0 : i32
        %dma_start3A_1364 = tpu.memref_slice %arg6[%dma_start3A_1356, %dma_start3A_1357, %dma_start3A_1363] : memref<2x20x128xi32, #tpu.memory_space<vmem>> -> memref<1x1x128xi32, #tpu.memory_space<vmem>>
        %dma_start3A_1365 = tpu.memref_squeeze %dma_start3A_1364 : memref<1x1x128xi32, #tpu.memory_space<vmem>> -> memref<128xi32, #tpu.memory_space<vmem>>
        %dma_start3A_1366 = arith.constant 0 : i32
        %dma_start3A_1367 = arith.constant 0 : i32
        %dma_start3A_1368 = tpu.memref_slice %arg2[%dma_start3A_1366, %dma_start3A_1367] : memref<348160x16xi32, #tpu.memory_space<hbm>> -> memref<348160x16xi32, #tpu.memory_space<hbm>>
        tpu.enqueue_indirect_dma source(%dma_start3A_1368 : memref<348160x16xi32, #tpu.memory_space<hbm>>) target(%dma_start3A_1362 : memref<128x16xi32, #tpu.memory_space<vmem>>) offsets(%dma_start3A_1365 : memref<128xi32, #tpu.memory_space<vmem>>) semaphore(%arg10 : memref<!tpu.dma_semaphore, #tpu.memory_space<semaphore_mem>>)
        %dma_start3A_1369 = arith.constant 0 : i32
        %dma_start3A_1370 = arith.constant 17 : i32
        %dma_start3A_1371 = arith.constant 0 : i32
        %dma_start3A_1372 = arith.constant 2176 : i32
        %dma_start3A_1373 = arith.constant 0 : i32
        %dma_start3A_1374 = tpu.memref_slice %arg8[%dma_start3A_1371, %dma_start3A_1372, %dma_start3A_1373] : memref<2x2560x16xi32, #tpu.memory_space<vmem>> -> memref<1x128x16xi32, #tpu.memory_space<vmem>>
        %dma_start3A_1375 = tpu.memref_squeeze %dma_start3A_1374 : memref<1x128x16xi32, #tpu.memory_space<vmem>> -> memref<128x16xi32, #tpu.memory_space<vmem>>
        %dma_start3A_1376 = arith.constant 0 : i32
        %dma_start3A_1377 = tpu.memref_slice %arg6[%dma_start3A_1369, %dma_start3A_1370, %dma_start3A_1376] : memref<2x20x128xi32, #tpu.memory_space<vmem>> -> memref<1x1x128xi32, #tpu.memory_space<vmem>>
        %dma_start3A_1378 = tpu.memref_squeeze %dma_start3A_1377 : memref<1x1x128xi32, #tpu.memory_space<vmem>> -> memref<128xi32, #tpu.memory_space<vmem>>
        %dma_start3A_1379 = arith.constant 0 : i32
        %dma_start3A_1380 = arith.constant 0 : i32
        %dma_start3A_1381 = tpu.memref_slice %arg2[%dma_start3A_1379, %dma_start3A_1380] : memref<348160x16xi32, #tpu.memory_space<hbm>> -> memref<348160x16xi32, #tpu.memory_space<hbm>>
        tpu.enqueue_indirect_dma source(%dma_start3A_1381 : memref<348160x16xi32, #tpu.memory_space<hbm>>) target(%dma_start3A_1375 : memref<128x16xi32, #tpu.memory_space<vmem>>) offsets(%dma_start3A_1378 : memref<128xi32, #tpu.memory_space<vmem>>) semaphore(%arg10 : memref<!tpu.dma_semaphore, #tpu.memory_space<semaphore_mem>>)
        %dma_start3A_1382 = arith.constant 0 : i32
        %dma_start3A_1383 = arith.constant 18 : i32
        %dma_start3A_1384 = arith.constant 0 : i32
        %dma_start3A_1385 = arith.constant 2304 : i32
        %dma_start3A_1386 = arith.constant 0 : i32
        %dma_start3A_1387 = tpu.memref_slice %arg8[%dma_start3A_1384, %dma_start3A_1385, %dma_start3A_1386] : memref<2x2560x16xi32, #tpu.memory_space<vmem>> -> memref<1x128x16xi32, #tpu.memory_space<vmem>>
        %dma_start3A_1388 = tpu.memref_squeeze %dma_start3A_1387 : memref<1x128x16xi32, #tpu.memory_space<vmem>> -> memref<128x16xi32, #tpu.memory_space<vmem>>
        %dma_start3A_1389 = arith.constant 0 : i32
        %dma_start3A_1390 = tpu.memref_slice %arg6[%dma_start3A_1382, %dma_start3A_1383, %dma_start3A_1389] : memref<2x20x128xi32, #tpu.memory_space<vmem>> -> memref<1x1x128xi32, #tpu.memory_space<vmem>>
        %dma_start3A_1391 = tpu.memref_squeeze %dma_start3A_1390 : memref<1x1x128xi32, #tpu.memory_space<vmem>> -> memref<128xi32, #tpu.memory_space<vmem>>
        %dma_start3A_1392 = arith.constant 0 : i32
        %dma_start3A_1393 = arith.constant 0 : i32
        %dma_start3A_1394 = tpu.memref_slice %arg2[%dma_start3A_1392, %dma_start3A_1393] : memref<348160x16xi32, #tpu.memory_space<hbm>> -> memref<348160x16xi32, #tpu.memory_space<hbm>>
        tpu.enqueue_indirect_dma source(%dma_start3A_1394 : memref<348160x16xi32, #tpu.memory_space<hbm>>) target(%dma_start3A_1388 : memref<128x16xi32, #tpu.memory_space<vmem>>) offsets(%dma_start3A_1391 : memref<128xi32, #tpu.memory_space<vmem>>) semaphore(%arg10 : memref<!tpu.dma_semaphore, #tpu.memory_space<semaphore_mem>>)
        %dma_start3A_1395 = arith.constant 0 : i32
        %dma_start3A_1396 = arith.constant 19 : i32
        %dma_start3A_1397 = arith.constant 0 : i32
        %dma_start3A_1398 = arith.constant 2432 : i32
        %dma_start3A_1399 = arith.constant 0 : i32
        %dma_start3A_1400 = tpu.memref_slice %arg8[%dma_start3A_1397, %dma_start3A_1398, %dma_start3A_1399] : memref<2x2560x16xi32, #tpu.memory_space<vmem>> -> memref<1x128x16xi32, #tpu.memory_space<vmem>>
        %dma_start3A_1401 = tpu.memref_squeeze %dma_start3A_1400 : memref<1x128x16xi32, #tpu.memory_space<vmem>> -> memref<128x16xi32, #tpu.memory_space<vmem>>
        %dma_start3A_1402 = arith.constant 0 : i32
        %dma_start3A_1403 = tpu.memref_slice %arg6[%dma_start3A_1395, %dma_start3A_1396, %dma_start3A_1402] : memref<2x20x128xi32, #tpu.memory_space<vmem>> -> memref<1x1x128xi32, #tpu.memory_space<vmem>>
        %dma_start3A_1404 = tpu.memref_squeeze %dma_start3A_1403 : memref<1x1x128xi32, #tpu.memory_space<vmem>> -> memref<128xi32, #tpu.memory_space<vmem>>
        %dma_start3A_1405 = arith.constant 0 : i32
        %dma_start3A_1406 = arith.constant 0 : i32
        %dma_start3A_1407 = tpu.memref_slice %arg2[%dma_start3A_1405, %dma_start3A_1406] : memref<348160x16xi32, #tpu.memory_space<hbm>> -> memref<348160x16xi32, #tpu.memory_space<hbm>>
        tpu.enqueue_indirect_dma source(%dma_start3A_1407 : memref<348160x16xi32, #tpu.memory_space<hbm>>) target(%dma_start3A_1401 : memref<128x16xi32, #tpu.memory_space<vmem>>) offsets(%dma_start3A_1404 : memref<128xi32, #tpu.memory_space<vmem>>) semaphore(%arg10 : memref<!tpu.dma_semaphore, #tpu.memory_space<semaphore_mem>>)
      } else {
      }
      %dma_wait3A_858 = arith.constant 1 : i32
      %dma_wait3A_859 = arith.constant 0 : i32
      %dma_wait3A_860 = arith.constant 1 : i32
      %dma_wait3A_861 = arith.constant 0 : i32
      %dma_wait3A_862 = arith.constant 0 : i32
      %dma_wait3A_863 = tpu.memref_slice %arg8[%dma_wait3A_860, %dma_wait3A_861, %dma_wait3A_862] : memref<2x2560x16xi32, #tpu.memory_space<vmem>> -> memref<1x128x16xi32, #tpu.memory_space<vmem>>
      %dma_wait3A_864 = tpu.memref_squeeze %dma_wait3A_863 : memref<1x128x16xi32, #tpu.memory_space<vmem>> -> memref<128x16xi32, #tpu.memory_space<vmem>>
      %dma_wait3A_865 = arith.constant 0 : i32
      %dma_wait3A_866 = tpu.memref_slice %arg6[%dma_wait3A_858, %dma_wait3A_859, %dma_wait3A_865] : memref<2x20x128xi32, #tpu.memory_space<vmem>> -> memref<1x1x128xi32, #tpu.memory_space<vmem>>
      %dma_wait3A_867 = tpu.memref_squeeze %dma_wait3A_866 : memref<1x1x128xi32, #tpu.memory_space<vmem>> -> memref<128xi32, #tpu.memory_space<vmem>>
      %dma_wait3A_868 = arith.constant 0 : i32
      %dma_wait3A_869 = arith.constant 0 : i32
      %dma_wait3A_870 = tpu.memref_slice %arg2[%dma_wait3A_868, %dma_wait3A_869] : memref<348160x16xi32, #tpu.memory_space<hbm>> -> memref<348160x16xi32, #tpu.memory_space<hbm>>
      tpu.wait_indirect_dma semaphore(%arg10 : memref<!tpu.dma_semaphore, #tpu.memory_space<semaphore_mem>>) src(%dma_wait3A_870 : memref<348160x16xi32, #tpu.memory_space<hbm>>) dst(%dma_wait3A_864 : memref<128x16xi32, #tpu.memory_space<vmem>>)
      %dma_wait3A_871 = arith.constant 1 : i32
      %dma_wait3A_872 = arith.constant 1 : i32
      %dma_wait3A_873 = arith.constant 1 : i32
      %dma_wait3A_874 = arith.constant 128 : i32
      %dma_wait3A_875 = arith.constant 0 : i32
      %dma_wait3A_876 = tpu.memref_slice %arg8[%dma_wait3A_873, %dma_wait3A_874, %dma_wait3A_875] : memref<2x2560x16xi32, #tpu.memory_space<vmem>> -> memref<1x128x16xi32, #tpu.memory_space<vmem>>
      %dma_wait3A_877 = tpu.memref_squeeze %dma_wait3A_876 : memref<1x128x16xi32, #tpu.memory_space<vmem>> -> memref<128x16xi32, #tpu.memory_space<vmem>>
      %dma_wait3A_878 = arith.constant 0 : i32
      %dma_wait3A_879 = tpu.memref_slice %arg6[%dma_wait3A_871, %dma_wait3A_872, %dma_wait3A_878] : memref<2x20x128xi32, #tpu.memory_space<vmem>> -> memref<1x1x128xi32, #tpu.memory_space<vmem>>
      %dma_wait3A_880 = tpu.memref_squeeze %dma_wait3A_879 : memref<1x1x128xi32, #tpu.memory_space<vmem>> -> memref<128xi32, #tpu.memory_space<vmem>>
      %dma_wait3A_881 = arith.constant 0 : i32
      %dma_wait3A_882 = arith.constant 0 : i32
      %dma_wait3A_883 = tpu.memref_slice %arg2[%dma_wait3A_881, %dma_wait3A_882] : memref<348160x16xi32, #tpu.memory_space<hbm>> -> memref<348160x16xi32, #tpu.memory_space<hbm>>
      tpu.wait_indirect_dma semaphore(%arg10 : memref<!tpu.dma_semaphore, #tpu.memory_space<semaphore_mem>>) src(%dma_wait3A_883 : memref<348160x16xi32, #tpu.memory_space<hbm>>) dst(%dma_wait3A_877 : memref<128x16xi32, #tpu.memory_space<vmem>>)
      %dma_wait3A_884 = arith.constant 1 : i32
      %dma_wait3A_885 = arith.constant 2 : i32
      %dma_wait3A_886 = arith.constant 1 : i32
      %dma_wait3A_887 = arith.constant 256 : i32
      %dma_wait3A_888 = arith.constant 0 : i32
      %dma_wait3A_889 = tpu.memref_slice %arg8[%dma_wait3A_886, %dma_wait3A_887, %dma_wait3A_888] : memref<2x2560x16xi32, #tpu.memory_space<vmem>> -> memref<1x128x16xi32, #tpu.memory_space<vmem>>
      %dma_wait3A_890 = tpu.memref_squeeze %dma_wait3A_889 : memref<1x128x16xi32, #tpu.memory_space<vmem>> -> memref<128x16xi32, #tpu.memory_space<vmem>>
      %dma_wait3A_891 = arith.constant 0 : i32
      %dma_wait3A_892 = tpu.memref_slice %arg6[%dma_wait3A_884, %dma_wait3A_885, %dma_wait3A_891] : memref<2x20x128xi32, #tpu.memory_space<vmem>> -> memref<1x1x128xi32, #tpu.memory_space<vmem>>
      %dma_wait3A_893 = tpu.memref_squeeze %dma_wait3A_892 : memref<1x1x128xi32, #tpu.memory_space<vmem>> -> memref<128xi32, #tpu.memory_space<vmem>>
      %dma_wait3A_894 = arith.constant 0 : i32
      %dma_wait3A_895 = arith.constant 0 : i32
      %dma_wait3A_896 = tpu.memref_slice %arg2[%dma_wait3A_894, %dma_wait3A_895] : memref<348160x16xi32, #tpu.memory_space<hbm>> -> memref<348160x16xi32, #tpu.memory_space<hbm>>
      tpu.wait_indirect_dma semaphore(%arg10 : memref<!tpu.dma_semaphore, #tpu.memory_space<semaphore_mem>>) src(%dma_wait3A_896 : memref<348160x16xi32, #tpu.memory_space<hbm>>) dst(%dma_wait3A_890 : memref<128x16xi32, #tpu.memory_space<vmem>>)
      %dma_wait3A_897 = arith.constant 1 : i32
      %dma_wait3A_898 = arith.constant 3 : i32
      %dma_wait3A_899 = arith.constant 1 : i32
      %dma_wait3A_900 = arith.constant 384 : i32
      %dma_wait3A_901 = arith.constant 0 : i32
      %dma_wait3A_902 = tpu.memref_slice %arg8[%dma_wait3A_899, %dma_wait3A_900, %dma_wait3A_901] : memref<2x2560x16xi32, #tpu.memory_space<vmem>> -> memref<1x128x16xi32, #tpu.memory_space<vmem>>
      %dma_wait3A_903 = tpu.memref_squeeze %dma_wait3A_902 : memref<1x128x16xi32, #tpu.memory_space<vmem>> -> memref<128x16xi32, #tpu.memory_space<vmem>>
      %dma_wait3A_904 = arith.constant 0 : i32
      %dma_wait3A_905 = tpu.memref_slice %arg6[%dma_wait3A_897, %dma_wait3A_898, %dma_wait3A_904] : memref<2x20x128xi32, #tpu.memory_space<vmem>> -> memref<1x1x128xi32, #tpu.memory_space<vmem>>
      %dma_wait3A_906 = tpu.memref_squeeze %dma_wait3A_905 : memref<1x1x128xi32, #tpu.memory_space<vmem>> -> memref<128xi32, #tpu.memory_space<vmem>>
      %dma_wait3A_907 = arith.constant 0 : i32
      %dma_wait3A_908 = arith.constant 0 : i32
      %dma_wait3A_909 = tpu.memref_slice %arg2[%dma_wait3A_907, %dma_wait3A_908] : memref<348160x16xi32, #tpu.memory_space<hbm>> -> memref<348160x16xi32, #tpu.memory_space<hbm>>
      tpu.wait_indirect_dma semaphore(%arg10 : memref<!tpu.dma_semaphore, #tpu.memory_space<semaphore_mem>>) src(%dma_wait3A_909 : memref<348160x16xi32, #tpu.memory_space<hbm>>) dst(%dma_wait3A_903 : memref<128x16xi32, #tpu.memory_space<vmem>>)
      %dma_wait3A_910 = arith.constant 1 : i32
      %dma_wait3A_911 = arith.constant 4 : i32
      %dma_wait3A_912 = arith.constant 1 : i32
      %dma_wait3A_913 = arith.constant 512 : i32
      %dma_wait3A_914 = arith.constant 0 : i32
      %dma_wait3A_915 = tpu.memref_slice %arg8[%dma_wait3A_912, %dma_wait3A_913, %dma_wait3A_914] : memref<2x2560x16xi32, #tpu.memory_space<vmem>> -> memref<1x128x16xi32, #tpu.memory_space<vmem>>
      %dma_wait3A_916 = tpu.memref_squeeze %dma_wait3A_915 : memref<1x128x16xi32, #tpu.memory_space<vmem>> -> memref<128x16xi32, #tpu.memory_space<vmem>>
      %dma_wait3A_917 = arith.constant 0 : i32
      %dma_wait3A_918 = tpu.memref_slice %arg6[%dma_wait3A_910, %dma_wait3A_911, %dma_wait3A_917] : memref<2x20x128xi32, #tpu.memory_space<vmem>> -> memref<1x1x128xi32, #tpu.memory_space<vmem>>
      %dma_wait3A_919 = tpu.memref_squeeze %dma_wait3A_918 : memref<1x1x128xi32, #tpu.memory_space<vmem>> -> memref<128xi32, #tpu.memory_space<vmem>>
      %dma_wait3A_920 = arith.constant 0 : i32
      %dma_wait3A_921 = arith.constant 0 : i32
      %dma_wait3A_922 = tpu.memref_slice %arg2[%dma_wait3A_920, %dma_wait3A_921] : memref<348160x16xi32, #tpu.memory_space<hbm>> -> memref<348160x16xi32, #tpu.memory_space<hbm>>
      tpu.wait_indirect_dma semaphore(%arg10 : memref<!tpu.dma_semaphore, #tpu.memory_space<semaphore_mem>>) src(%dma_wait3A_922 : memref<348160x16xi32, #tpu.memory_space<hbm>>) dst(%dma_wait3A_916 : memref<128x16xi32, #tpu.memory_space<vmem>>)
      %dma_wait3A_923 = arith.constant 1 : i32
      %dma_wait3A_924 = arith.constant 5 : i32
      %dma_wait3A_925 = arith.constant 1 : i32
      %dma_wait3A_926 = arith.constant 640 : i32
      %dma_wait3A_927 = arith.constant 0 : i32
      %dma_wait3A_928 = tpu.memref_slice %arg8[%dma_wait3A_925, %dma_wait3A_926, %dma_wait3A_927] : memref<2x2560x16xi32, #tpu.memory_space<vmem>> -> memref<1x128x16xi32, #tpu.memory_space<vmem>>
      %dma_wait3A_929 = tpu.memref_squeeze %dma_wait3A_928 : memref<1x128x16xi32, #tpu.memory_space<vmem>> -> memref<128x16xi32, #tpu.memory_space<vmem>>
      %dma_wait3A_930 = arith.constant 0 : i32
      %dma_wait3A_931 = tpu.memref_slice %arg6[%dma_wait3A_923, %dma_wait3A_924, %dma_wait3A_930] : memref<2x20x128xi32, #tpu.memory_space<vmem>> -> memref<1x1x128xi32, #tpu.memory_space<vmem>>
      %dma_wait3A_932 = tpu.memref_squeeze %dma_wait3A_931 : memref<1x1x128xi32, #tpu.memory_space<vmem>> -> memref<128xi32, #tpu.memory_space<vmem>>
      %dma_wait3A_933 = arith.constant 0 : i32
      %dma_wait3A_934 = arith.constant 0 : i32
      %dma_wait3A_935 = tpu.memref_slice %arg2[%dma_wait3A_933, %dma_wait3A_934] : memref<348160x16xi32, #tpu.memory_space<hbm>> -> memref<348160x16xi32, #tpu.memory_space<hbm>>
      tpu.wait_indirect_dma semaphore(%arg10 : memref<!tpu.dma_semaphore, #tpu.memory_space<semaphore_mem>>) src(%dma_wait3A_935 : memref<348160x16xi32, #tpu.memory_space<hbm>>) dst(%dma_wait3A_929 : memref<128x16xi32, #tpu.memory_space<vmem>>)
      %dma_wait3A_936 = arith.constant 1 : i32
      %dma_wait3A_937 = arith.constant 6 : i32
      %dma_wait3A_938 = arith.constant 1 : i32
      %dma_wait3A_939 = arith.constant 768 : i32
      %dma_wait3A_940 = arith.constant 0 : i32
      %dma_wait3A_941 = tpu.memref_slice %arg8[%dma_wait3A_938, %dma_wait3A_939, %dma_wait3A_940] : memref<2x2560x16xi32, #tpu.memory_space<vmem>> -> memref<1x128x16xi32, #tpu.memory_space<vmem>>
      %dma_wait3A_942 = tpu.memref_squeeze %dma_wait3A_941 : memref<1x128x16xi32, #tpu.memory_space<vmem>> -> memref<128x16xi32, #tpu.memory_space<vmem>>
      %dma_wait3A_943 = arith.constant 0 : i32
      %dma_wait3A_944 = tpu.memref_slice %arg6[%dma_wait3A_936, %dma_wait3A_937, %dma_wait3A_943] : memref<2x20x128xi32, #tpu.memory_space<vmem>> -> memref<1x1x128xi32, #tpu.memory_space<vmem>>
      %dma_wait3A_945 = tpu.memref_squeeze %dma_wait3A_944 : memref<1x1x128xi32, #tpu.memory_space<vmem>> -> memref<128xi32, #tpu.memory_space<vmem>>
      %dma_wait3A_946 = arith.constant 0 : i32
      %dma_wait3A_947 = arith.constant 0 : i32
      %dma_wait3A_948 = tpu.memref_slice %arg2[%dma_wait3A_946, %dma_wait3A_947] : memref<348160x16xi32, #tpu.memory_space<hbm>> -> memref<348160x16xi32, #tpu.memory_space<hbm>>
      tpu.wait_indirect_dma semaphore(%arg10 : memref<!tpu.dma_semaphore, #tpu.memory_space<semaphore_mem>>) src(%dma_wait3A_948 : memref<348160x16xi32, #tpu.memory_space<hbm>>) dst(%dma_wait3A_942 : memref<128x16xi32, #tpu.memory_space<vmem>>)
      %dma_wait3A_949 = arith.constant 1 : i32
      %dma_wait3A_950 = arith.constant 7 : i32
      %dma_wait3A_951 = arith.constant 1 : i32
      %dma_wait3A_952 = arith.constant 896 : i32
      %dma_wait3A_953 = arith.constant 0 : i32
      %dma_wait3A_954 = tpu.memref_slice %arg8[%dma_wait3A_951, %dma_wait3A_952, %dma_wait3A_953] : memref<2x2560x16xi32, #tpu.memory_space<vmem>> -> memref<1x128x16xi32, #tpu.memory_space<vmem>>
      %dma_wait3A_955 = tpu.memref_squeeze %dma_wait3A_954 : memref<1x128x16xi32, #tpu.memory_space<vmem>> -> memref<128x16xi32, #tpu.memory_space<vmem>>
      %dma_wait3A_956 = arith.constant 0 : i32
      %dma_wait3A_957 = tpu.memref_slice %arg6[%dma_wait3A_949, %dma_wait3A_950, %dma_wait3A_956] : memref<2x20x128xi32, #tpu.memory_space<vmem>> -> memref<1x1x128xi32, #tpu.memory_space<vmem>>
      %dma_wait3A_958 = tpu.memref_squeeze %dma_wait3A_957 : memref<1x1x128xi32, #tpu.memory_space<vmem>> -> memref<128xi32, #tpu.memory_space<vmem>>
      %dma_wait3A_959 = arith.constant 0 : i32
      %dma_wait3A_960 = arith.constant 0 : i32
      %dma_wait3A_961 = tpu.memref_slice %arg2[%dma_wait3A_959, %dma_wait3A_960] : memref<348160x16xi32, #tpu.memory_space<hbm>> -> memref<348160x16xi32, #tpu.memory_space<hbm>>
      tpu.wait_indirect_dma semaphore(%arg10 : memref<!tpu.dma_semaphore, #tpu.memory_space<semaphore_mem>>) src(%dma_wait3A_961 : memref<348160x16xi32, #tpu.memory_space<hbm>>) dst(%dma_wait3A_955 : memref<128x16xi32, #tpu.memory_space<vmem>>)
      %dma_wait3A_962 = arith.constant 1 : i32
      %dma_wait3A_963 = arith.constant 8 : i32
      %dma_wait3A_964 = arith.constant 1 : i32
      %dma_wait3A_965 = arith.constant 1024 : i32
      %dma_wait3A_966 = arith.constant 0 : i32
      %dma_wait3A_967 = tpu.memref_slice %arg8[%dma_wait3A_964, %dma_wait3A_965, %dma_wait3A_966] : memref<2x2560x16xi32, #tpu.memory_space<vmem>> -> memref<1x128x16xi32, #tpu.memory_space<vmem>>
      %dma_wait3A_968 = tpu.memref_squeeze %dma_wait3A_967 : memref<1x128x16xi32, #tpu.memory_space<vmem>> -> memref<128x16xi32, #tpu.memory_space<vmem>>
      %dma_wait3A_969 = arith.constant 0 : i32
      %dma_wait3A_970 = tpu.memref_slice %arg6[%dma_wait3A_962, %dma_wait3A_963, %dma_wait3A_969] : memref<2x20x128xi32, #tpu.memory_space<vmem>> -> memref<1x1x128xi32, #tpu.memory_space<vmem>>
      %dma_wait3A_971 = tpu.memref_squeeze %dma_wait3A_970 : memref<1x1x128xi32, #tpu.memory_space<vmem>> -> memref<128xi32, #tpu.memory_space<vmem>>
      %dma_wait3A_972 = arith.constant 0 : i32
      %dma_wait3A_973 = arith.constant 0 : i32
      %dma_wait3A_974 = tpu.memref_slice %arg2[%dma_wait3A_972, %dma_wait3A_973] : memref<348160x16xi32, #tpu.memory_space<hbm>> -> memref<348160x16xi32, #tpu.memory_space<hbm>>
      tpu.wait_indirect_dma semaphore(%arg10 : memref<!tpu.dma_semaphore, #tpu.memory_space<semaphore_mem>>) src(%dma_wait3A_974 : memref<348160x16xi32, #tpu.memory_space<hbm>>) dst(%dma_wait3A_968 : memref<128x16xi32, #tpu.memory_space<vmem>>)
      %dma_wait3A_975 = arith.constant 1 : i32
      %dma_wait3A_976 = arith.constant 9 : i32
      %dma_wait3A_977 = arith.constant 1 : i32
      %dma_wait3A_978 = arith.constant 1152 : i32
      %dma_wait3A_979 = arith.constant 0 : i32
      %dma_wait3A_980 = tpu.memref_slice %arg8[%dma_wait3A_977, %dma_wait3A_978, %dma_wait3A_979] : memref<2x2560x16xi32, #tpu.memory_space<vmem>> -> memref<1x128x16xi32, #tpu.memory_space<vmem>>
      %dma_wait3A_981 = tpu.memref_squeeze %dma_wait3A_980 : memref<1x128x16xi32, #tpu.memory_space<vmem>> -> memref<128x16xi32, #tpu.memory_space<vmem>>
      %dma_wait3A_982 = arith.constant 0 : i32
      %dma_wait3A_983 = tpu.memref_slice %arg6[%dma_wait3A_975, %dma_wait3A_976, %dma_wait3A_982] : memref<2x20x128xi32, #tpu.memory_space<vmem>> -> memref<1x1x128xi32, #tpu.memory_space<vmem>>
      %dma_wait3A_984 = tpu.memref_squeeze %dma_wait3A_983 : memref<1x1x128xi32, #tpu.memory_space<vmem>> -> memref<128xi32, #tpu.memory_space<vmem>>
      %dma_wait3A_985 = arith.constant 0 : i32
      %dma_wait3A_986 = arith.constant 0 : i32
      %dma_wait3A_987 = tpu.memref_slice %arg2[%dma_wait3A_985, %dma_wait3A_986] : memref<348160x16xi32, #tpu.memory_space<hbm>> -> memref<348160x16xi32, #tpu.memory_space<hbm>>
      tpu.wait_indirect_dma semaphore(%arg10 : memref<!tpu.dma_semaphore, #tpu.memory_space<semaphore_mem>>) src(%dma_wait3A_987 : memref<348160x16xi32, #tpu.memory_space<hbm>>) dst(%dma_wait3A_981 : memref<128x16xi32, #tpu.memory_space<vmem>>)
      %dma_wait3A_988 = arith.constant 1 : i32
      %dma_wait3A_989 = arith.constant 10 : i32
      %dma_wait3A_990 = arith.constant 1 : i32
      %dma_wait3A_991 = arith.constant 1280 : i32
      %dma_wait3A_992 = arith.constant 0 : i32
      %dma_wait3A_993 = tpu.memref_slice %arg8[%dma_wait3A_990, %dma_wait3A_991, %dma_wait3A_992] : memref<2x2560x16xi32, #tpu.memory_space<vmem>> -> memref<1x128x16xi32, #tpu.memory_space<vmem>>
      %dma_wait3A_994 = tpu.memref_squeeze %dma_wait3A_993 : memref<1x128x16xi32, #tpu.memory_space<vmem>> -> memref<128x16xi32, #tpu.memory_space<vmem>>
      %dma_wait3A_995 = arith.constant 0 : i32
      %dma_wait3A_996 = tpu.memref_slice %arg6[%dma_wait3A_988, %dma_wait3A_989, %dma_wait3A_995] : memref<2x20x128xi32, #tpu.memory_space<vmem>> -> memref<1x1x128xi32, #tpu.memory_space<vmem>>
      %dma_wait3A_997 = tpu.memref_squeeze %dma_wait3A_996 : memref<1x1x128xi32, #tpu.memory_space<vmem>> -> memref<128xi32, #tpu.memory_space<vmem>>
      %dma_wait3A_998 = arith.constant 0 : i32
      %dma_wait3A_999 = arith.constant 0 : i32
      %dma_wait3A_1000 = tpu.memref_slice %arg2[%dma_wait3A_998, %dma_wait3A_999] : memref<348160x16xi32, #tpu.memory_space<hbm>> -> memref<348160x16xi32, #tpu.memory_space<hbm>>
      tpu.wait_indirect_dma semaphore(%arg10 : memref<!tpu.dma_semaphore, #tpu.memory_space<semaphore_mem>>) src(%dma_wait3A_1000 : memref<348160x16xi32, #tpu.memory_space<hbm>>) dst(%dma_wait3A_994 : memref<128x16xi32, #tpu.memory_space<vmem>>)
      %dma_wait3A_1001 = arith.constant 1 : i32
      %dma_wait3A_1002 = arith.constant 11 : i32
      %dma_wait3A_1003 = arith.constant 1 : i32
      %dma_wait3A_1004 = arith.constant 1408 : i32
      %dma_wait3A_1005 = arith.constant 0 : i32
      %dma_wait3A_1006 = tpu.memref_slice %arg8[%dma_wait3A_1003, %dma_wait3A_1004, %dma_wait3A_1005] : memref<2x2560x16xi32, #tpu.memory_space<vmem>> -> memref<1x128x16xi32, #tpu.memory_space<vmem>>
      %dma_wait3A_1007 = tpu.memref_squeeze %dma_wait3A_1006 : memref<1x128x16xi32, #tpu.memory_space<vmem>> -> memref<128x16xi32, #tpu.memory_space<vmem>>
      %dma_wait3A_1008 = arith.constant 0 : i32
      %dma_wait3A_1009 = tpu.memref_slice %arg6[%dma_wait3A_1001, %dma_wait3A_1002, %dma_wait3A_1008] : memref<2x20x128xi32, #tpu.memory_space<vmem>> -> memref<1x1x128xi32, #tpu.memory_space<vmem>>
      %dma_wait3A_1010 = tpu.memref_squeeze %dma_wait3A_1009 : memref<1x1x128xi32, #tpu.memory_space<vmem>> -> memref<128xi32, #tpu.memory_space<vmem>>
      %dma_wait3A_1011 = arith.constant 0 : i32
      %dma_wait3A_1012 = arith.constant 0 : i32
      %dma_wait3A_1013 = tpu.memref_slice %arg2[%dma_wait3A_1011, %dma_wait3A_1012] : memref<348160x16xi32, #tpu.memory_space<hbm>> -> memref<348160x16xi32, #tpu.memory_space<hbm>>
      tpu.wait_indirect_dma semaphore(%arg10 : memref<!tpu.dma_semaphore, #tpu.memory_space<semaphore_mem>>) src(%dma_wait3A_1013 : memref<348160x16xi32, #tpu.memory_space<hbm>>) dst(%dma_wait3A_1007 : memref<128x16xi32, #tpu.memory_space<vmem>>)
      %dma_wait3A_1014 = arith.constant 1 : i32
      %dma_wait3A_1015 = arith.constant 12 : i32
      %dma_wait3A_1016 = arith.constant 1 : i32
      %dma_wait3A_1017 = arith.constant 1536 : i32
      %dma_wait3A_1018 = arith.constant 0 : i32
      %dma_wait3A_1019 = tpu.memref_slice %arg8[%dma_wait3A_1016, %dma_wait3A_1017, %dma_wait3A_1018] : memref<2x2560x16xi32, #tpu.memory_space<vmem>> -> memref<1x128x16xi32, #tpu.memory_space<vmem>>
      %dma_wait3A_1020 = tpu.memref_squeeze %dma_wait3A_1019 : memref<1x128x16xi32, #tpu.memory_space<vmem>> -> memref<128x16xi32, #tpu.memory_space<vmem>>
      %dma_wait3A_1021 = arith.constant 0 : i32
      %dma_wait3A_1022 = tpu.memref_slice %arg6[%dma_wait3A_1014, %dma_wait3A_1015, %dma_wait3A_1021] : memref<2x20x128xi32, #tpu.memory_space<vmem>> -> memref<1x1x128xi32, #tpu.memory_space<vmem>>
      %dma_wait3A_1023 = tpu.memref_squeeze %dma_wait3A_1022 : memref<1x1x128xi32, #tpu.memory_space<vmem>> -> memref<128xi32, #tpu.memory_space<vmem>>
      %dma_wait3A_1024 = arith.constant 0 : i32
      %dma_wait3A_1025 = arith.constant 0 : i32
      %dma_wait3A_1026 = tpu.memref_slice %arg2[%dma_wait3A_1024, %dma_wait3A_1025] : memref<348160x16xi32, #tpu.memory_space<hbm>> -> memref<348160x16xi32, #tpu.memory_space<hbm>>
      tpu.wait_indirect_dma semaphore(%arg10 : memref<!tpu.dma_semaphore, #tpu.memory_space<semaphore_mem>>) src(%dma_wait3A_1026 : memref<348160x16xi32, #tpu.memory_space<hbm>>) dst(%dma_wait3A_1020 : memref<128x16xi32, #tpu.memory_space<vmem>>)
      %dma_wait3A_1027 = arith.constant 1 : i32
      %dma_wait3A_1028 = arith.constant 13 : i32
      %dma_wait3A_1029 = arith.constant 1 : i32
      %dma_wait3A_1030 = arith.constant 1664 : i32
      %dma_wait3A_1031 = arith.constant 0 : i32
      %dma_wait3A_1032 = tpu.memref_slice %arg8[%dma_wait3A_1029, %dma_wait3A_1030, %dma_wait3A_1031] : memref<2x2560x16xi32, #tpu.memory_space<vmem>> -> memref<1x128x16xi32, #tpu.memory_space<vmem>>
      %dma_wait3A_1033 = tpu.memref_squeeze %dma_wait3A_1032 : memref<1x128x16xi32, #tpu.memory_space<vmem>> -> memref<128x16xi32, #tpu.memory_space<vmem>>
      %dma_wait3A_1034 = arith.constant 0 : i32
      %dma_wait3A_1035 = tpu.memref_slice %arg6[%dma_wait3A_1027, %dma_wait3A_1028, %dma_wait3A_1034] : memref<2x20x128xi32, #tpu.memory_space<vmem>> -> memref<1x1x128xi32, #tpu.memory_space<vmem>>
      %dma_wait3A_1036 = tpu.memref_squeeze %dma_wait3A_1035 : memref<1x1x128xi32, #tpu.memory_space<vmem>> -> memref<128xi32, #tpu.memory_space<vmem>>
      %dma_wait3A_1037 = arith.constant 0 : i32
      %dma_wait3A_1038 = arith.constant 0 : i32
      %dma_wait3A_1039 = tpu.memref_slice %arg2[%dma_wait3A_1037, %dma_wait3A_1038] : memref<348160x16xi32, #tpu.memory_space<hbm>> -> memref<348160x16xi32, #tpu.memory_space<hbm>>
      tpu.wait_indirect_dma semaphore(%arg10 : memref<!tpu.dma_semaphore, #tpu.memory_space<semaphore_mem>>) src(%dma_wait3A_1039 : memref<348160x16xi32, #tpu.memory_space<hbm>>) dst(%dma_wait3A_1033 : memref<128x16xi32, #tpu.memory_space<vmem>>)
      %dma_wait3A_1040 = arith.constant 1 : i32
      %dma_wait3A_1041 = arith.constant 14 : i32
      %dma_wait3A_1042 = arith.constant 1 : i32
      %dma_wait3A_1043 = arith.constant 1792 : i32
      %dma_wait3A_1044 = arith.constant 0 : i32
      %dma_wait3A_1045 = tpu.memref_slice %arg8[%dma_wait3A_1042, %dma_wait3A_1043, %dma_wait3A_1044] : memref<2x2560x16xi32, #tpu.memory_space<vmem>> -> memref<1x128x16xi32, #tpu.memory_space<vmem>>
      %dma_wait3A_1046 = tpu.memref_squeeze %dma_wait3A_1045 : memref<1x128x16xi32, #tpu.memory_space<vmem>> -> memref<128x16xi32, #tpu.memory_space<vmem>>
      %dma_wait3A_1047 = arith.constant 0 : i32
      %dma_wait3A_1048 = tpu.memref_slice %arg6[%dma_wait3A_1040, %dma_wait3A_1041, %dma_wait3A_1047] : memref<2x20x128xi32, #tpu.memory_space<vmem>> -> memref<1x1x128xi32, #tpu.memory_space<vmem>>
      %dma_wait3A_1049 = tpu.memref_squeeze %dma_wait3A_1048 : memref<1x1x128xi32, #tpu.memory_space<vmem>> -> memref<128xi32, #tpu.memory_space<vmem>>
      %dma_wait3A_1050 = arith.constant 0 : i32
      %dma_wait3A_1051 = arith.constant 0 : i32
      %dma_wait3A_1052 = tpu.memref_slice %arg2[%dma_wait3A_1050, %dma_wait3A_1051] : memref<348160x16xi32, #tpu.memory_space<hbm>> -> memref<348160x16xi32, #tpu.memory_space<hbm>>
      tpu.wait_indirect_dma semaphore(%arg10 : memref<!tpu.dma_semaphore, #tpu.memory_space<semaphore_mem>>) src(%dma_wait3A_1052 : memref<348160x16xi32, #tpu.memory_space<hbm>>) dst(%dma_wait3A_1046 : memref<128x16xi32, #tpu.memory_space<vmem>>)
      %dma_wait3A_1053 = arith.constant 1 : i32
      %dma_wait3A_1054 = arith.constant 15 : i32
      %dma_wait3A_1055 = arith.constant 1 : i32
      %dma_wait3A_1056 = arith.constant 1920 : i32
      %dma_wait3A_1057 = arith.constant 0 : i32
      %dma_wait3A_1058 = tpu.memref_slice %arg8[%dma_wait3A_1055, %dma_wait3A_1056, %dma_wait3A_1057] : memref<2x2560x16xi32, #tpu.memory_space<vmem>> -> memref<1x128x16xi32, #tpu.memory_space<vmem>>
      %dma_wait3A_1059 = tpu.memref_squeeze %dma_wait3A_1058 : memref<1x128x16xi32, #tpu.memory_space<vmem>> -> memref<128x16xi32, #tpu.memory_space<vmem>>
      %dma_wait3A_1060 = arith.constant 0 : i32
      %dma_wait3A_1061 = tpu.memref_slice %arg6[%dma_wait3A_1053, %dma_wait3A_1054, %dma_wait3A_1060] : memref<2x20x128xi32, #tpu.memory_space<vmem>> -> memref<1x1x128xi32, #tpu.memory_space<vmem>>
      %dma_wait3A_1062 = tpu.memref_squeeze %dma_wait3A_1061 : memref<1x1x128xi32, #tpu.memory_space<vmem>> -> memref<128xi32, #tpu.memory_space<vmem>>
      %dma_wait3A_1063 = arith.constant 0 : i32
      %dma_wait3A_1064 = arith.constant 0 : i32
      %dma_wait3A_1065 = tpu.memref_slice %arg2[%dma_wait3A_1063, %dma_wait3A_1064] : memref<348160x16xi32, #tpu.memory_space<hbm>> -> memref<348160x16xi32, #tpu.memory_space<hbm>>
      tpu.wait_indirect_dma semaphore(%arg10 : memref<!tpu.dma_semaphore, #tpu.memory_space<semaphore_mem>>) src(%dma_wait3A_1065 : memref<348160x16xi32, #tpu.memory_space<hbm>>) dst(%dma_wait3A_1059 : memref<128x16xi32, #tpu.memory_space<vmem>>)
      %dma_wait3A_1066 = arith.constant 1 : i32
      %dma_wait3A_1067 = arith.constant 16 : i32
      %dma_wait3A_1068 = arith.constant 1 : i32
      %dma_wait3A_1069 = arith.constant 2048 : i32
      %dma_wait3A_1070 = arith.constant 0 : i32
      %dma_wait3A_1071 = tpu.memref_slice %arg8[%dma_wait3A_1068, %dma_wait3A_1069, %dma_wait3A_1070] : memref<2x2560x16xi32, #tpu.memory_space<vmem>> -> memref<1x128x16xi32, #tpu.memory_space<vmem>>
      %dma_wait3A_1072 = tpu.memref_squeeze %dma_wait3A_1071 : memref<1x128x16xi32, #tpu.memory_space<vmem>> -> memref<128x16xi32, #tpu.memory_space<vmem>>
      %dma_wait3A_1073 = arith.constant 0 : i32
      %dma_wait3A_1074 = tpu.memref_slice %arg6[%dma_wait3A_1066, %dma_wait3A_1067, %dma_wait3A_1073] : memref<2x20x128xi32, #tpu.memory_space<vmem>> -> memref<1x1x128xi32, #tpu.memory_space<vmem>>
      %dma_wait3A_1075 = tpu.memref_squeeze %dma_wait3A_1074 : memref<1x1x128xi32, #tpu.memory_space<vmem>> -> memref<128xi32, #tpu.memory_space<vmem>>
      %dma_wait3A_1076 = arith.constant 0 : i32
      %dma_wait3A_1077 = arith.constant 0 : i32
      %dma_wait3A_1078 = tpu.memref_slice %arg2[%dma_wait3A_1076, %dma_wait3A_1077] : memref<348160x16xi32, #tpu.memory_space<hbm>> -> memref<348160x16xi32, #tpu.memory_space<hbm>>
      tpu.wait_indirect_dma semaphore(%arg10 : memref<!tpu.dma_semaphore, #tpu.memory_space<semaphore_mem>>) src(%dma_wait3A_1078 : memref<348160x16xi32, #tpu.memory_space<hbm>>) dst(%dma_wait3A_1072 : memref<128x16xi32, #tpu.memory_space<vmem>>)
      %dma_wait3A_1079 = arith.constant 1 : i32
      %dma_wait3A_1080 = arith.constant 17 : i32
      %dma_wait3A_1081 = arith.constant 1 : i32
      %dma_wait3A_1082 = arith.constant 2176 : i32
      %dma_wait3A_1083 = arith.constant 0 : i32
      %dma_wait3A_1084 = tpu.memref_slice %arg8[%dma_wait3A_1081, %dma_wait3A_1082, %dma_wait3A_1083] : memref<2x2560x16xi32, #tpu.memory_space<vmem>> -> memref<1x128x16xi32, #tpu.memory_space<vmem>>
      %dma_wait3A_1085 = tpu.memref_squeeze %dma_wait3A_1084 : memref<1x128x16xi32, #tpu.memory_space<vmem>> -> memref<128x16xi32, #tpu.memory_space<vmem>>
      %dma_wait3A_1086 = arith.constant 0 : i32
      %dma_wait3A_1087 = tpu.memref_slice %arg6[%dma_wait3A_1079, %dma_wait3A_1080, %dma_wait3A_1086] : memref<2x20x128xi32, #tpu.memory_space<vmem>> -> memref<1x1x128xi32, #tpu.memory_space<vmem>>
      %dma_wait3A_1088 = tpu.memref_squeeze %dma_wait3A_1087 : memref<1x1x128xi32, #tpu.memory_space<vmem>> -> memref<128xi32, #tpu.memory_space<vmem>>
      %dma_wait3A_1089 = arith.constant 0 : i32
      %dma_wait3A_1090 = arith.constant 0 : i32
      %dma_wait3A_1091 = tpu.memref_slice %arg2[%dma_wait3A_1089, %dma_wait3A_1090] : memref<348160x16xi32, #tpu.memory_space<hbm>> -> memref<348160x16xi32, #tpu.memory_space<hbm>>
      tpu.wait_indirect_dma semaphore(%arg10 : memref<!tpu.dma_semaphore, #tpu.memory_space<semaphore_mem>>) src(%dma_wait3A_1091 : memref<348160x16xi32, #tpu.memory_space<hbm>>) dst(%dma_wait3A_1085 : memref<128x16xi32, #tpu.memory_space<vmem>>)
      %dma_wait3A_1092 = arith.constant 1 : i32
      %dma_wait3A_1093 = arith.constant 18 : i32
      %dma_wait3A_1094 = arith.constant 1 : i32
      %dma_wait3A_1095 = arith.constant 2304 : i32
      %dma_wait3A_1096 = arith.constant 0 : i32
      %dma_wait3A_1097 = tpu.memref_slice %arg8[%dma_wait3A_1094, %dma_wait3A_1095, %dma_wait3A_1096] : memref<2x2560x16xi32, #tpu.memory_space<vmem>> -> memref<1x128x16xi32, #tpu.memory_space<vmem>>
      %dma_wait3A_1098 = tpu.memref_squeeze %dma_wait3A_1097 : memref<1x128x16xi32, #tpu.memory_space<vmem>> -> memref<128x16xi32, #tpu.memory_space<vmem>>
      %dma_wait3A_1099 = arith.constant 0 : i32
      %dma_wait3A_1100 = tpu.memref_slice %arg6[%dma_wait3A_1092, %dma_wait3A_1093, %dma_wait3A_1099] : memref<2x20x128xi32, #tpu.memory_space<vmem>> -> memref<1x1x128xi32, #tpu.memory_space<vmem>>
      %dma_wait3A_1101 = tpu.memref_squeeze %dma_wait3A_1100 : memref<1x1x128xi32, #tpu.memory_space<vmem>> -> memref<128xi32, #tpu.memory_space<vmem>>
      %dma_wait3A_1102 = arith.constant 0 : i32
      %dma_wait3A_1103 = arith.constant 0 : i32
      %dma_wait3A_1104 = tpu.memref_slice %arg2[%dma_wait3A_1102, %dma_wait3A_1103] : memref<348160x16xi32, #tpu.memory_space<hbm>> -> memref<348160x16xi32, #tpu.memory_space<hbm>>
      tpu.wait_indirect_dma semaphore(%arg10 : memref<!tpu.dma_semaphore, #tpu.memory_space<semaphore_mem>>) src(%dma_wait3A_1104 : memref<348160x16xi32, #tpu.memory_space<hbm>>) dst(%dma_wait3A_1098 : memref<128x16xi32, #tpu.memory_space<vmem>>)
      %dma_wait3A_1105 = arith.constant 1 : i32
      %dma_wait3A_1106 = arith.constant 19 : i32
      %dma_wait3A_1107 = arith.constant 1 : i32
      %dma_wait3A_1108 = arith.constant 2432 : i32
      %dma_wait3A_1109 = arith.constant 0 : i32
      %dma_wait3A_1110 = tpu.memref_slice %arg8[%dma_wait3A_1107, %dma_wait3A_1108, %dma_wait3A_1109] : memref<2x2560x16xi32, #tpu.memory_space<vmem>> -> memref<1x128x16xi32, #tpu.memory_space<vmem>>
      %dma_wait3A_1111 = tpu.memref_squeeze %dma_wait3A_1110 : memref<1x128x16xi32, #tpu.memory_space<vmem>> -> memref<128x16xi32, #tpu.memory_space<vmem>>
      %dma_wait3A_1112 = arith.constant 0 : i32
      %dma_wait3A_1113 = tpu.memref_slice %arg6[%dma_wait3A_1105, %dma_wait3A_1106, %dma_wait3A_1112] : memref<2x20x128xi32, #tpu.memory_space<vmem>> -> memref<1x1x128xi32, #tpu.memory_space<vmem>>
      %dma_wait3A_1114 = tpu.memref_squeeze %dma_wait3A_1113 : memref<1x1x128xi32, #tpu.memory_space<vmem>> -> memref<128xi32, #tpu.memory_space<vmem>>
      %dma_wait3A_1115 = arith.constant 0 : i32
      %dma_wait3A_1116 = arith.constant 0 : i32
      %dma_wait3A_1117 = tpu.memref_slice %arg2[%dma_wait3A_1115, %dma_wait3A_1116] : memref<348160x16xi32, #tpu.memory_space<hbm>> -> memref<348160x16xi32, #tpu.memory_space<hbm>>
      tpu.wait_indirect_dma semaphore(%arg10 : memref<!tpu.dma_semaphore, #tpu.memory_space<semaphore_mem>>) src(%dma_wait3A_1117 : memref<348160x16xi32, #tpu.memory_space<hbm>>) dst(%dma_wait3A_1111 : memref<128x16xi32, #tpu.memory_space<vmem>>)
      %ge3A_1118 = arith.constant 1 : i32
      %ge3A_1119 = arith.cmpi sge, %scan3A_301, %ge3A_1118 : i32
      %convert_element_type3A_1120 = arith.extui %ge3A_1119 : i1 to i32
      %cond3A_1121 = arith.constant 0 : i32
      %cond3A_1122 = arith.cmpi ne, %convert_element_type3A_1120, %cond3A_1121 : i32
      scf.if %cond3A_1122 {
        %dma_wait3A_1140 = arith.constant 1 : i32
        %dma_wait3A_1141 = arith.constant 0 : i32
        %dma_wait3A_1142 = arith.constant 0 : i32
        %dma_wait3A_1143 = tpu.memref_slice %arg9[%dma_wait3A_1140, %dma_wait3A_1141, %dma_wait3A_1142] : memref<2x40x32xf32, #tpu.memory_space<vmem>> -> memref<1x40x32xf32, #tpu.memory_space<vmem>>
        %dma_wait3A_1144 = tpu.memref_squeeze %dma_wait3A_1143 : memref<1x40x32xf32, #tpu.memory_space<vmem>> -> memref<40x32xf32, #tpu.memory_space<vmem>>
        %dma_wait3A_1145 = arith.constant 0 : i32
        %dma_wait3A_1146 = arith.constant 0 : i32
        %dma_wait3A_1147 = tpu.memref_slice %arg5[%dma_wait3A_1145, %dma_wait3A_1146] : memref<348160x32xf32, #tpu.memory_space<hbm>> -> memref<40x32xf32, #tpu.memory_space<hbm>>
        %dma_wait3A_1148 = arith.constant 0 : i32
        %dma_wait3A_1149 = arith.constant 0 : i32
        %dma_wait3A_1150 = tpu.memref_slice %arg5[%dma_wait3A_1148, %dma_wait3A_1149] : memref<348160x32xf32, #tpu.memory_space<hbm>> -> memref<40x32xf32, #tpu.memory_space<hbm>>
        %dma_wait3A_1151 = arith.constant 0 : i32
        %dma_wait3A_1152 = arith.constant 0 : i32
        %dma_wait3A_1153 = tpu.memref_slice %arg9[%dma_wait3A_1140, %dma_wait3A_1151, %dma_wait3A_1152] : memref<2x40x32xf32, #tpu.memory_space<vmem>> -> memref<1x40x32xf32, #tpu.memory_space<vmem>>
        %dma_wait3A_1154 = tpu.memref_squeeze %dma_wait3A_1153 : memref<1x40x32xf32, #tpu.memory_space<vmem>> -> memref<40x32xf32, #tpu.memory_space<vmem>>
        tpu.wait_dma2 semaphore(%arg11 : memref<!tpu.dma_semaphore, #tpu.memory_space<semaphore_mem>>) src(%dma_wait3A_1154 : memref<40x32xf32, #tpu.memory_space<vmem>>) dst(%dma_wait3A_1150 : memref<40x32xf32, #tpu.memory_space<hbm>>)
      } else {
      }
      %add3A_1123 = arith.constant 5 : i32
      %add3A_1124 = arith.addi %add3A_306, %add3A_1123 : i32
      %mul3A_1125 = arith.constant 8 : i32
      %mul3A_1126 = arith.muli %add3A_1124, %mul3A_1125 : i32
      %dma_start3A_1127 = arith.constant 1 : i32
      %dma_start3A_1128 = arith.constant 0 : i32
      %dma_start3A_1129 = arith.constant 0 : i32
      %dma_start3A_1130 = tpu.memref_slice %arg9[%dma_start3A_1127, %dma_start3A_1128, %dma_start3A_1129] : memref<2x40x32xf32, #tpu.memory_space<vmem>> -> memref<1x40x32xf32, #tpu.memory_space<vmem>>
      %dma_start3A_1131 = tpu.memref_squeeze %dma_start3A_1130 : memref<1x40x32xf32, #tpu.memory_space<vmem>> -> memref<40x32xf32, #tpu.memory_space<vmem>>
      %dma_start3A_1132 = arith.constant 0 : i32
      %dma_start3A_1133 = tpu.memref_slice %arg5[%mul3A_1126, %dma_start3A_1132] : memref<348160x32xf32, #tpu.memory_space<hbm>> -> memref<40x32xf32, #tpu.memory_space<hbm>>
      %dma_start3A_1134 = arith.constant 0 : i32
      %dma_start3A_1135 = tpu.memref_slice %arg5[%mul3A_1126, %dma_start3A_1134] : memref<348160x32xf32, #tpu.memory_space<hbm>> -> memref<40x32xf32, #tpu.memory_space<hbm>>
      %dma_start3A_1136 = arith.constant 0 : i32
      %dma_start3A_1137 = arith.constant 0 : i32
      %dma_start3A_1138 = tpu.memref_slice %arg9[%dma_start3A_1127, %dma_start3A_1136, %dma_start3A_1137] : memref<2x40x32xf32, #tpu.memory_space<vmem>> -> memref<1x40x32xf32, #tpu.memory_space<vmem>>
      %dma_start3A_1139 = tpu.memref_squeeze %dma_start3A_1138 : memref<1x40x32xf32, #tpu.memory_space<vmem>> -> memref<40x32xf32, #tpu.memory_space<vmem>>
      tpu.enqueue_dma source(%dma_start3A_1139 : memref<40x32xf32, #tpu.memory_space<vmem>>) target(%dma_start3A_1135 : memref<40x32xf32, #tpu.memory_space<hbm>>) target_semaphore(%arg11 : memref<!tpu.dma_semaphore, #tpu.memory_space<semaphore_mem>>)
    }
    %scan3A_271 = arith.constant 136 : i32
    %dma_wait3A = arith.constant 0 : i32
    %dma_wait3A_272 = arith.constant 0 : i32
    %dma_wait3A_273 = arith.constant 0 : i32
    %dma_wait3A_274 = tpu.memref_slice %arg9[%dma_wait3A, %dma_wait3A_272, %dma_wait3A_273] : memref<2x40x32xf32, #tpu.memory_space<vmem>> -> memref<1x40x32xf32, #tpu.memory_space<vmem>>
    %dma_wait3A_275 = tpu.memref_squeeze %dma_wait3A_274 : memref<1x40x32xf32, #tpu.memory_space<vmem>> -> memref<40x32xf32, #tpu.memory_space<vmem>>
    %dma_wait3A_276 = arith.constant 0 : i32
    %dma_wait3A_277 = arith.constant 0 : i32
    %dma_wait3A_278 = tpu.memref_slice %arg5[%dma_wait3A_276, %dma_wait3A_277] : memref<348160x32xf32, #tpu.memory_space<hbm>> -> memref<40x32xf32, #tpu.memory_space<hbm>>
    %dma_wait3A_279 = arith.constant 0 : i32
    %dma_wait3A_280 = arith.constant 0 : i32
    %dma_wait3A_281 = tpu.memref_slice %arg5[%dma_wait3A_279, %dma_wait3A_280] : memref<348160x32xf32, #tpu.memory_space<hbm>> -> memref<40x32xf32, #tpu.memory_space<hbm>>
    %dma_wait3A_282 = arith.constant 0 : i32
    %dma_wait3A_283 = arith.constant 0 : i32
    %dma_wait3A_284 = tpu.memref_slice %arg9[%dma_wait3A, %dma_wait3A_282, %dma_wait3A_283] : memref<2x40x32xf32, #tpu.memory_space<vmem>> -> memref<1x40x32xf32, #tpu.memory_space<vmem>>
    %dma_wait3A_285 = tpu.memref_squeeze %dma_wait3A_284 : memref<1x40x32xf32, #tpu.memory_space<vmem>> -> memref<40x32xf32, #tpu.memory_space<vmem>>
    tpu.wait_dma2 semaphore(%arg11 : memref<!tpu.dma_semaphore, #tpu.memory_space<semaphore_mem>>) src(%dma_wait3A_285 : memref<40x32xf32, #tpu.memory_space<vmem>>) dst(%dma_wait3A_281 : memref<40x32xf32, #tpu.memory_space<hbm>>)
    %dma_wait3A_286 = arith.constant 1 : i32
    %dma_wait3A_287 = arith.constant 0 : i32
    %dma_wait3A_288 = arith.constant 0 : i32
    %dma_wait3A_289 = tpu.memref_slice %arg9[%dma_wait3A_286, %dma_wait3A_287, %dma_wait3A_288] : memref<2x40x32xf32, #tpu.memory_space<vmem>> -> memref<1x40x32xf32, #tpu.memory_space<vmem>>
    %dma_wait3A_290 = tpu.memref_squeeze %dma_wait3A_289 : memref<1x40x32xf32, #tpu.memory_space<vmem>> -> memref<40x32xf32, #tpu.memory_space<vmem>>
    %dma_wait3A_291 = arith.constant 0 : i32
    %dma_wait3A_292 = arith.constant 0 : i32
    %dma_wait3A_293 = tpu.memref_slice %arg5[%dma_wait3A_291, %dma_wait3A_292] : memref<348160x32xf32, #tpu.memory_space<hbm>> -> memref<40x32xf32, #tpu.memory_space<hbm>>
    %dma_wait3A_294 = arith.constant 0 : i32
    %dma_wait3A_295 = arith.constant 0 : i32
    %dma_wait3A_296 = tpu.memref_slice %arg5[%dma_wait3A_294, %dma_wait3A_295] : memref<348160x32xf32, #tpu.memory_space<hbm>> -> memref<40x32xf32, #tpu.memory_space<hbm>>
    %dma_wait3A_297 = arith.constant 0 : i32
    %dma_wait3A_298 = arith.constant 0 : i32
    %dma_wait3A_299 = tpu.memref_slice %arg9[%dma_wait3A_286, %dma_wait3A_297, %dma_wait3A_298] : memref<2x40x32xf32, #tpu.memory_space<vmem>> -> memref<1x40x32xf32, #tpu.memory_space<vmem>>
    %dma_wait3A_300 = tpu.memref_squeeze %dma_wait3A_299 : memref<1x40x32xf32, #tpu.memory_space<vmem>> -> memref<40x32xf32, #tpu.memory_space<vmem>>
    tpu.wait_dma2 semaphore(%arg11 : memref<!tpu.dma_semaphore, #tpu.memory_space<semaphore_mem>>) src(%dma_wait3A_300 : memref<40x32xf32, #tpu.memory_space<vmem>>) dst(%dma_wait3A_296 : memref<40x32xf32, #tpu.memory_space<hbm>>)
    return
  }
}

module attributes {stable_mosaic.version = 14 : i64} {
  func.func @_stage1_body(%arg0: i32, %arg1: i32, %arg2: memref<1x640x256xf32, #tpu.memory_space<vmem>>, %arg3: memref<1x640x256xf32, #tpu.memory_space<vmem>>, %arg4: memref<256x256xf32, #tpu.memory_space<vmem>>, %arg5: memref<1x256xf32, #tpu.memory_space<vmem>>, %arg6: memref<256x128xf32, #tpu.memory_space<vmem>>, %arg7: memref<1x128xf32, #tpu.memory_space<vmem>>, %arg8: memref<256x128xf32, #tpu.memory_space<vmem>>, %arg9: memref<256x128xf32, #tpu.memory_space<vmem>>, %arg10: memref<1x128xf32, #tpu.memory_space<vmem>>, %arg11: memref<1x128xf32, #tpu.memory_space<vmem>>, %arg12: memref<4x128xf32, #tpu.memory_space<vmem>>, %arg13: memref<4x128xf32, #tpu.memory_space<vmem>>, %arg14: memref<1x128xf32, #tpu.memory_space<vmem>>, %arg15: memref<1x128xf32, #tpu.memory_space<vmem>>, %arg16: memref<1x128xi32, #tpu.memory_space<vmem>>, %arg17: memref<128x128xf32, #tpu.memory_space<vmem>>, %arg18: memref<256x128xf32, #tpu.memory_space<vmem>>, %arg19: memref<256x128xf32, #tpu.memory_space<vmem>>, %arg20: memref<1x640x4xf32, #tpu.memory_space<vmem>>, %arg21: memref<1x640x4xf32, #tpu.memory_space<vmem>>, %arg22: memref<1x640x128xi32, #tpu.memory_space<vmem>>, %arg23: memref<1x640x512xi32, #tpu.memory_space<vmem>>, %arg24: memref<1x640x512xf32, #tpu.memory_space<vmem>>) attributes {dimension_semantics = [#tpu.dimension_semantics<parallel>, #tpu.dimension_semantics<parallel>], iteration_bounds = array<i64: 2, 34>, scalar_prefetch = 0 : i64, scratch_operands = 0 : i64, tpu.core_type = #tpu.core_type<tc>, window_params = [{transform_indices = @transform_0, window_bounds = array<i64: 1, 640, 256>}, {transform_indices = @transform_1, window_bounds = array<i64: 1, 640, 256>}, {pipeline_mode = #tpu.pipeline_mode<synchronous>, transform_indices = @transform_2, window_bounds = array<i64: 256, 256>}, {pipeline_mode = #tpu.pipeline_mode<synchronous>, transform_indices = @transform_3, window_bounds = array<i64: 1, 256>}, {pipeline_mode = #tpu.pipeline_mode<synchronous>, transform_indices = @transform_4, window_bounds = array<i64: 256, 128>}, {pipeline_mode = #tpu.pipeline_mode<synchronous>, transform_indices = @transform_5, window_bounds = array<i64: 1, 128>}, {pipeline_mode = #tpu.pipeline_mode<synchronous>, transform_indices = @transform_6, window_bounds = array<i64: 256, 128>}, {pipeline_mode = #tpu.pipeline_mode<synchronous>, transform_indices = @transform_7, window_bounds = array<i64: 256, 128>}, {pipeline_mode = #tpu.pipeline_mode<synchronous>, transform_indices = @transform_8, window_bounds = array<i64: 1, 128>}, {pipeline_mode = #tpu.pipeline_mode<synchronous>, transform_indices = @transform_9, window_bounds = array<i64: 1, 128>}, {pipeline_mode = #tpu.pipeline_mode<synchronous>, transform_indices = @transform_10, window_bounds = array<i64: 4, 128>}, {pipeline_mode = #tpu.pipeline_mode<synchronous>, transform_indices = @transform_11, window_bounds = array<i64: 4, 128>}, {pipeline_mode = #tpu.pipeline_mode<synchronous>, transform_indices = @transform_12, window_bounds = array<i64: 1, 128>}, {pipeline_mode = #tpu.pipeline_mode<synchronous>, transform_indices = @transform_13, window_bounds = array<i64: 1, 128>}, {pipeline_mode = #tpu.pipeline_mode<synchronous>, transform_indices = @transform_14, window_bounds = array<i64: 1, 128>}, {pipeline_mode = #tpu.pipeline_mode<synchronous>, transform_indices = @transform_15, window_bounds = array<i64: 128, 128>}, {pipeline_mode = #tpu.pipeline_mode<synchronous>, transform_indices = @transform_16, window_bounds = array<i64: 256, 128>}, {pipeline_mode = #tpu.pipeline_mode<synchronous>, transform_indices = @transform_17, window_bounds = array<i64: 256, 128>}, {transform_indices = @transform_18, window_bounds = array<i64: 1, 640, 4>}, {transform_indices = @transform_19, window_bounds = array<i64: 1, 640, 4>}, {transform_indices = @transform_20, window_bounds = array<i64: 1, 640, 128>}, {transform_indices = @transform_21, window_bounds = array<i64: 1, 640, 512>}, {transform_indices = @transform_22, window_bounds = array<i64: 1, 640, 512>}]} {
    %get3A = arith.constant 0 : index
    %get3A_0 = arith.constant 0 : index
    %get3A_1 = arith.constant 0 : index
    %get3A_2 = vector.load %arg2[%get3A, %get3A_0, %get3A_1] : memref<1x640x256xf32, #tpu.memory_space<vmem>>, vector<1x640x256xf32>
    %get3A_3 = vector.shape_cast %get3A_2 : vector<1x640x256xf32> to vector<640x256xf32>
    %get3A_4 = arith.constant 0 : index
    %get3A_5 = arith.constant 0 : index
    %get3A_6 = arith.constant 0 : index
    %get3A_7 = vector.load %arg3[%get3A_4, %get3A_5, %get3A_6] : memref<1x640x256xf32, #tpu.memory_space<vmem>>, vector<1x640x256xf32>
    %get3A_8 = vector.shape_cast %get3A_7 : vector<1x640x256xf32> to vector<640x256xf32>
    %get3A_9 = arith.constant 0 : index
    %get3A_10 = arith.constant 0 : index
    %get3A_11 = vector.load %arg4[%get3A_9, %get3A_10] : memref<256x256xf32, #tpu.memory_space<vmem>>, vector<256x256xf32>
    %dot_general3A = arith.constant dense<0.000000e+00> : vector<640x256xf32>
    %dot_general3A_12 = tpu.matmul %get3A_8, %get3A_11, %dot_general3A {dimension_numbers = #tpu.dot_dimension_numbers<[1], [0], [0], [1], [0, 0, 1, 1], [], []>, precision = #tpu.contract_precision<fp32>, transpose_lhs_hint = false} : vector<640x256xf32>, vector<256x256xf32>, vector<640x256xf32> -> vector<640x256xf32>
    %get3A_13 = arith.constant 0 : index
    %get3A_14 = arith.constant 0 : index
    %get3A_15 = vector.load %arg5[%get3A_13, %get3A_14] : memref<1x256xf32, #tpu.memory_space<vmem>>, vector<1x256xf32>
    %add3A = vector.broadcast %get3A_15 : vector<1x256xf32> to vector<640x256xf32>
    %add3A_16 = arith.addf %dot_general3A_12, %add3A : vector<640x256xf32>
    %get3A_17 = arith.constant 0 : index
    %get3A_18 = arith.constant 0 : index
    %get3A_19 = vector.load %arg18[%get3A_17, %get3A_18] : memref<256x128xf32, #tpu.memory_space<vmem>>, vector<256x128xf32>
    %dot_general3A_20 = arith.constant dense<0.000000e+00> : vector<640x128xf32>
    %dot_general3A_21 = tpu.matmul %add3A_16, %get3A_19, %dot_general3A_20 {dimension_numbers = #tpu.dot_dimension_numbers<[1], [0], [0], [1], [0, 0, 1, 1], [], []>, precision = #tpu.contract_precision<fp32>, transpose_lhs_hint = false} : vector<640x256xf32>, vector<256x128xf32>, vector<640x128xf32> -> vector<640x128xf32>
    %get3A_22 = arith.constant 0 : index
    %get3A_23 = arith.constant 0 : index
    %get3A_24 = vector.load %arg19[%get3A_22, %get3A_23] : memref<256x128xf32, #tpu.memory_space<vmem>>, vector<256x128xf32>
    %dot_general3A_25 = arith.constant dense<0.000000e+00> : vector<640x128xf32>
    %dot_general3A_26 = tpu.matmul %add3A_16, %get3A_24, %dot_general3A_25 {dimension_numbers = #tpu.dot_dimension_numbers<[1], [0], [0], [1], [0, 0, 1, 1], [], []>, precision = #tpu.contract_precision<fp32>, transpose_lhs_hint = false} : vector<640x256xf32>, vector<256x128xf32>, vector<640x128xf32> -> vector<640x128xf32>
    %bitcast_convert_type3A = tpu.bitcast %dot_general3A_21 : vector<640x128xf32> -> vector<640x128xi32>
    %add3A_27 = arith.constant 32767 : i32
    %add3A_28 = vector.broadcast %add3A_27 : i32 to vector<640x128xi32>
    %add3A_29 = arith.addi %bitcast_convert_type3A, %add3A_28 : vector<640x128xi32>
    %shift_right_logical3A = arith.constant 16 : i32
    %shift_right_logical3A_30 = vector.broadcast %shift_right_logical3A : i32 to vector<640x128xi32>
    %shift_right_logical3A_31 = arith.shrui %bitcast_convert_type3A, %shift_right_logical3A_30 : vector<640x128xi32>
    %and3A = arith.constant 1 : i32
    %and3A_32 = vector.broadcast %and3A : i32 to vector<640x128xi32>
    %and3A_33 = arith.andi %shift_right_logical3A_31, %and3A_32 : vector<640x128xi32>
    %add3A_34 = arith.addi %add3A_29, %and3A_33 : vector<640x128xi32>
    %shift_right_logical3A_35 = arith.constant 16 : i32
    %shift_right_logical3A_36 = vector.broadcast %shift_right_logical3A_35 : i32 to vector<640x128xi32>
    %shift_right_logical3A_37 = arith.shrui %add3A_34, %shift_right_logical3A_36 : vector<640x128xi32>
    %bitcast_convert_type3A_38 = tpu.bitcast %dot_general3A_26 : vector<640x128xf32> -> vector<640x128xi32>
    %add3A_39 = arith.constant 32767 : i32
    %add3A_40 = vector.broadcast %add3A_39 : i32 to vector<640x128xi32>
    %add3A_41 = arith.addi %bitcast_convert_type3A_38, %add3A_40 : vector<640x128xi32>
    %shift_right_logical3A_42 = arith.constant 16 : i32
    %shift_right_logical3A_43 = vector.broadcast %shift_right_logical3A_42 : i32 to vector<640x128xi32>
    %shift_right_logical3A_44 = arith.shrui %bitcast_convert_type3A_38, %shift_right_logical3A_43 : vector<640x128xi32>
    %and3A_45 = arith.constant 1 : i32
    %and3A_46 = vector.broadcast %and3A_45 : i32 to vector<640x128xi32>
    %and3A_47 = arith.andi %shift_right_logical3A_44, %and3A_46 : vector<640x128xi32>
    %add3A_48 = arith.addi %add3A_41, %and3A_47 : vector<640x128xi32>
    %shift_right_logical3A_49 = arith.constant 16 : i32
    %shift_right_logical3A_50 = vector.broadcast %shift_right_logical3A_49 : i32 to vector<640x128xi32>
    %shift_right_logical3A_51 = arith.shrui %add3A_48, %shift_right_logical3A_50 : vector<640x128xi32>
    %shift_left3A = arith.constant 16 : i32
    %shift_left3A_52 = vector.broadcast %shift_left3A : i32 to vector<640x128xi32>
    %shift_left3A_53 = arith.shli %shift_right_logical3A_51, %shift_left3A_52 : vector<640x128xi32>
    %or3A = arith.ori %shift_right_logical3A_37, %shift_left3A_53 : vector<640x128xi32>
    %swap3A = arith.constant 0 : index
    %swap3A_54 = arith.constant 0 : index
    %swap3A_55 = arith.constant 0 : index
    %swap3A_56 = vector.load %arg22[%swap3A, %swap3A_54, %swap3A_55] : memref<1x640x128xi32, #tpu.memory_space<vmem>>, vector<1x640x128xi32>
    %swap3A_57 = vector.shape_cast %swap3A_56 : vector<1x640x128xi32> to vector<640x128xi32>
    %swap3A_58 = vector.shape_cast %or3A : vector<640x128xi32> to vector<1x640x128xi32>
    tpu.vector_store %arg22[%swap3A, %swap3A_54, %swap3A_55], %swap3A_58 {strides = array<i32>} : memref<1x640x128xi32, #tpu.memory_space<vmem>>, vector<1x640x128xi32>,
    %get3A_59 = arith.constant 0 : index
    %get3A_60 = arith.constant 0 : index
    %get3A_61 = vector.load %arg6[%get3A_59, %get3A_60] : memref<256x128xf32, #tpu.memory_space<vmem>>, vector<256x128xf32>
    %dot_general3A_62 = arith.constant dense<0.000000e+00> : vector<640x128xf32>
    %dot_general3A_63 = tpu.matmul %get3A_3, %get3A_61, %dot_general3A_62 {dimension_numbers = #tpu.dot_dimension_numbers<[1], [0], [0], [1], [0, 0, 1, 1], [], []>, precision = #tpu.contract_precision<fp32>, transpose_lhs_hint = false} : vector<640x256xf32>, vector<256x128xf32>, vector<640x128xf32> -> vector<640x128xf32>
    %get3A_64 = arith.constant 0 : index
    %get3A_65 = arith.constant 0 : index
    %get3A_66 = vector.load %arg7[%get3A_64, %get3A_65] : memref<1x128xf32, #tpu.memory_space<vmem>>, vector<1x128xf32>
    %add3A_67 = vector.broadcast %get3A_66 : vector<1x128xf32> to vector<640x128xf32>
    %add3A_68 = arith.addf %dot_general3A_63, %add3A_67 : vector<640x128xf32>
    %reduce_max3A = arith.constant dense<0xFF800000> : vector<640xf32>
    %reduce_max3A_69 = vector.multi_reduction <maximumf>, %add3A_68, %reduce_max3A [1] : vector<640x128xf32> to vector<640xf32>
    %broadcast_in_dim3A = vector.shape_cast %reduce_max3A_69 : vector<640xf32> to vector<640x1xf32>
    %sub3A = vector.broadcast %broadcast_in_dim3A : vector<640x1xf32> to vector<640x128xf32>
    %sub3A_70 = arith.subf %add3A_68, %sub3A : vector<640x128xf32>
    %exp3A = math.exp %sub3A_70 : vector<640x128xf32>
    %get3A_71 = arith.constant 0 : index
    %get3A_72 = arith.constant 0 : index
    %get3A_73 = vector.load %arg17[%get3A_71, %get3A_72] : memref<128x128xf32, #tpu.memory_space<vmem>>, vector<128x128xf32>
    %dot_general3A_74 = arith.constant dense<0.000000e+00> : vector<640x128xf32>
    %dot_general3A_75 = tpu.matmul %exp3A, %get3A_73, %dot_general3A_74 {dimension_numbers = #tpu.dot_dimension_numbers<[1], [0], [0], [1], [0, 0, 1, 1], [], []>, precision = #tpu.contract_precision<fp32>, transpose_lhs_hint = false} : vector<640x128xf32>, vector<128x128xf32>, vector<640x128xf32> -> vector<640x128xf32>
    %div3A = arith.divf %exp3A, %dot_general3A_75 : vector<640x128xf32>
    %get3A_76 = arith.constant 0 : index
    %get3A_77 = arith.constant 0 : index
    %get3A_78 = vector.load %arg8[%get3A_76, %get3A_77] : memref<256x128xf32, #tpu.memory_space<vmem>>, vector<256x128xf32>
    %dot_general3A_79 = arith.constant dense<0.000000e+00> : vector<640x128xf32>
    %dot_general3A_80 = tpu.matmul %get3A_3, %get3A_78, %dot_general3A_79 {dimension_numbers = #tpu.dot_dimension_numbers<[1], [0], [0], [1], [0, 0, 1, 1], [], []>, precision = #tpu.contract_precision<fp32>, transpose_lhs_hint = false} : vector<640x256xf32>, vector<256x128xf32>, vector<640x128xf32> -> vector<640x128xf32>
    %get3A_81 = arith.constant 0 : index
    %get3A_82 = arith.constant 0 : index
    %get3A_83 = arith.constant 0 : index
    %get3A_84 = vector.load %arg20[%get3A_81, %get3A_82, %get3A_83] : memref<1x640x4xf32, #tpu.memory_space<vmem>>, vector<1x640x4xf32>
    %get3A_85 = vector.shape_cast %get3A_84 : vector<1x640x4xf32> to vector<640x4xf32>
    %get3A_86 = arith.constant 0 : index
    %get3A_87 = arith.constant 0 : index
    %get3A_88 = vector.load %arg12[%get3A_86, %get3A_87] : memref<4x128xf32, #tpu.memory_space<vmem>>, vector<4x128xf32>
    %dot_general3A_89 = arith.constant dense<0.000000e+00> : vector<640x128xf32>
    %dot_general3A_90 = tpu.matmul %get3A_85, %get3A_88, %dot_general3A_89 {dimension_numbers = #tpu.dot_dimension_numbers<[1], [0], [0], [1], [0, 0, 1, 1], [], []>, precision = #tpu.contract_precision<fp32>, transpose_lhs_hint = false} : vector<640x4xf32>, vector<4x128xf32>, vector<640x128xf32> -> vector<640x128xf32>
    %add3A_91 = arith.addf %dot_general3A_80, %dot_general3A_90 : vector<640x128xf32>
    %get3A_92 = arith.constant 0 : index
    %get3A_93 = arith.constant 0 : index
    %get3A_94 = vector.load %arg10[%get3A_92, %get3A_93] : memref<1x128xf32, #tpu.memory_space<vmem>>, vector<1x128xf32>
    %add3A_95 = vector.broadcast %get3A_94 : vector<1x128xf32> to vector<640x128xf32>
    %add3A_96 = arith.addf %add3A_91, %add3A_95 : vector<640x128xf32>
    %get3A_97 = arith.constant 0 : index
    %get3A_98 = arith.constant 0 : index
    %get3A_99 = vector.load %arg9[%get3A_97, %get3A_98] : memref<256x128xf32, #tpu.memory_space<vmem>>, vector<256x128xf32>
    %dot_general3A_100 = arith.constant dense<0.000000e+00> : vector<640x128xf32>
    %dot_general3A_101 = tpu.matmul %get3A_3, %get3A_99, %dot_general3A_100 {dimension_numbers = #tpu.dot_dimension_numbers<[1], [0], [0], [1], [0, 0, 1, 1], [], []>, precision = #tpu.contract_precision<fp32>, transpose_lhs_hint = false} : vector<640x256xf32>, vector<256x128xf32>, vector<640x128xf32> -> vector<640x128xf32>
    %get3A_102 = arith.constant 0 : index
    %get3A_103 = arith.constant 0 : index
    %get3A_104 = arith.constant 0 : index
    %get3A_105 = vector.load %arg21[%get3A_102, %get3A_103, %get3A_104] : memref<1x640x4xf32, #tpu.memory_space<vmem>>, vector<1x640x4xf32>
    %get3A_106 = vector.shape_cast %get3A_105 : vector<1x640x4xf32> to vector<640x4xf32>
    %get3A_107 = arith.constant 0 : index
    %get3A_108 = arith.constant 0 : index
    %get3A_109 = vector.load %arg13[%get3A_107, %get3A_108] : memref<4x128xf32, #tpu.memory_space<vmem>>, vector<4x128xf32>
    %dot_general3A_110 = arith.constant dense<0.000000e+00> : vector<640x128xf32>
    %dot_general3A_111 = tpu.matmul %get3A_106, %get3A_109, %dot_general3A_110 {dimension_numbers = #tpu.dot_dimension_numbers<[1], [0], [0], [1], [0, 0, 1, 1], [], []>, precision = #tpu.contract_precision<fp32>, transpose_lhs_hint = false} : vector<640x4xf32>, vector<4x128xf32>, vector<640x128xf32> -> vector<640x128xf32>
    %add3A_112 = arith.addf %dot_general3A_101, %dot_general3A_111 : vector<640x128xf32>
    %get3A_113 = arith.constant 0 : index
    %get3A_114 = arith.constant 0 : index
    %get3A_115 = vector.load %arg11[%get3A_113, %get3A_114] : memref<1x128xf32, #tpu.memory_space<vmem>>, vector<1x128xf32>
    %add3A_116 = vector.broadcast %get3A_115 : vector<1x128xf32> to vector<640x128xf32>
    %add3A_117 = arith.addf %add3A_112, %add3A_116 : vector<640x128xf32>
    %get3A_118 = arith.constant 0 : index
    %get3A_119 = arith.constant 0 : index
    %get3A_120 = vector.load %arg14[%get3A_118, %get3A_119] : memref<1x128xf32, #tpu.memory_space<vmem>>, vector<1x128xf32>
    %get3A_121 = arith.constant 0 : index
    %get3A_122 = arith.constant 0 : index
    %get3A_123 = vector.load %arg15[%get3A_121, %get3A_122] : memref<1x128xf32, #tpu.memory_space<vmem>>, vector<1x128xf32>
    %floor3A = math.floor %add3A_96 : vector<640x128xf32>
    %floor3A_124 = math.floor %add3A_117 : vector<640x128xf32>
    %sub3A_125 = arith.subf %add3A_96, %floor3A : vector<640x128xf32>
    %sub3A_126 = arith.constant 1.000000e+00 : f32
    %sub3A_127 = vector.broadcast %sub3A_126 : f32 to vector<640x128xf32>
    %sub3A_128 = arith.subf %sub3A_127, %sub3A_125 : vector<640x128xf32>
    %sub3A_129 = arith.subf %add3A_117, %floor3A_124 : vector<640x128xf32>
    %sub3A_130 = arith.constant 1.000000e+00 : f32
    %sub3A_131 = vector.broadcast %sub3A_130 : f32 to vector<640x128xf32>
    %sub3A_132 = arith.subf %sub3A_131, %sub3A_129 : vector<640x128xf32>
    %mul3A = arith.constant 174080 : i32
    %mul3A_133 = arith.muli %arg0, %mul3A : i32
    %get3A_134 = arith.constant 0 : index
    %get3A_135 = arith.constant 0 : index
    %get3A_136 = vector.load %arg16[%get3A_134, %get3A_135] : memref<1x128xi32, #tpu.memory_space<vmem>>, vector<1x128xi32>
    %add3A_137 = arith.constant 0.000000e+00 : f32
    %add3A_138 = vector.broadcast %add3A_137 : f32 to vector<640x128xf32>
    %add3A_139 = arith.addf %floor3A, %add3A_138 : vector<640x128xf32>
    %add3A_140 = arith.constant 0.000000e+00 : f32
    %add3A_141 = vector.broadcast %add3A_140 : f32 to vector<640x128xf32>
    %add3A_142 = arith.addf %floor3A_124, %add3A_141 : vector<640x128xf32>
    %ge3A = arith.constant 0.000000e+00 : f32
    %ge3A_143 = vector.broadcast %ge3A : f32 to vector<640x128xf32>
    %ge3A_144 = arith.cmpf oge, %add3A_139, %ge3A_143 : vector<640x128xf32>
    %sub3A_145 = arith.constant 1.000000e+00 : f32
    %sub3A_146 = vector.broadcast %sub3A_145 : f32 to vector<1x128xf32>
    %sub3A_147 = arith.subf %get3A_120, %sub3A_146 : vector<1x128xf32>
    %le3A = vector.broadcast %sub3A_147 : vector<1x128xf32> to vector<640x128xf32>
    %le3A_148 = arith.cmpf ole, %add3A_139, %le3A : vector<640x128xf32>
    %and3A_149 = arith.andi %ge3A_144, %le3A_148 : vector<640x128xi1>
    %ge3A_150 = arith.constant 0.000000e+00 : f32
    %ge3A_151 = vector.broadcast %ge3A_150 : f32 to vector<640x128xf32>
    %ge3A_152 = arith.cmpf oge, %add3A_142, %ge3A_151 : vector<640x128xf32>
    %and3A_153 = arith.andi %and3A_149, %ge3A_152 : vector<640x128xi1>
    %sub3A_154 = arith.constant 1.000000e+00 : f32
    %sub3A_155 = vector.broadcast %sub3A_154 : f32 to vector<1x128xf32>
    %sub3A_156 = arith.subf %get3A_123, %sub3A_155 : vector<1x128xf32>
    %le3A_157 = vector.broadcast %sub3A_156 : vector<1x128xf32> to vector<640x128xf32>
    %le3A_158 = arith.cmpf ole, %add3A_142, %le3A_157 : vector<640x128xf32>
    %and3A_159 = arith.andi %and3A_153, %le3A_158 : vector<640x128xi1>
    %sub3A_160 = arith.constant 1.000000e+00 : f32
    %sub3A_161 = vector.broadcast %sub3A_160 : f32 to vector<1x128xf32>
    %sub3A_162 = arith.subf %get3A_120, %sub3A_161 : vector<1x128xf32>
    %jit3A = arith.constant 0.000000e+00 : f32
    %max3A = vector.broadcast %jit3A : f32 to vector<640x128xf32>
    %max3A_163 = arith.maximumf %max3A, %add3A_139 : vector<640x128xf32>
    %min3A = vector.broadcast %sub3A_162 : vector<1x128xf32> to vector<640x128xf32>
    %min3A_164 = arith.minimumf %min3A, %max3A_163 : vector<640x128xf32>
    %convert_element_type3A = arith.fptosi %min3A_164 : vector<640x128xf32> to vector<640x128xi32>
    %sub3A_165 = arith.constant 1.000000e+00 : f32
    %sub3A_166 = vector.broadcast %sub3A_165 : f32 to vector<1x128xf32>
    %sub3A_167 = arith.subf %get3A_123, %sub3A_166 : vector<1x128xf32>
    %jit3A_168 = arith.constant 0.000000e+00 : f32
    %max3A_169 = vector.broadcast %jit3A_168 : f32 to vector<640x128xf32>
    %max3A_170 = arith.maximumf %max3A_169, %add3A_142 : vector<640x128xf32>
    %min3A_171 = vector.broadcast %sub3A_167 : vector<1x128xf32> to vector<640x128xf32>
    %min3A_172 = arith.minimumf %min3A_171, %max3A_170 : vector<640x128xf32>
    %convert_element_type3A_173 = arith.fptosi %min3A_172 : vector<640x128xf32> to vector<640x128xi32>
    %convert_element_type3A_174 = arith.fptosi %get3A_120 : vector<1x128xf32> to vector<1x128xi32>
    %mul3A_175 = vector.broadcast %convert_element_type3A_174 : vector<1x128xi32> to vector<640x128xi32>
    %mul3A_176 = arith.muli %convert_element_type3A_173, %mul3A_175 : vector<640x128xi32>
    %add3A_177 = arith.addi %mul3A_176, %convert_element_type3A : vector<640x128xi32>
    %add3A_178 = vector.broadcast %mul3A_133 : i32 to vector<1x128xi32>
    %add3A_179 = arith.addi %add3A_178, %get3A_136 : vector<1x128xi32>
    %mul3A_180 = arith.constant 8 : i32
    %mul3A_181 = vector.broadcast %mul3A_180 : i32 to vector<640x128xi32>
    %mul3A_182 = arith.muli %add3A_177, %mul3A_181 : vector<640x128xi32>
    %add3A_183 = vector.broadcast %add3A_179 : vector<1x128xi32> to vector<640x128xi32>
    %add3A_184 = arith.addi %add3A_183, %mul3A_182 : vector<640x128xi32>
    %swap3A_185 = arith.constant 0 : index
    %swap3A_186 = arith.constant 0 : index
    %swap3A_187 = arith.constant 0 : index
    %swap3A_188 = vector.load %arg23[%swap3A_185, %swap3A_186, %swap3A_187] : memref<1x640x512xi32, #tpu.memory_space<vmem>>, vector<1x640x128xi32>
    %swap3A_189 = vector.shape_cast %swap3A_188 : vector<1x640x128xi32> to vector<640x128xi32>
    %swap3A_190 = vector.shape_cast %add3A_184 : vector<640x128xi32> to vector<1x640x128xi32>
    tpu.vector_store %arg23[%swap3A_185, %swap3A_186, %swap3A_187], %swap3A_190 {strides = array<i32>} : memref<1x640x512xi32, #tpu.memory_space<vmem>>, vector<1x640x128xi32>,
    %mul3A_191 = arith.mulf %sub3A_128, %sub3A_132 : vector<640x128xf32>
    %mul3A_192 = arith.mulf %div3A, %mul3A_191 : vector<640x128xf32>
    %convert_element_type3A_193 = arith.extui %and3A_159 : vector<640x128xi1> to vector<640x128xi32>
    %convert_element_type3A_194 = arith.sitofp %convert_element_type3A_193 : vector<640x128xi32> to vector<640x128xf32>
    %mul3A_195 = arith.mulf %mul3A_192, %convert_element_type3A_194 : vector<640x128xf32>
    %swap3A_196 = arith.constant 0 : index
    %swap3A_197 = arith.constant 0 : index
    %swap3A_198 = arith.constant 0 : index
    %swap3A_199 = vector.load %arg24[%swap3A_196, %swap3A_197, %swap3A_198] : memref<1x640x512xf32, #tpu.memory_space<vmem>>, vector<1x640x128xf32>
    %swap3A_200 = vector.shape_cast %swap3A_199 : vector<1x640x128xf32> to vector<640x128xf32>
    %swap3A_201 = vector.shape_cast %mul3A_195 : vector<640x128xf32> to vector<1x640x128xf32>
    tpu.vector_store %arg24[%swap3A_196, %swap3A_197, %swap3A_198], %swap3A_201 {strides = array<i32>} : memref<1x640x512xf32, #tpu.memory_space<vmem>>, vector<1x640x128xf32>,
    %add3A_202 = arith.constant 1.000000e+00 : f32
    %add3A_203 = vector.broadcast %add3A_202 : f32 to vector<640x128xf32>
    %add3A_204 = arith.addf %floor3A, %add3A_203 : vector<640x128xf32>
    %add3A_205 = arith.constant 0.000000e+00 : f32
    %add3A_206 = vector.broadcast %add3A_205 : f32 to vector<640x128xf32>
    %add3A_207 = arith.addf %floor3A_124, %add3A_206 : vector<640x128xf32>
    %ge3A_208 = arith.constant 0.000000e+00 : f32
    %ge3A_209 = vector.broadcast %ge3A_208 : f32 to vector<640x128xf32>
    %ge3A_210 = arith.cmpf oge, %add3A_204, %ge3A_209 : vector<640x128xf32>
    %sub3A_211 = arith.constant 1.000000e+00 : f32
    %sub3A_212 = vector.broadcast %sub3A_211 : f32 to vector<1x128xf32>
    %sub3A_213 = arith.subf %get3A_120, %sub3A_212 : vector<1x128xf32>
    %le3A_214 = vector.broadcast %sub3A_213 : vector<1x128xf32> to vector<640x128xf32>
    %le3A_215 = arith.cmpf ole, %add3A_204, %le3A_214 : vector<640x128xf32>
    %and3A_216 = arith.andi %ge3A_210, %le3A_215 : vector<640x128xi1>
    %ge3A_217 = arith.constant 0.000000e+00 : f32
    %ge3A_218 = vector.broadcast %ge3A_217 : f32 to vector<640x128xf32>
    %ge3A_219 = arith.cmpf oge, %add3A_207, %ge3A_218 : vector<640x128xf32>
    %and3A_220 = arith.andi %and3A_216, %ge3A_219 : vector<640x128xi1>
    %sub3A_221 = arith.constant 1.000000e+00 : f32
    %sub3A_222 = vector.broadcast %sub3A_221 : f32 to vector<1x128xf32>
    %sub3A_223 = arith.subf %get3A_123, %sub3A_222 : vector<1x128xf32>
    %le3A_224 = vector.broadcast %sub3A_223 : vector<1x128xf32> to vector<640x128xf32>
    %le3A_225 = arith.cmpf ole, %add3A_207, %le3A_224 : vector<640x128xf32>
    %and3A_226 = arith.andi %and3A_220, %le3A_225 : vector<640x128xi1>
    %sub3A_227 = arith.constant 1.000000e+00 : f32
    %sub3A_228 = vector.broadcast %sub3A_227 : f32 to vector<1x128xf32>
    %sub3A_229 = arith.subf %get3A_120, %sub3A_228 : vector<1x128xf32>
    %jit3A_230 = arith.constant 0.000000e+00 : f32
    %max3A_231 = vector.broadcast %jit3A_230 : f32 to vector<640x128xf32>
    %max3A_232 = arith.maximumf %max3A_231, %add3A_204 : vector<640x128xf32>
    %min3A_233 = vector.broadcast %sub3A_229 : vector<1x128xf32> to vector<640x128xf32>
    %min3A_234 = arith.minimumf %min3A_233, %max3A_232 : vector<640x128xf32>
    %convert_element_type3A_235 = arith.fptosi %min3A_234 : vector<640x128xf32> to vector<640x128xi32>
    %sub3A_236 = arith.constant 1.000000e+00 : f32
    %sub3A_237 = vector.broadcast %sub3A_236 : f32 to vector<1x128xf32>
    %sub3A_238 = arith.subf %get3A_123, %sub3A_237 : vector<1x128xf32>
    %jit3A_239 = arith.constant 0.000000e+00 : f32
    %max3A_240 = vector.broadcast %jit3A_239 : f32 to vector<640x128xf32>
    %max3A_241 = arith.maximumf %max3A_240, %add3A_207 : vector<640x128xf32>
    %min3A_242 = vector.broadcast %sub3A_238 : vector<1x128xf32> to vector<640x128xf32>
    %min3A_243 = arith.minimumf %min3A_242, %max3A_241 : vector<640x128xf32>
    %convert_element_type3A_244 = arith.fptosi %min3A_243 : vector<640x128xf32> to vector<640x128xi32>
    %convert_element_type3A_245 = arith.fptosi %get3A_120 : vector<1x128xf32> to vector<1x128xi32>
    %mul3A_246 = vector.broadcast %convert_element_type3A_245 : vector<1x128xi32> to vector<640x128xi32>
    %mul3A_247 = arith.muli %convert_element_type3A_244, %mul3A_246 : vector<640x128xi32>
    %add3A_248 = arith.addi %mul3A_247, %convert_element_type3A_235 : vector<640x128xi32>
    %add3A_249 = vector.broadcast %mul3A_133 : i32 to vector<1x128xi32>
    %add3A_250 = arith.addi %add3A_249, %get3A_136 : vector<1x128xi32>
    %mul3A_251 = arith.constant 8 : i32
    %mul3A_252 = vector.broadcast %mul3A_251 : i32 to vector<640x128xi32>
    %mul3A_253 = arith.muli %add3A_248, %mul3A_252 : vector<640x128xi32>
    %add3A_254 = vector.broadcast %add3A_250 : vector<1x128xi32> to vector<640x128xi32>
    %add3A_255 = arith.addi %add3A_254, %mul3A_253 : vector<640x128xi32>
    %swap3A_256 = arith.constant 0 : index
    %swap3A_257 = arith.constant 0 : index
    %swap3A_258 = arith.constant 128 : index
    %swap3A_259 = vector.load %arg23[%swap3A_256, %swap3A_257, %swap3A_258] : memref<1x640x512xi32, #tpu.memory_space<vmem>>, vector<1x640x128xi32>
    %swap3A_260 = vector.shape_cast %swap3A_259 : vector<1x640x128xi32> to vector<640x128xi32>
    %swap3A_261 = vector.shape_cast %add3A_255 : vector<640x128xi32> to vector<1x640x128xi32>
    tpu.vector_store %arg23[%swap3A_256, %swap3A_257, %swap3A_258], %swap3A_261 {strides = array<i32>} : memref<1x640x512xi32, #tpu.memory_space<vmem>>, vector<1x640x128xi32>,
    %mul3A_262 = arith.mulf %sub3A_125, %sub3A_132 : vector<640x128xf32>
    %mul3A_263 = arith.mulf %div3A, %mul3A_262 : vector<640x128xf32>
    %convert_element_type3A_264 = arith.extui %and3A_226 : vector<640x128xi1> to vector<640x128xi32>
    %convert_element_type3A_265 = arith.sitofp %convert_element_type3A_264 : vector<640x128xi32> to vector<640x128xf32>
    %mul3A_266 = arith.mulf %mul3A_263, %convert_element_type3A_265 : vector<640x128xf32>
    %swap3A_267 = arith.constant 0 : index
    %swap3A_268 = arith.constant 0 : index
    %swap3A_269 = arith.constant 128 : index
    %swap3A_270 = vector.load %arg24[%swap3A_267, %swap3A_268, %swap3A_269] : memref<1x640x512xf32, #tpu.memory_space<vmem>>, vector<1x640x128xf32>
    %swap3A_271 = vector.shape_cast %swap3A_270 : vector<1x640x128xf32> to vector<640x128xf32>
    %swap3A_272 = vector.shape_cast %mul3A_266 : vector<640x128xf32> to vector<1x640x128xf32>
    tpu.vector_store %arg24[%swap3A_267, %swap3A_268, %swap3A_269], %swap3A_272 {strides = array<i32>} : memref<1x640x512xf32, #tpu.memory_space<vmem>>, vector<1x640x128xf32>,
    %add3A_273 = arith.constant 0.000000e+00 : f32
    %add3A_274 = vector.broadcast %add3A_273 : f32 to vector<640x128xf32>
    %add3A_275 = arith.addf %floor3A, %add3A_274 : vector<640x128xf32>
    %add3A_276 = arith.constant 1.000000e+00 : f32
    %add3A_277 = vector.broadcast %add3A_276 : f32 to vector<640x128xf32>
    %add3A_278 = arith.addf %floor3A_124, %add3A_277 : vector<640x128xf32>
    %ge3A_279 = arith.constant 0.000000e+00 : f32
    %ge3A_280 = vector.broadcast %ge3A_279 : f32 to vector<640x128xf32>
    %ge3A_281 = arith.cmpf oge, %add3A_275, %ge3A_280 : vector<640x128xf32>
    %sub3A_282 = arith.constant 1.000000e+00 : f32
    %sub3A_283 = vector.broadcast %sub3A_282 : f32 to vector<1x128xf32>
    %sub3A_284 = arith.subf %get3A_120, %sub3A_283 : vector<1x128xf32>
    %le3A_285 = vector.broadcast %sub3A_284 : vector<1x128xf32> to vector<640x128xf32>
    %le3A_286 = arith.cmpf ole, %add3A_275, %le3A_285 : vector<640x128xf32>
    %and3A_287 = arith.andi %ge3A_281, %le3A_286 : vector<640x128xi1>
    %ge3A_288 = arith.constant 0.000000e+00 : f32
    %ge3A_289 = vector.broadcast %ge3A_288 : f32 to vector<640x128xf32>
    %ge3A_290 = arith.cmpf oge, %add3A_278, %ge3A_289 : vector<640x128xf32>
    %and3A_291 = arith.andi %and3A_287, %ge3A_290 : vector<640x128xi1>
    %sub3A_292 = arith.constant 1.000000e+00 : f32
    %sub3A_293 = vector.broadcast %sub3A_292 : f32 to vector<1x128xf32>
    %sub3A_294 = arith.subf %get3A_123, %sub3A_293 : vector<1x128xf32>
    %le3A_295 = vector.broadcast %sub3A_294 : vector<1x128xf32> to vector<640x128xf32>
    %le3A_296 = arith.cmpf ole, %add3A_278, %le3A_295 : vector<640x128xf32>
    %and3A_297 = arith.andi %and3A_291, %le3A_296 : vector<640x128xi1>
    %sub3A_298 = arith.constant 1.000000e+00 : f32
    %sub3A_299 = vector.broadcast %sub3A_298 : f32 to vector<1x128xf32>
    %sub3A_300 = arith.subf %get3A_120, %sub3A_299 : vector<1x128xf32>
    %jit3A_301 = arith.constant 0.000000e+00 : f32
    %max3A_302 = vector.broadcast %jit3A_301 : f32 to vector<640x128xf32>
    %max3A_303 = arith.maximumf %max3A_302, %add3A_275 : vector<640x128xf32>
    %min3A_304 = vector.broadcast %sub3A_300 : vector<1x128xf32> to vector<640x128xf32>
    %min3A_305 = arith.minimumf %min3A_304, %max3A_303 : vector<640x128xf32>
    %convert_element_type3A_306 = arith.fptosi %min3A_305 : vector<640x128xf32> to vector<640x128xi32>
    %sub3A_307 = arith.constant 1.000000e+00 : f32
    %sub3A_308 = vector.broadcast %sub3A_307 : f32 to vector<1x128xf32>
    %sub3A_309 = arith.subf %get3A_123, %sub3A_308 : vector<1x128xf32>
    %jit3A_310 = arith.constant 0.000000e+00 : f32
    %max3A_311 = vector.broadcast %jit3A_310 : f32 to vector<640x128xf32>
    %max3A_312 = arith.maximumf %max3A_311, %add3A_278 : vector<640x128xf32>
    %min3A_313 = vector.broadcast %sub3A_309 : vector<1x128xf32> to vector<640x128xf32>
    %min3A_314 = arith.minimumf %min3A_313, %max3A_312 : vector<640x128xf32>
    %convert_element_type3A_315 = arith.fptosi %min3A_314 : vector<640x128xf32> to vector<640x128xi32>
    %convert_element_type3A_316 = arith.fptosi %get3A_120 : vector<1x128xf32> to vector<1x128xi32>
    %mul3A_317 = vector.broadcast %convert_element_type3A_316 : vector<1x128xi32> to vector<640x128xi32>
    %mul3A_318 = arith.muli %convert_element_type3A_315, %mul3A_317 : vector<640x128xi32>
    %add3A_319 = arith.addi %mul3A_318, %convert_element_type3A_306 : vector<640x128xi32>
    %add3A_320 = vector.broadcast %mul3A_133 : i32 to vector<1x128xi32>
    %add3A_321 = arith.addi %add3A_320, %get3A_136 : vector<1x128xi32>
    %mul3A_322 = arith.constant 8 : i32
    %mul3A_323 = vector.broadcast %mul3A_322 : i32 to vector<640x128xi32>
    %mul3A_324 = arith.muli %add3A_319, %mul3A_323 : vector<640x128xi32>
    %add3A_325 = vector.broadcast %add3A_321 : vector<1x128xi32> to vector<640x128xi32>
    %add3A_326 = arith.addi %add3A_325, %mul3A_324 : vector<640x128xi32>
    %swap3A_327 = arith.constant 0 : index
    %swap3A_328 = arith.constant 0 : index
    %swap3A_329 = arith.constant 256 : index
    %swap3A_330 = vector.load %arg23[%swap3A_327, %swap3A_328, %swap3A_329] : memref<1x640x512xi32, #tpu.memory_space<vmem>>, vector<1x640x128xi32>
    %swap3A_331 = vector.shape_cast %swap3A_330 : vector<1x640x128xi32> to vector<640x128xi32>
    %swap3A_332 = vector.shape_cast %add3A_326 : vector<640x128xi32> to vector<1x640x128xi32>
    tpu.vector_store %arg23[%swap3A_327, %swap3A_328, %swap3A_329], %swap3A_332 {strides = array<i32>} : memref<1x640x512xi32, #tpu.memory_space<vmem>>, vector<1x640x128xi32>,
    %mul3A_333 = arith.mulf %sub3A_128, %sub3A_129 : vector<640x128xf32>
    %mul3A_334 = arith.mulf %div3A, %mul3A_333 : vector<640x128xf32>
    %convert_element_type3A_335 = arith.extui %and3A_297 : vector<640x128xi1> to vector<640x128xi32>
    %convert_element_type3A_336 = arith.sitofp %convert_element_type3A_335 : vector<640x128xi32> to vector<640x128xf32>
    %mul3A_337 = arith.mulf %mul3A_334, %convert_element_type3A_336 : vector<640x128xf32>
    %swap3A_338 = arith.constant 0 : index
    %swap3A_339 = arith.constant 0 : index
    %swap3A_340 = arith.constant 256 : index
    %swap3A_341 = vector.load %arg24[%swap3A_338, %swap3A_339, %swap3A_340] : memref<1x640x512xf32, #tpu.memory_space<vmem>>, vector<1x640x128xf32>
    %swap3A_342 = vector.shape_cast %swap3A_341 : vector<1x640x128xf32> to vector<640x128xf32>
    %swap3A_343 = vector.shape_cast %mul3A_337 : vector<640x128xf32> to vector<1x640x128xf32>
    tpu.vector_store %arg24[%swap3A_338, %swap3A_339, %swap3A_340], %swap3A_343 {strides = array<i32>} : memref<1x640x512xf32, #tpu.memory_space<vmem>>, vector<1x640x128xf32>,
    %add3A_344 = arith.constant 1.000000e+00 : f32
    %add3A_345 = vector.broadcast %add3A_344 : f32 to vector<640x128xf32>
    %add3A_346 = arith.addf %floor3A, %add3A_345 : vector<640x128xf32>
    %add3A_347 = arith.constant 1.000000e+00 : f32
    %add3A_348 = vector.broadcast %add3A_347 : f32 to vector<640x128xf32>
    %add3A_349 = arith.addf %floor3A_124, %add3A_348 : vector<640x128xf32>
    %ge3A_350 = arith.constant 0.000000e+00 : f32
    %ge3A_351 = vector.broadcast %ge3A_350 : f32 to vector<640x128xf32>
    %ge3A_352 = arith.cmpf oge, %add3A_346, %ge3A_351 : vector<640x128xf32>
    %sub3A_353 = arith.constant 1.000000e+00 : f32
    %sub3A_354 = vector.broadcast %sub3A_353 : f32 to vector<1x128xf32>
    %sub3A_355 = arith.subf %get3A_120, %sub3A_354 : vector<1x128xf32>
    %le3A_356 = vector.broadcast %sub3A_355 : vector<1x128xf32> to vector<640x128xf32>
    %le3A_357 = arith.cmpf ole, %add3A_346, %le3A_356 : vector<640x128xf32>
    %and3A_358 = arith.andi %ge3A_352, %le3A_357 : vector<640x128xi1>
    %ge3A_359 = arith.constant 0.000000e+00 : f32
    %ge3A_360 = vector.broadcast %ge3A_359 : f32 to vector<640x128xf32>
    %ge3A_361 = arith.cmpf oge, %add3A_349, %ge3A_360 : vector<640x128xf32>
    %and3A_362 = arith.andi %and3A_358, %ge3A_361 : vector<640x128xi1>
    %sub3A_363 = arith.constant 1.000000e+00 : f32
    %sub3A_364 = vector.broadcast %sub3A_363 : f32 to vector<1x128xf32>
    %sub3A_365 = arith.subf %get3A_123, %sub3A_364 : vector<1x128xf32>
    %le3A_366 = vector.broadcast %sub3A_365 : vector<1x128xf32> to vector<640x128xf32>
    %le3A_367 = arith.cmpf ole, %add3A_349, %le3A_366 : vector<640x128xf32>
    %and3A_368 = arith.andi %and3A_362, %le3A_367 : vector<640x128xi1>
    %sub3A_369 = arith.constant 1.000000e+00 : f32
    %sub3A_370 = vector.broadcast %sub3A_369 : f32 to vector<1x128xf32>
    %sub3A_371 = arith.subf %get3A_120, %sub3A_370 : vector<1x128xf32>
    %jit3A_372 = arith.constant 0.000000e+00 : f32
    %max3A_373 = vector.broadcast %jit3A_372 : f32 to vector<640x128xf32>
    %max3A_374 = arith.maximumf %max3A_373, %add3A_346 : vector<640x128xf32>
    %min3A_375 = vector.broadcast %sub3A_371 : vector<1x128xf32> to vector<640x128xf32>
    %min3A_376 = arith.minimumf %min3A_375, %max3A_374 : vector<640x128xf32>
    %convert_element_type3A_377 = arith.fptosi %min3A_376 : vector<640x128xf32> to vector<640x128xi32>
    %sub3A_378 = arith.constant 1.000000e+00 : f32
    %sub3A_379 = vector.broadcast %sub3A_378 : f32 to vector<1x128xf32>
    %sub3A_380 = arith.subf %get3A_123, %sub3A_379 : vector<1x128xf32>
    %jit3A_381 = arith.constant 0.000000e+00 : f32
    %max3A_382 = vector.broadcast %jit3A_381 : f32 to vector<640x128xf32>
    %max3A_383 = arith.maximumf %max3A_382, %add3A_349 : vector<640x128xf32>
    %min3A_384 = vector.broadcast %sub3A_380 : vector<1x128xf32> to vector<640x128xf32>
    %min3A_385 = arith.minimumf %min3A_384, %max3A_383 : vector<640x128xf32>
    %convert_element_type3A_386 = arith.fptosi %min3A_385 : vector<640x128xf32> to vector<640x128xi32>
    %convert_element_type3A_387 = arith.fptosi %get3A_120 : vector<1x128xf32> to vector<1x128xi32>
    %mul3A_388 = vector.broadcast %convert_element_type3A_387 : vector<1x128xi32> to vector<640x128xi32>
    %mul3A_389 = arith.muli %convert_element_type3A_386, %mul3A_388 : vector<640x128xi32>
    %add3A_390 = arith.addi %mul3A_389, %convert_element_type3A_377 : vector<640x128xi32>
    %add3A_391 = vector.broadcast %mul3A_133 : i32 to vector<1x128xi32>
    %add3A_392 = arith.addi %add3A_391, %get3A_136 : vector<1x128xi32>
    %mul3A_393 = arith.constant 8 : i32
    %mul3A_394 = vector.broadcast %mul3A_393 : i32 to vector<640x128xi32>
    %mul3A_395 = arith.muli %add3A_390, %mul3A_394 : vector<640x128xi32>
    %add3A_396 = vector.broadcast %add3A_392 : vector<1x128xi32> to vector<640x128xi32>
    %add3A_397 = arith.addi %add3A_396, %mul3A_395 : vector<640x128xi32>
    %swap3A_398 = arith.constant 0 : index
    %swap3A_399 = arith.constant 0 : index
    %swap3A_400 = arith.constant 384 : index
    %swap3A_401 = vector.load %arg23[%swap3A_398, %swap3A_399, %swap3A_400] : memref<1x640x512xi32, #tpu.memory_space<vmem>>, vector<1x640x128xi32>
    %swap3A_402 = vector.shape_cast %swap3A_401 : vector<1x640x128xi32> to vector<640x128xi32>
    %swap3A_403 = vector.shape_cast %add3A_397 : vector<640x128xi32> to vector<1x640x128xi32>
    tpu.vector_store %arg23[%swap3A_398, %swap3A_399, %swap3A_400], %swap3A_403 {strides = array<i32>} : memref<1x640x512xi32, #tpu.memory_space<vmem>>, vector<1x640x128xi32>,
    %mul3A_404 = arith.mulf %sub3A_125, %sub3A_129 : vector<640x128xf32>
    %mul3A_405 = arith.mulf %div3A, %mul3A_404 : vector<640x128xf32>
    %convert_element_type3A_406 = arith.extui %and3A_368 : vector<640x128xi1> to vector<640x128xi32>
    %convert_element_type3A_407 = arith.sitofp %convert_element_type3A_406 : vector<640x128xi32> to vector<640x128xf32>
    %mul3A_408 = arith.mulf %mul3A_405, %convert_element_type3A_407 : vector<640x128xf32>
    %swap3A_409 = arith.constant 0 : index
    %swap3A_410 = arith.constant 0 : index
    %swap3A_411 = arith.constant 384 : index
    %swap3A_412 = vector.load %arg24[%swap3A_409, %swap3A_410, %swap3A_411] : memref<1x640x512xf32, #tpu.memory_space<vmem>>, vector<1x640x128xf32>
    %swap3A_413 = vector.shape_cast %swap3A_412 : vector<1x640x128xf32> to vector<640x128xf32>
    %swap3A_414 = vector.shape_cast %mul3A_408 : vector<640x128xf32> to vector<1x640x128xf32>
    tpu.vector_store %arg24[%swap3A_409, %swap3A_410, %swap3A_411], %swap3A_414 {strides = array<i32>} : memref<1x640x512xf32, #tpu.memory_space<vmem>>, vector<1x640x128xf32>,
    return
  }
  func.func @transform_0(%arg0: i32, %arg1: i32) -> (i32, i32, i32) {
    %c0_i32 = arith.constant 0 : i32
    %c0_i32_0 = arith.constant 0 : i32
    return %arg0, %arg1, %c0_i32 : i32, i32, i32
  }
  func.func @transform_1(%arg0: i32, %arg1: i32) -> (i32, i32, i32) {
    %c0_i32 = arith.constant 0 : i32
    %c0_i32_0 = arith.constant 0 : i32
    return %arg0, %arg1, %c0_i32 : i32, i32, i32
  }
  func.func @transform_2(%arg0: i32, %arg1: i32) -> (i32, i32) {
    %c0_i32 = arith.constant 0 : i32
    %c0_i32_0 = arith.constant 0 : i32
    %c0_i32_1 = arith.constant 0 : i32
    return %c0_i32, %c0_i32_0 : i32, i32
  }
  func.func @transform_3(%arg0: i32, %arg1: i32) -> (i32, i32) {
    %c0_i32 = arith.constant 0 : i32
    %c0_i32_0 = arith.constant 0 : i32
    %c0_i32_1 = arith.constant 0 : i32
    return %c0_i32, %c0_i32_0 : i32, i32
  }
  func.func @transform_4(%arg0: i32, %arg1: i32) -> (i32, i32) {
    %c0_i32 = arith.constant 0 : i32
    %c0_i32_0 = arith.constant 0 : i32
    %c0_i32_1 = arith.constant 0 : i32
    return %c0_i32, %c0_i32_0 : i32, i32
  }
  func.func @transform_5(%arg0: i32, %arg1: i32) -> (i32, i32) {
    %c0_i32 = arith.constant 0 : i32
    %c0_i32_0 = arith.constant 0 : i32
    %c0_i32_1 = arith.constant 0 : i32
    return %c0_i32, %c0_i32_0 : i32, i32
  }
  func.func @transform_6(%arg0: i32, %arg1: i32) -> (i32, i32) {
    %c0_i32 = arith.constant 0 : i32
    %c0_i32_0 = arith.constant 0 : i32
    %c0_i32_1 = arith.constant 0 : i32
    return %c0_i32, %c0_i32_0 : i32, i32
  }
  func.func @transform_7(%arg0: i32, %arg1: i32) -> (i32, i32) {
    %c0_i32 = arith.constant 0 : i32
    %c0_i32_0 = arith.constant 0 : i32
    %c0_i32_1 = arith.constant 0 : i32
    return %c0_i32, %c0_i32_0 : i32, i32
  }
  func.func @transform_8(%arg0: i32, %arg1: i32) -> (i32, i32) {
    %c0_i32 = arith.constant 0 : i32
    %c0_i32_0 = arith.constant 0 : i32
    %c0_i32_1 = arith.constant 0 : i32
    return %c0_i32, %c0_i32_0 : i32, i32
  }
  func.func @transform_9(%arg0: i32, %arg1: i32) -> (i32, i32) {
    %c0_i32 = arith.constant 0 : i32
    %c0_i32_0 = arith.constant 0 : i32
    %c0_i32_1 = arith.constant 0 : i32
    return %c0_i32, %c0_i32_0 : i32, i32
  }
  func.func @transform_10(%arg0: i32, %arg1: i32) -> (i32, i32) {
    %c0_i32 = arith.constant 0 : i32
    %c0_i32_0 = arith.constant 0 : i32
    %c0_i32_1 = arith.constant 0 : i32
    return %c0_i32, %c0_i32_0 : i32, i32
  }
  func.func @transform_11(%arg0: i32, %arg1: i32) -> (i32, i32) {
    %c0_i32 = arith.constant 0 : i32
    %c0_i32_0 = arith.constant 0 : i32
    %c0_i32_1 = arith.constant 0 : i32
    return %c0_i32, %c0_i32_0 : i32, i32
  }
  func.func @transform_12(%arg0: i32, %arg1: i32) -> (i32, i32) {
    %c0_i32 = arith.constant 0 : i32
    %c0_i32_0 = arith.constant 0 : i32
    %c0_i32_1 = arith.constant 0 : i32
    return %c0_i32, %c0_i32_0 : i32, i32
  }
  func.func @transform_13(%arg0: i32, %arg1: i32) -> (i32, i32) {
    %c0_i32 = arith.constant 0 : i32
    %c0_i32_0 = arith.constant 0 : i32
    %c0_i32_1 = arith.constant 0 : i32
    return %c0_i32, %c0_i32_0 : i32, i32
  }
  func.func @transform_14(%arg0: i32, %arg1: i32) -> (i32, i32) {
    %c0_i32 = arith.constant 0 : i32
    %c0_i32_0 = arith.constant 0 : i32
    %c0_i32_1 = arith.constant 0 : i32
    return %c0_i32, %c0_i32_0 : i32, i32
  }
  func.func @transform_15(%arg0: i32, %arg1: i32) -> (i32, i32) {
    %c0_i32 = arith.constant 0 : i32
    %c0_i32_0 = arith.constant 0 : i32
    %c0_i32_1 = arith.constant 0 : i32
    return %c0_i32, %c0_i32_0 : i32, i32
  }
  func.func @transform_16(%arg0: i32, %arg1: i32) -> (i32, i32) {
    %c0_i32 = arith.constant 0 : i32
    %c0_i32_0 = arith.constant 0 : i32
    %c0_i32_1 = arith.constant 0 : i32
    return %c0_i32, %c0_i32_0 : i32, i32
  }
  func.func @transform_17(%arg0: i32, %arg1: i32) -> (i32, i32) {
    %c0_i32 = arith.constant 0 : i32
    %c0_i32_0 = arith.constant 0 : i32
    %c0_i32_1 = arith.constant 0 : i32
    return %c0_i32, %c0_i32_0 : i32, i32
  }
  func.func @transform_18(%arg0: i32, %arg1: i32) -> (i32, i32, i32) {
    %c0_i32 = arith.constant 0 : i32
    %c0_i32_0 = arith.constant 0 : i32
    return %arg0, %arg1, %c0_i32 : i32, i32, i32
  }
  func.func @transform_19(%arg0: i32, %arg1: i32) -> (i32, i32, i32) {
    %c0_i32 = arith.constant 0 : i32
    %c0_i32_0 = arith.constant 0 : i32
    return %arg0, %arg1, %c0_i32 : i32, i32, i32
  }
  func.func @transform_20(%arg0: i32, %arg1: i32) -> (i32, i32, i32) {
    %c0_i32 = arith.constant 0 : i32
    %c0_i32_0 = arith.constant 0 : i32
    return %arg0, %arg1, %c0_i32 : i32, i32, i32
  }
  func.func @transform_21(%arg0: i32, %arg1: i32) -> (i32, i32, i32) {
    %c0_i32 = arith.constant 0 : i32
    %c0_i32_0 = arith.constant 0 : i32
    return %arg0, %arg1, %c0_i32 : i32, i32, i32
  }
  func.func @transform_22(%arg0: i32, %arg1: i32) -> (i32, i32, i32) {
    %c0_i32 = arith.constant 0 : i32
    %c0_i32_0 = arith.constant 0 : i32
    return %arg0, %arg1, %c0_i32 : i32, i32, i32
  }
}

module attributes {stable_mosaic.version = 14 : i64} {
  func.func @_stage2_body(%arg0: i32, %arg1: i32, %arg2: memref<1x640x256xf32, #tpu.memory_space<vmem>>, %arg3: memref<256x256xf32, #tpu.memory_space<vmem>>, %arg4: memref<1x256xf32, #tpu.memory_space<vmem>>, %arg5: memref<1x640x256xf32, #tpu.memory_space<vmem>>) attributes {dimension_semantics = [#tpu.dimension_semantics<parallel>, #tpu.dimension_semantics<parallel>], iteration_bounds = array<i64: 2, 34>, scalar_prefetch = 0 : i64, scratch_operands = 0 : i64, tpu.core_type = #tpu.core_type<tc>, window_params = [{transform_indices = @transform_0, window_bounds = array<i64: 1, 640, 256>}, {pipeline_mode = #tpu.pipeline_mode<synchronous>, transform_indices = @transform_1, window_bounds = array<i64: 256, 256>}, {pipeline_mode = #tpu.pipeline_mode<synchronous>, transform_indices = @transform_2, window_bounds = array<i64: 1, 256>}, {transform_indices = @transform_3, window_bounds = array<i64: 1, 640, 256>}]} {
    %get3A = arith.constant 0 : index
    %get3A_0 = arith.constant 0 : index
    %get3A_1 = arith.constant 0 : index
    %get3A_2 = vector.load %arg2[%get3A, %get3A_0, %get3A_1] : memref<1x640x256xf32, #tpu.memory_space<vmem>>, vector<1x640x256xf32>
    %get3A_3 = vector.shape_cast %get3A_2 : vector<1x640x256xf32> to vector<640x256xf32>
    %get3A_4 = arith.constant 0 : index
    %get3A_5 = arith.constant 0 : index
    %get3A_6 = vector.load %arg3[%get3A_4, %get3A_5] : memref<256x256xf32, #tpu.memory_space<vmem>>, vector<256x256xf32>
    %dot_general3A = arith.constant dense<0.000000e+00> : vector<640x256xf32>
    %dot_general3A_7 = tpu.matmul %get3A_3, %get3A_6, %dot_general3A {dimension_numbers = #tpu.dot_dimension_numbers<[1], [0], [0], [1], [0, 0, 1, 1], [], []>, precision = #tpu.contract_precision<fp32>, transpose_lhs_hint = false} : vector<640x256xf32>, vector<256x256xf32>, vector<640x256xf32> -> vector<640x256xf32>
    %get3A_8 = arith.constant 0 : index
    %get3A_9 = arith.constant 0 : index
    %get3A_10 = vector.load %arg4[%get3A_8, %get3A_9] : memref<1x256xf32, #tpu.memory_space<vmem>>, vector<1x256xf32>
    %add3A = vector.broadcast %get3A_10 : vector<1x256xf32> to vector<640x256xf32>
    %add3A_11 = arith.addf %dot_general3A_7, %add3A : vector<640x256xf32>
    %swap3A = arith.constant 0 : index
    %swap3A_12 = arith.constant 0 : index
    %swap3A_13 = arith.constant 0 : index
    %swap3A_14 = vector.load %arg5[%swap3A, %swap3A_12, %swap3A_13] : memref<1x640x256xf32, #tpu.memory_space<vmem>>, vector<1x640x256xf32>
    %swap3A_15 = vector.shape_cast %swap3A_14 : vector<1x640x256xf32> to vector<640x256xf32>
    %swap3A_16 = vector.shape_cast %add3A_11 : vector<640x256xf32> to vector<1x640x256xf32>
    tpu.vector_store %arg5[%swap3A, %swap3A_12, %swap3A_13], %swap3A_16 {strides = array<i32>} : memref<1x640x256xf32, #tpu.memory_space<vmem>>, vector<1x640x256xf32>,
    return
  }
  func.func @transform_0(%arg0: i32, %arg1: i32) -> (i32, i32, i32) {
    %c0_i32 = arith.constant 0 : i32
    %c0_i32_0 = arith.constant 0 : i32
    return %arg0, %arg1, %c0_i32 : i32, i32, i32
  }
  func.func @transform_1(%arg0: i32, %arg1: i32) -> (i32, i32) {
    %c0_i32 = arith.constant 0 : i32
    %c0_i32_0 = arith.constant 0 : i32
    %c0_i32_1 = arith.constant 0 : i32
    return %c0_i32, %c0_i32_0 : i32, i32
  }
  func.func @transform_2(%arg0: i32, %arg1: i32) -> (i32, i32) {
    %c0_i32 = arith.constant 0 : i32
    %c0_i32_0 = arith.constant 0 : i32
    %c0_i32_1 = arith.constant 0 : i32
    return %c0_i32, %c0_i32_0 : i32, i32
  }
  func.func @transform_3(%arg0: i32, %arg1: i32) -> (i32, i32, i32) {
    %c0_i32 = arith.constant 0 : i32
    %c0_i32_0 = arith.constant 0 : i32
    return %arg0, %arg1, %c0_i32 : i32, i32, i32
  }
}

</mosaic_0001>

<sc_bundles>
// kernel: msdeform_combine.3.cloned.1.call-start
scs
__scs_entry_jumppad:
0x0: {  	(pc) =	sbr.rel $0x88, $3  }
0x1: {  	(tag) =	ssettag $0x0;
	lr =	simm.s32 $0x1  }
0x2: {  	[smem:$0x3F96] =	sst lr;
	_ =	strace $0xD0000000  }
0x3: {  	_ = 	snop  }
0x4: {  	_ = 	snop  }
0x5: {  	_ = 	snop  }
0x6: {  	_ = 	snop  }
0x7: {  	_ = 	snop  }
__scs_overlays_trampoline_lowered:
0x8: {  	[smem:$0x3FA5] =	sst s0  }
0x9: {  	[smem:$0x3FA6] =	sst s1  }
0xa: {  	[smem:$0x3FA7] =	sst s2  }
0xb: {  	[smem:$0x3FA8] =	sst s3  }
0xc: {  	[smem:$0x3FA9] =	sst s4  }
0xd: {  	[smem:$0x3FAA] =	sst s5  }
0xe: {  	[smem:$0x3FAB] =	sst s6  }
0xf: {  	[smem:$0x3FAC] =	sst s7  }
0x10: {  	[smem:$0x3FAD] =	sst s8  }
0x11: {  	[smem:$0x3FAE] =	sst s9;
	s0 =	simm.s32 @!p0 $0x0  }
0x12: {  	s1 =	sld [smem:$0x3F94];
	s0 =	simm.s32 @p0 $0x1  }
0x13: {  	[smem:$0x3FAF] =	sst s0;
	s0 =	simm.s32 @!p1 $0x0  }
0x14: {  	s2 =	sld [smem:$0x3F93];
	s0 =	simm.s32 @p1 $0x1  }
0x15: {  	[smem:$0x3FB0] =	sst s0;
	s0 =	simm.s32 @!p2 $0x0  }
0x16: {  	s3 =	sld [smem:$0x3FDB];
	s0 =	simm.s32 @p2 $0x1  }
0x17: {  	s4 =	simm.s32 $0x1BF5;
	[smem:$0x3FB2] =	sst s0  }
0x18: {  	s0 =	sld [smem:$0x3F95];
	_ =	swait.ge [sflag:s4], $0x0  }
0x19: {  	s7 =	sld [smem:$0x3F96]  }
0x1a: {  	s8 =	sadd.s32 $0xFFFFE003, lr  }
0x1b: {  	s9 =	sadd.s32 $0xFFFFFEF7, lr;
	s5 =	simm.s32 $0xFFFFFFFF;
	p2 =	slt.u32 s8, $0xFFFFF086  }
0x1c: {  	p1 =	slt.u32 s9, $0xF7A;
	s5 =	simm.s32 @!p2 $0x0  }
0x1d: {  	s5 =	simm.s32 @p1 $0x1;
	p0 =	seq.s32 s7, s2  }
0x1e: {  	s7 =	smul.u32 @!p0 $0xF7A, s2;
	p2 =	seq.s32 @!p0 s5, $0x0  }
0x1f: {  	s9 =	smul.u32 $0xF7A, s1;
	s8 =	simm.s32 @!p0 $0x1BF5;
	p2 =	por !p2, p0  }
0x20: {  	[sflag:s8] =	ssyncset.s32 @!p0 $0xFFFFF086;
	s6 =	sadd.s32 @!p0 s3, s7;
	s7 =	simm.s32 @!p0 $0x108  }
0x21: {  	s3 =	sadd.s32 s3, s9;
	s6 =	sadd.s32 @!p0 $0x88, s6;
	s7 =	simm.s32 @p2 $0x1082  }
0x22: {  	[simem:s7], [sflag:s8] =	dma.local @!p0 [hbm:s6], $0xF7A  }
0x23: {  	s9 =	sor.u32 $0xD0000000, s2;
	s6 =	simm.s32 $0x108;
	_ =	swait.ge @!p0 [sflag:s8], $0x0  }
0x24: {  	s3 =	sadd.s32 $0x88, s3;
	s6 =	simm.s32 @!p1 $0x1082;
	[sflag:s4] =	ssyncset.s32 $0xFFFFF086  }
0x25: {  	[simem:s6], [sflag:s4] =	dma.local [hbm:s3], $0xF7A  }
0x26: {  	[smem:$0x3F96] =	sst s1;
	(tag) =	ssettag s2;
	_ =	strace s9  }
0x27: {  	s1 =	sld [smem:$0x3FA6]  }
0x28: {  	s2 =	sld [smem:$0x3FA7]  }
0x29: {  	s4 =	sld [smem:$0x3FA9]  }
0x2a: {  	p0 =	seq.s32 s5, $0x0;
	s5 =	sld [smem:$0x3FAA]  }
0x2b: {  	s6 =	sld [smem:$0x3FAB]  }
0x2c: {  	s7 =	sld [smem:$0x3FAC]  }
0x2d: {  	s3 =	simm.s32 $0x108;
	s8 =	sld [smem:$0x3FAD]  }
0x2e: {  	s3 =	simm.s32 @!p0 $0x1082;
	s9 =	sld [smem:$0x3FAE]  }
0x2f: {  	lr =	sadd.s32 s0, s3;
	s0 =	sld [smem:$0x3FA5]  }
0x30: {  	s3 =	sld [smem:$0x3FA8]  }
0x31: {  	[smem:$0x3FB1] =	sst s10  }
0x32: {  	s10 =	sld [smem:$0x3FAF];
	_ =	sdelay $0x3  }
0x33: {  	p0 =	seq.s32 s10, $0x1;
	s10 =	sld [smem:$0x3FB1];
	_ =	sdelay $0x3  }
0x34: {  	[smem:$0x3FB1] =	sst s10  }
0x35: {  	s10 =	sld [smem:$0x3FB0];
	_ =	sdelay $0x3  }
0x36: {  	p1 =	seq.s32 s10, $0x1;
	s10 =	sld [smem:$0x3FB1];
	_ =	sdelay $0x3  }
0x37: {  	[smem:$0x3FB1] =	sst s10  }
0x38: {  	s10 =	sld [smem:$0x3FB2]  }
0x39: {  	_ = 	snop;
	(pc) =	sbr.ind lr, $3  }
0x3a: {  	_ = 	snop  }
0x3b: {  	_ = 	snop  }
0x3c: {  	p2 =	seq.s32 s10, $0x1;
	s10 =	sld [smem:$0x3FB1]  }
0x3d: {  	_ =	shalt  }
0x3e: {  	_ =	shalt  }
0x3f: {  	_ =	shalt  }
0x40: {  	_ =	shalt  }
0x41: {  	_ =	shalt  }
0x42: {  	_ =	shalt  }
0x43: {  	_ =	shalt  }
0x44: {  	_ =	shalt  }
0x45: {  	_ =	shalt  }
0x46: {  	_ =	shalt  }
0x47: {  	_ =	shalt  }
0x48: {  	_ =	shalt  }
0x49: {  	_ =	shalt  }
0x4a: {  	_ =	shalt  }
0x4b: {  	_ =	shalt  }
0x4c: {  	_ =	shalt  }
0x4d: {  	_ =	shalt  }
0x4e: {  	_ =	shalt  }
0x4f: {  	_ =	shalt  }
0x50: {  	_ =	shalt  }
0x51: {  	_ =	shalt  }
0x52: {  	_ =	shalt  }
0x53: {  	_ =	shalt  }
0x54: {  	_ =	shalt  }
0x55: {  	_ =	shalt  }
0x56: {  	_ =	shalt  }
0x57: {  	_ =	shalt  }
0x58: {  	_ =	shalt  }
0x59: {  	_ =	shalt  }
0x5a: {  	_ =	shalt  }
0x5b: {  	_ =	shalt  }
0x5c: {  	_ =	shalt  }
0x5d: {  	_ =	shalt  }
0x5e: {  	_ =	shalt  }
0x5f: {  	_ =	shalt  }
0x60: {  	_ =	shalt  }
0x61: {  	_ =	shalt  }
0x62: {  	_ =	shalt  }
0x63: {  	_ =	shalt  }
0x64: {  	_ =	shalt  }
0x65: {  	_ =	shalt  }
0x66: {  	_ =	shalt  }
0x67: {  	_ =	shalt  }
0x68: {  	_ =	shalt  }
0x69: {  	_ =	shalt  }
0x6a: {  	_ =	shalt  }
0x6b: {  	_ =	shalt  }
0x6c: {  	_ =	shalt  }
0x6d: {  	_ =	shalt  }
0x6e: {  	_ =	shalt  }
0x6f: {  	_ =	shalt  }
0x70: {  	_ =	shalt  }
0x71: {  	_ =	shalt  }
0x72: {  	_ =	shalt  }
0x73: {  	_ =	shalt  }
0x74: {  	_ =	shalt  }
0x75: {  	_ =	shalt  }
0x76: {  	_ =	shalt  }
0x77: {  	_ =	shalt  }
0x78: {  	_ =	shalt  }
0x79: {  	_ =	shalt  }
0x7a: {  	_ =	shalt  }
0x7b: {  	_ =	shalt  }
0x7c: {  	_ =	shalt  }
0x7d: {  	_ =	shalt  }
0x7e: {  	_ =	shalt  }
0x7f: {  	_ =	shalt  }
0x80: {  	_ =	shalt  }
0x81: {  	_ =	shalt  }
0x82: {  	_ =	shalt  }
0x83: {  	_ =	shalt  }
0x84: {  	_ =	shalt  }
0x85: {  	_ =	shalt  }
0x86: {  	_ =	shalt  }
0x87: {  	_ =	shalt  }
.Lfunc_end0:
.L_simem_size_0:
called_computation.2_lowered:
.L_overlay_start_0:
0x88: {  	s2 =	sld [smem:$0x3FD9]  }
0x89: {  	s3 =	sld [smem:$0x3FFE];
	_ =	sdelay $0x1  }
0x8a: {  	s1 =	srdreg.scid  }
0x8b: {  	s0 =	sand.u32 $0x1, s1  }
0x8c: {  	s17 =	sshll.u32 s0, $0xA;
	s2 =	sadd.s32 s3, s2  }
0x8d: {  	s2 =	sadd.s32 s2, s17  }
0x8e: {  	[smem:$0x3FBD] =	sst s2  }
0x8f: {  	_ = 	snop  }
0x90: {  	s2 =	sld [smem:$0x3FD0];
	(tm) =	ssettm $0x1  }
0x91: {  	s18 =	sld [smem:$0x3FFB];
	_ =	sdelay $0x3  }
0x92: {  	_ =	strace s18  }
0x93: {  	s3 =	sld [smem:$0x3FFC];
	_ =	sdelay $0x3  }
0x94: {  	_ =	strace s3  }
0x95: {  	s3 =	sld [smem:$0x3FFD];
	_ =	sdelay $0x3  }
0x96: {  	_ =	strace s3  }
0x97: {  	_ =	strace $0x8FFFFFFF  }
0x98: {  	s19 =	sld [smem:$0x3FDB];
	_ =	sdelay $0x1  }
0x99: {  	s4 =	simm.s32 $_scs_section_size  }
0x9a: {  	s5 =	simm.s32 $_size__tile_overlayer_lowered;
	s6 =	simm.s32 $_tile_overlayer_lowered  }
0x9b: {  	s22 =	simm.s32 $0x1BFF;
	s21 =	sshll.u32 s6, $0x1;
	s3 =	sadd.s32 s4, s19  }
0x9c: {  	s7 =	simm.s32 $0x0;
	s20 =	sshll.u32 s5, $0x1;
	s5 =	sadd.s32 s21, s3  }
0x9d: {  	[timem:s7], [sflag:s22] =	dma.local [hbm:s5], s20  }
0x9e: {  	_ =	swait.ge [sflag:s22], s20  }
0x9f: {  	s4 =	ssub.s32 $0x0, s20;
	[sflag:s22] =	ssyncset.done $0x0  }
0xa0: {  	[sflag:s22] =	ssyncadd.s32 s4;
	_ =	sdelay $0x1  }
0xa1: {  	s23 =	simm.s32 $0x1B8B  }
0xa2: {  	_ =	swait.ge [sflag:s23], $0x1  }
0xa3: {  	[sflag:s23] =	ssyncset.done $0x0  }
0xa4: {  	s25 =	simm.s32 $0x1B8E;
	s24 =	sld [smem:$0x3FFE];
	[sflag:s23] =	ssyncadd.s32 $0xFFFFFFFF  }
0xa5: {  	s26 =	simm.s32 $execute0_lowered;
	[smem:$0x3FD2] =	sst s25  }
0xa6: {  	s5 =	sshll.u32 s26, $0x1;
	_ =	strace $0x8000004C;
	[dreg:$0x1] =	wrdreg $0xFFFFFFFF  }
0xa7: {  	s28 =	simm.s32 $_size_execute0_lowered;
	s3 =	sadd.s32 s3, s5;
	[dreg:$0x0] =	wrdreg $0x0  }
0xa8: {  	s5 =	sshll.u32 s28, $0x1;
	[dreg:$0x2] =	wrdreg s3  }
0xa9: {  	[dreg:$0x3] =	wrdreg s5  }
0xaa: {  	[dreg:$0x4] =	wrdreg $0xC0  }
0xab: {  	_ =	task [dreg:s7], $0x5FFFF  }
0xac: {  	[dreg:$0x1] =	wrdreg $0xFFFFFFFF  }
0xad: {  	[dreg:$0x0] =	wrdreg $0x60  }
0xae: {  	[dreg:$0x2] =	wrdreg s24  }
0xaf: {  	[dreg:$0x3] =	wrdreg s2  }
0xb0: {  	[dreg:$0x4] =	wrdreg $0x9  }
0xb1: {  	_ =	task.clear_ibuf [dreg:s7], $0x5FFFF;
	_ =	strace $0x9000004C  }
0xb2: {  	s29 =	simm.s32 $0x9;
	_ =	strace $0x8000004E  }
0xb3: {  	_ =	swait.ge [sflag:s29], $0x1  }
0xb4: {  	[sflag:s29] =	ssyncadd.s32 $0xFFFFFFFF  }
0xb5: {  	_ =	strace $0x9000004E  }
0xb6: {  	_ =	sfence  }
0xb7: {  	s30 =	sld [smem:$0x0];
	_ =	sdelay $0x2  }
0xb8: {  	s31 =	sshll.u32 s1, $0xD;
	s1 =	sshrl.u32 s1, $0x2  }
0xb9: {  	s3 =	sand.u32 $0x4000, s31;
	s1 =	sadd.s32 s1, s30  }
0xba: {  	s0 =	sor.u32 s3, s0;
	s1 =	sshll.u32 s1, $0x11  }
0xbb: {  	s0 =	sor.u32 s1, s0  }
0xbc: {  	s0 =	sadd.s32 $0x8F2B, s0  }
0xbd: {  	[sflag:s0] =	ssyncadd.remote.s32 $0x1  }
0xbe: {  	_ =	sfence.sel $0xFFFF  }
0xbf: {  	[dreg:$0x0] =	wrdreg $0xFFFFFFFF;
	(pc) =	sbr.abs _section_cstart, $3  }
0xc0: {  	[dreg:$0x1] =	wrdreg $0xFFFFFFFF  }
0xc1: {  	_ =	task.clear_ibuf [dreg:s7], $0x2FFFF;
	_ =	strace $0x9FFFFFFF  }
0xc2: {  	(tm) =	ssettm $0x7FFFFFFF  }
0xc3: {  	_ =	shalt  }
tec
execute0_lowered:
.L_overlay_start_1:
0x0: {  	(tag) =	ssettag $0x1  }
0x1: {  	s0 =	rddreg [dreg:$0x0]  }
0x2: {  	s1 =	rddreg [dreg:$0x1]  }
0x3: {  	s2 =	simm.s32 $0x0;
	s3 =	srdreg.scid;
	s10 =	stileid.u32  }
0x4: {  	s13 =	simm.s32 $0x3;
	s15 =	simm.s32 $0x80;
	s14 =	simm.s32 $0x1180  }
0x5: {  	s16 =	simm.s32 $0x14000;
	s17 =	simm.s32 $0x1200;
	s18 =	simm.s32 $0x14800  }
0x6: {  	s28 =	simm.s32 $0x16D00;
	s29 =	simm.s32 $0x0;
	s9 =	smul.u32 $0x2A800, s10  }
0x7: {  	s4 =	sand.u32 $0x1, s3;
	s3 =	sadd.s32 $0x5FCA00, s0;
	s21 =	smul.u32 $0x15400, s10  }
0x8: {  	s19 =	sshll.u32 s10, $0x1;
	s7 =	sadd.s32 $0x6A6A00, s0;
	s10 =	smul.u32 $0xAA0, s10  }
0x9: {  	[smem:$0x7FF] =	sst s2;
	s0 =	sadd.s32 $0x94EA00, s0;
	s20 =	smul.u32 $0x15400, s4  }
0xa: {  	_ =	strace $0x8000004D;
	s5 =	sor.u32 s4, s19;
	s23 =	smul.u32 $0x550, s4  }
0xb: {  	s6 =	ssub.s32 $0x2, s4;
	s4 =	smul.u32 $0xAA00, s4;
	s19 =	simm.s32 $0x1280  }
0xc: {  	s8 =	sshrl.u32 s6, $0x1;
	s22 =	sadd.s32 s9, s7;
	s9 =	sadd.s32 s9, s0  }
0xd: {  	s5 =	smul.u32 $0x15400, s5;
	s6 =	ssub.s32 s6, s8;
	s24 =	sadd.s32 s20, s9  }
0xe: {  	s25 =	sadd.s32 s23, s10;
	s8 =	simm.s32 $0x1E00;
	s9 =	simm.s32 $0x1100  }
0xf: {  	s10 =	simm.s32 $0x13800;
	s23 =	simm.s32 $0x1380;
	s11 =	sadd.s32 s7, s5  }
0x10: {  	s5 =	sadd.s32 s0, s5;
	s6 =	smax.u32 s6, $0x1;
	[dreg:$0x3] =	wrdreg s11  }
0x11: {  	s26 =	sshll.u32 s25, $0x5;
	s30 =	sshll.u32 s25, $0x6;
	[dreg:$0x4] =	wrdreg s5  }
0x12: {  	s25 =	simm.s32 $0x1;
	[dreg:$0x5] =	wrdreg s6;
	s6 =	sadd.s32 s20, s22  }
0x13: {  	s5 =	sadd.s32 s21, s1;
	s1 =	sadd.s32 s26, s1;
	s0 =	sadd.s32 s30, s0  }
0x14: {  	s31 =	sadd.s32 s30, s7;
	s20 =	simm.s32 $0x15000;
	s21 =	simm.s32 $0x1300  }
0x15: {  	s22 =	simm.s32 $0x15800;
	s26 =	simm.s32 $0x16800;
	s6 =	sadd.s32 $0x280, s6  }
.Ltmp0:
0x16: {  	s4 =	sadd.s32 s4, s5;
	s1 =	sadd.s32 $0xA0, s1;
	(pc) =	sbr.rel .LBB2_1-.Ltmp0, $4  }
0x17: {  	s11 =	sadd.s32 $0x140, s0;
	s12 =	sadd.s32 $0x140, s31;
	[dreg:$0x6] =	wrdreg s6  }
0x18: {  	s0 =	simm.s32 $0xA00;
	s5 =	simm.s32 $0x1080;
	[dreg:$0x8] =	wrdreg s4  }
0x19: {  	s6 =	sadd.s32 $0x280, s24;
	[dreg:$0x9] =	wrdreg s1;
	s4 =	simm.s32 $0x12800  }
0x1a: {  	s24 =	simm.s32 $0x16000;
	[dreg:$0x7] =	wrdreg s6;
	s6 =	simm.s32 $0x13000  }
.LBB2_5:
0x1b: {  	s1 =	simm.s32 $0x2  }
0x1c: {  	_ =	swait.ge [sflag:s1], $0x500  }
0x1d: {  	[sflag:s1] =	ssyncset.done $0x0  }
0x1e: {  	[sflag:s1] =	ssyncadd.s32 $0xFFFFFB00  }
0x1f: {  	_ =	swait.ge [sflag:s1], $0x500  }
0x20: {  	s29 =	rddreg [dreg:$0xa]  }
0x21: {  	s7 =	rddreg [dreg:$0x5];
	s29 =	sadd.s32 $0x1, s29  }
0x22: {  	p0 =	sne.s32 s29, s7  }
.Ltmp1:
0x23: {  	_ = 	snop;
	(pc) =	sbr.rel @!p0 .LBB2_6-.Ltmp1, $3  }
0x24: {  	_ =	sdelay $0x1  }
0x25: {  	[sflag:s1] =	ssyncset.done $0x0  }
0x26: {  	[sflag:s1] =	ssyncadd.s32 $0xFFFFFB00  }
.LBB2_1:
0x27: {  	[dreg:$0xa] =	wrdreg s29  }
0x28: {  	s7 =	rddreg [dreg:$0x3]  }
0x29: {  	[tilespmem:s2], [sflag:$0x3] =	stream.linear.gather [hbm4b:s7+s2], $0xA00, $0x38;
	[tilespmem:$0x17200] =	vst v63  }
0x2a: {  	_ =	swait.ge [sflag:s13], $0xA00  }
0x2b: {  	[sflag:s13] =	ssyncset.done $0x0  }
0x2c: {  	s1 =	simm.s32 $0x1400;
	s7 =	rddreg [dreg:$0x4];
	[sflag:s13] =	ssyncadd.s32 $0xFFFFF600  }
0x2d: {  	[tilespmem:s1], [sflag:$0x3] =	stream.linear.gather [hbm4b:s7+s2], $0xA00, $0x38;
	[tilespmem:$0x17200] =	vst v63  }
0x2e: {  	_ =	swait.ge [sflag:s13], $0xA00  }
0x2f: {  	[sflag:s13] =	ssyncset.done $0x0  }
0x30: {  	s7 =	simm.s32 $0x2800;
	[sflag:s13] =	ssyncadd.s32 $0xFFFFF600  }
0x31: {  	[tilespmem:s7], [sflag:$0x1] =	stream.indirect.gather [hbm4b:s3+s15], $0x10, s2, s15, $0xb8;
	[tilespmem:$0x17200] =	vst v63  }
0x32: {  	s7 =	simm.s32 $0x3000  }
0x33: {  	[tilespmem:s7], [sflag:$0x1] =	stream.indirect.gather [hbm4b:s3+s15], $0x10, s15, s15, $0xb8;
	[tilespmem:$0x17200] =	vst v63  }
0x34: {  	s1 =	simm.s32 $0x100;
	s7 =	simm.s32 $0x3800  }
0x35: {  	[tilespmem:s7], [sflag:$0x1] =	stream.indirect.gather [hbm4b:s3+s15], $0x10, s1, s15, $0xb8;
	[tilespmem:$0x17200] =	vst v63  }
0x36: {  	s1 =	simm.s32 $0x180;
	s7 =	simm.s32 $0x4000  }
0x37: {  	[tilespmem:s7], [sflag:$0x1] =	stream.indirect.gather [hbm4b:s3+s15], $0x10, s1, s15, $0xb8;
	[tilespmem:$0x17200] =	vst v63  }
0x38: {  	s1 =	simm.s32 $0x200;
	s7 =	simm.s32 $0x4800  }
0x39: {  	[tilespmem:s7], [sflag:$0x1] =	stream.indirect.gather [hbm4b:s3+s15], $0x10, s1, s15, $0xb8;
	[tilespmem:$0x17200] =	vst v63  }
0x3a: {  	s1 =	simm.s32 $0x280;
	s7 =	simm.s32 $0x5000  }
0x3b: {  	[tilespmem:s7], [sflag:$0x1] =	stream.indirect.gather [hbm4b:s3+s15], $0x10, s1, s15, $0xb8;
	[tilespmem:$0x17200] =	vst v63  }
0x3c: {  	s1 =	simm.s32 $0x300;
	s7 =	simm.s32 $0x5800  }
0x3d: {  	[tilespmem:s7], [sflag:$0x1] =	stream.indirect.gather [hbm4b:s3+s15], $0x10, s1, s15, $0xb8;
	[tilespmem:$0x17200] =	vst v63  }
0x3e: {  	s1 =	simm.s32 $0x380;
	s7 =	simm.s32 $0x6000  }
0x3f: {  	[tilespmem:s7], [sflag:$0x1] =	stream.indirect.gather [hbm4b:s3+s15], $0x10, s1, s15, $0xb8;
	[tilespmem:$0x17200] =	vst v63  }
0x40: {  	s1 =	simm.s32 $0x400;
	s7 =	simm.s32 $0x6800  }
0x41: {  	[tilespmem:s7], [sflag:$0x1] =	stream.indirect.gather [hbm4b:s3+s15], $0x10, s1, s15, $0xb8;
	[tilespmem:$0x17200] =	vst v63  }
0x42: {  	s1 =	simm.s32 $0x480;
	s7 =	simm.s32 $0x7000  }
0x43: {  	[tilespmem:s7], [sflag:$0x1] =	stream.indirect.gather [hbm4b:s3+s15], $0x10, s1, s15, $0xb8;
	[tilespmem:$0x17200] =	vst v63  }
0x44: {  	s1 =	simm.s32 $0x500;
	s7 =	simm.s32 $0x7800  }
0x45: {  	[tilespmem:s7], [sflag:$0x1] =	stream.indirect.gather [hbm4b:s3+s15], $0x10, s1, s15, $0xb8;
	[tilespmem:$0x17200] =	vst v63  }
0x46: {  	s1 =	simm.s32 $0x580;
	s7 =	simm.s32 $0x8000  }
0x47: {  	[tilespmem:s7], [sflag:$0x1] =	stream.indirect.gather [hbm4b:s3+s15], $0x10, s1, s15, $0xb8;
	[tilespmem:$0x17200] =	vst v63  }
0x48: {  	s1 =	simm.s32 $0x600;
	s7 =	simm.s32 $0x8800  }
0x49: {  	[tilespmem:s7], [sflag:$0x1] =	stream.indirect.gather [hbm4b:s3+s15], $0x10, s1, s15, $0xb8;
	[tilespmem:$0x17200] =	vst v63  }
0x4a: {  	s1 =	simm.s32 $0x680;
	s7 =	simm.s32 $0x9000  }
0x4b: {  	[tilespmem:s7], [sflag:$0x1] =	stream.indirect.gather [hbm4b:s3+s15], $0x10, s1, s15, $0xb8;
	[tilespmem:$0x17200] =	vst v63  }
0x4c: {  	s1 =	simm.s32 $0x700;
	s7 =	simm.s32 $0x9800  }
0x4d: {  	[tilespmem:s7], [sflag:$0x1] =	stream.indirect.gather [hbm4b:s3+s15], $0x10, s1, s15, $0xb8;
	[tilespmem:$0x17200] =	vst v63  }
0x4e: {  	s1 =	simm.s32 $0x780;
	s7 =	simm.s32 $0xA000  }
0x4f: {  	[tilespmem:s7], [sflag:$0x1] =	stream.indirect.gather [hbm4b:s3+s15], $0x10, s1, s15, $0xb8;
	[tilespmem:$0x17200] =	vst v63  }
0x50: {  	s1 =	simm.s32 $0x800;
	s7 =	simm.s32 $0xA800  }
0x51: {  	[tilespmem:s7], [sflag:$0x1] =	stream.indirect.gather [hbm4b:s3+s15], $0x10, s1, s15, $0xb8;
	[tilespmem:$0x17200] =	vst v63  }
0x52: {  	s1 =	simm.s32 $0x880;
	s7 =	simm.s32 $0xB000  }
0x53: {  	[tilespmem:s7], [sflag:$0x1] =	stream.indirect.gather [hbm4b:s3+s15], $0x10, s1, s15, $0xb8;
	[tilespmem:$0x17200] =	vst v63  }
.Ltmp2:
0x54: {  	s31 =	simm.s32 $0x0;
	(pc) =	sbr.rel .LBB2_2-.Ltmp2, $4  }
0x55: {  	s29 =	rddreg [dreg:$0x9];
	s1 =	simm.s32 $0x900;
	s7 =	simm.s32 $0xB800  }
0x56: {  	[tilespmem:s7], [sflag:$0x1] =	stream.indirect.gather [hbm4b:s3+s15], $0x10, s1, s15, $0xb8;
	[tilespmem:$0x17200] =	vst v63  }
0x57: {  	s30 =	rddreg [dreg:$0x8];
	s1 =	simm.s32 $0x980;
	s7 =	simm.s32 $0xC000  }
0x58: {  	[tilespmem:s7], [sflag:$0x1] =	stream.indirect.gather [hbm4b:s3+s15], $0x10, s1, s15, $0xb8;
	[tilespmem:$0x17200] =	vst v63  }
.LBB2_4:
0x59: {  	_ =	swait.ge [sflag:s25], $0x800  }
0x5a: {  	[sflag:s25] =	ssyncset.done $0x0  }
0x5b: {  	[sflag:s25] =	ssyncadd.s32 $0xFFFFF800  }
0x5c: {  	_ =	swait.ge [sflag:s25], $0x800  }
0x5d: {  	[sflag:s25] =	ssyncset.done $0x0  }
0x5e: {  	[sflag:s25] =	ssyncadd.s32 $0xFFFFF800  }
0x5f: {  	_ =	swait.ge [sflag:s25], $0x800  }
0x60: {  	[sflag:s25] =	ssyncset.done $0x0  }
0x61: {  	[sflag:s25] =	ssyncadd.s32 $0xFFFFF800  }
0x62: {  	_ =	swait.ge [sflag:s25], $0x800  }
0x63: {  	[sflag:s25] =	ssyncset.done $0x0  }
0x64: {  	[sflag:s25] =	ssyncadd.s32 $0xFFFFF800  }
0x65: {  	_ =	swait.ge [sflag:s25], $0x800  }
0x66: {  	[sflag:s25] =	ssyncset.done $0x0  }
0x67: {  	[sflag:s25] =	ssyncadd.s32 $0xFFFFF800  }
0x68: {  	_ =	swait.ge [sflag:s25], $0x800  }
0x69: {  	[sflag:s25] =	ssyncset.done $0x0  }
0x6a: {  	[sflag:s25] =	ssyncadd.s32 $0xFFFFF800  }
0x6b: {  	_ =	swait.ge [sflag:s25], $0x800  }
0x6c: {  	[sflag:s25] =	ssyncset.done $0x0  }
0x6d: {  	[sflag:s25] =	ssyncadd.s32 $0xFFFFF800  }
0x6e: {  	_ =	swait.ge [sflag:s25], $0x800  }
0x6f: {  	[sflag:s25] =	ssyncset.done $0x0  }
0x70: {  	[sflag:s25] =	ssyncadd.s32 $0xFFFFF800  }
0x71: {  	_ =	swait.ge [sflag:s25], $0x800  }
0x72: {  	[sflag:s25] =	ssyncset.done $0x0  }
0x73: {  	[sflag:s25] =	ssyncadd.s32 $0xFFFFF800  }
0x74: {  	_ =	swait.ge [sflag:s25], $0x800  }
0x75: {  	[sflag:s25] =	ssyncset.done $0x0  }
0x76: {  	[sflag:s25] =	ssyncadd.s32 $0xFFFFF800  }
0x77: {  	_ =	swait.ge [sflag:s25], $0x800  }
0x78: {  	[sflag:s25] =	ssyncset.done $0x0  }
0x79: {  	[sflag:s25] =	ssyncadd.s32 $0xFFFFF800  }
0x7a: {  	_ =	swait.ge [sflag:s25], $0x800  }
0x7b: {  	[sflag:s25] =	ssyncset.done $0x0  }
0x7c: {  	[sflag:s25] =	ssyncadd.s32 $0xFFFFF800  }
0x7d: {  	_ =	swait.ge [sflag:s25], $0x800  }
0x7e: {  	[sflag:s25] =	ssyncset.done $0x0  }
0x7f: {  	[sflag:s25] =	ssyncadd.s32 $0xFFFFF800  }
0x80: {  	_ =	swait.ge [sflag:s25], $0x800  }
0x81: {  	[sflag:s25] =	ssyncset.done $0x0  }
0x82: {  	[sflag:s25] =	ssyncadd.s32 $0xFFFFF800  }
0x83: {  	_ =	swait.ge [sflag:s25], $0x800  }
0x84: {  	[sflag:s25] =	ssyncset.done $0x0  }
0x85: {  	[sflag:s25] =	ssyncadd.s32 $0xFFFFF800  }
0x86: {  	_ =	swait.ge [sflag:s25], $0x800  }
0x87: {  	[sflag:s25] =	ssyncset.done $0x0  }
0x88: {  	[sflag:s25] =	ssyncadd.s32 $0xFFFFF800  }
0x89: {  	_ =	swait.ge [sflag:s25], $0x800  }
0x8a: {  	[sflag:s25] =	ssyncset.done $0x0  }
0x8b: {  	[sflag:s25] =	ssyncadd.s32 $0xFFFFF800  }
0x8c: {  	_ =	swait.ge [sflag:s25], $0x800  }
0x8d: {  	[sflag:s25] =	ssyncset.done $0x0  }
0x8e: {  	[sflag:s25] =	ssyncadd.s32 $0xFFFFF800  }
0x8f: {  	_ =	swait.ge [sflag:s25], $0x800  }
0x90: {  	[sflag:s25] =	ssyncset.done $0x0  }
0x91: {  	[sflag:s25] =	ssyncadd.s32 $0xFFFFF800  }
0x92: {  	_ =	swait.ge [sflag:s25], $0x800  }
0x93: {  	[sflag:s25] =	ssyncset.done $0x0  }
0x94: {  	[sflag:s25] =	ssyncadd.s32 $0xFFFFF800  }
0x95: {  	_ =	swait.ge @!p0 [sflag:s7], $0x500  }
0x96: {  	s31 =	sadd.s32 $0x280, s31;
	[sflag:s7] =	ssyncset.done @!p0 $0x0  }
0x97: {  	[sflag:s7] =	ssyncadd.s32 @!p0 $0xFFFFFB00;
	p0 =	sne.s32 s31, $0x15400  }
.Ltmp3:
0x98: {  	_ = 	snop;
	(pc) =	sbr.rel @!p0 .LBB2_5-.Ltmp3, $3  }
0x99: {  	_ =	sdelay $0x1  }
0x9a: {  	[hbm4b:s29+s2] =	stream.linear.scatter [tilespmem:s28], [sflag:$0x2], $0x500, $0x38;
	[tilespmem:$0x17200] =	vst v63  }
0x9b: {  	s30 =	sadd.s32 $0x140, s30;
	s29 =	sadd.s32 $0x140, s29  }
.LBB2_2:
0x9c: {  	s7 =	sadd.s32 s31, s12  }
0x9d: {  	[tilespmem:s0], [sflag:$0x3] =	stream.linear.gather [hbm4b:s7+s2], $0xA00, $0x38;
	[tilespmem:$0x17200] =	vst v63  }
0x9e: {  	_ =	swait.ge [sflag:s13], $0xA00  }
0x9f: {  	[sflag:s13] =	ssyncset.done $0x0  }
0xa0: {  	s1 =	sadd.s32 s31, s11;
	[sflag:s13] =	ssyncadd.s32 $0xFFFFF600  }
0xa1: {  	[tilespmem:s8], [sflag:$0x3] =	stream.linear.gather [hbm4b:s1+s2], $0xA00, $0x38;
	[tilespmem:$0x17200] =	vst v63  }
0xa2: {  	_ =	swait.ge [sflag:s13], $0xA00  }
0xa3: {  	[sflag:s13] =	ssyncset.done $0x0  }
0xa4: {  	s1 =	simm.s32 $0xC800;
	[sflag:s13] =	ssyncadd.s32 $0xFFFFF600  }
0xa5: {  	[tilespmem:s1], [sflag:$0x1] =	stream.indirect.gather [hbm4b:s3+s15], $0x10, s0, s15, $0xb8;
	[tilespmem:$0x17200] =	vst v63  }
0xa6: {  	s7 =	simm.s32 $0xD000;
	s1 =	simm.s32 $0xA80  }
0xa7: {  	[tilespmem:s7], [sflag:$0x1] =	stream.indirect.gather [hbm4b:s3+s15], $0x10, s1, s15, $0xb8;
	[tilespmem:$0x17200] =	vst v63  }
0xa8: {  	s1 =	simm.s32 $0xB00;
	s7 =	simm.s32 $0xD800  }
0xa9: {  	[tilespmem:s7], [sflag:$0x1] =	stream.indirect.gather [hbm4b:s3+s15], $0x10, s1, s15, $0xb8;
	[tilespmem:$0x17200] =	vst v63  }
0xaa: {  	s1 =	simm.s32 $0xB80;
	s7 =	simm.s32 $0xE000  }
0xab: {  	[tilespmem:s7], [sflag:$0x1] =	stream.indirect.gather [hbm4b:s3+s15], $0x10, s1, s15, $0xb8;
	[tilespmem:$0x17200] =	vst v63  }
0xac: {  	s1 =	simm.s32 $0xC00;
	s7 =	simm.s32 $0xE800  }
0xad: {  	[tilespmem:s7], [sflag:$0x1] =	stream.indirect.gather [hbm4b:s3+s15], $0x10, s1, s15, $0xb8;
	[tilespmem:$0x17200] =	vst v63  }
0xae: {  	s1 =	simm.s32 $0xC80;
	s7 =	simm.s32 $0xF000  }
0xaf: {  	[tilespmem:s7], [sflag:$0x1] =	stream.indirect.gather [hbm4b:s3+s15], $0x10, s1, s15, $0xb8;
	[tilespmem:$0x17200] =	vst v63  }
0xb0: {  	s1 =	simm.s32 $0xD00;
	s7 =	simm.s32 $0xF800  }
0xb1: {  	[tilespmem:s7], [sflag:$0x1] =	stream.indirect.gather [hbm4b:s3+s15], $0x10, s1, s15, $0xb8;
	[tilespmem:$0x17200] =	vst v63  }
0xb2: {  	s1 =	simm.s32 $0xD80;
	s7 =	simm.s32 $0x10000  }
0xb3: {  	[tilespmem:s7], [sflag:$0x1] =	stream.indirect.gather [hbm4b:s3+s15], $0x10, s1, s15, $0xb8;
	[tilespmem:$0x17200] =	vst v63  }
0xb4: {  	s1 =	simm.s32 $0xE00;
	s7 =	simm.s32 $0x10800  }
0xb5: {  	[tilespmem:s7], [sflag:$0x1] =	stream.indirect.gather [hbm4b:s3+s15], $0x10, s1, s15, $0xb8;
	[tilespmem:$0x17200] =	vst v63  }
0xb6: {  	s1 =	simm.s32 $0xE80;
	s7 =	simm.s32 $0x11000  }
0xb7: {  	[tilespmem:s7], [sflag:$0x1] =	stream.indirect.gather [hbm4b:s3+s15], $0x10, s1, s15, $0xb8;
	[tilespmem:$0x17200] =	vst v63  }
0xb8: {  	s1 =	simm.s32 $0xF00;
	s7 =	simm.s32 $0x11800  }
0xb9: {  	[tilespmem:s7], [sflag:$0x1] =	stream.indirect.gather [hbm4b:s3+s15], $0x10, s1, s15, $0xb8;
	[tilespmem:$0x17200] =	vst v63  }
0xba: {  	s1 =	simm.s32 $0xF80;
	s7 =	simm.s32 $0x12000  }
0xbb: {  	[tilespmem:s7], [sflag:$0x1] =	stream.indirect.gather [hbm4b:s3+s15], $0x10, s1, s15, $0xb8;
	[tilespmem:$0x17200] =	vst v63  }
0xbc: {  	s7 =	simm.s32 $0x1000  }
0xbd: {  	[tilespmem:s4], [sflag:$0x1] =	stream.indirect.gather [hbm4b:s3+s15], $0x10, s7, s15, $0xb8;
	[tilespmem:$0x17200] =	vst v63  }
0xbe: {  	_ = 	snop  }
0xbf: {  	[tilespmem:s6], [sflag:$0x1] =	stream.indirect.gather [hbm4b:s3+s15], $0x10, s5, s15, $0xb8;
	[tilespmem:$0x17200] =	vst v63  }
0xc0: {  	_ = 	snop  }
0xc1: {  	[tilespmem:s10], [sflag:$0x1] =	stream.indirect.gather [hbm4b:s3+s15], $0x10, s9, s15, $0xb8;
	[tilespmem:$0x17200] =	vst v63  }
0xc2: {  	_ = 	snop  }
0xc3: {  	[tilespmem:s16], [sflag:$0x1] =	stream.indirect.gather [hbm4b:s3+s15], $0x10, s14, s15, $0xb8;
	[tilespmem:$0x17200] =	vst v63  }
0xc4: {  	_ = 	snop  }
0xc5: {  	[tilespmem:s18], [sflag:$0x1] =	stream.indirect.gather [hbm4b:s3+s15], $0x10, s17, s15, $0xb8;
	[tilespmem:$0x17200] =	vst v63  }
0xc6: {  	_ = 	snop  }
0xc7: {  	[tilespmem:s20], [sflag:$0x1] =	stream.indirect.gather [hbm4b:s3+s15], $0x10, s19, s15, $0xb8;
	[tilespmem:$0x17200] =	vst v63  }
0xc8: {  	_ = 	snop  }
0xc9: {  	[tilespmem:s22], [sflag:$0x1] =	stream.indirect.gather [hbm4b:s3+s15], $0x10, s21, s15, $0xb8;
	[tilespmem:$0x17200] =	vst v63  }
0xca: {  	_ = 	snop  }
0xcb: {  	[tilespmem:s24], [sflag:$0x1] =	stream.indirect.gather [hbm4b:s3+s15], $0x10, s23, s15, $0xb8;
	[tilespmem:$0x17200] =	vst v63  }
0xcc: {  	_ =	swait.ge [sflag:s25], $0x800  }
0xcd: {  	[sflag:s25] =	ssyncset.done $0x0  }
0xce: {  	[sflag:s25] =	ssyncadd.s32 $0xFFFFF800  }
0xcf: {  	_ =	swait.ge [sflag:s25], $0x800  }
0xd0: {  	[sflag:s25] =	ssyncset.done $0x0  }
0xd1: {  	[sflag:s25] =	ssyncadd.s32 $0xFFFFF800  }
0xd2: {  	_ =	swait.ge [sflag:s25], $0x800  }
0xd3: {  	[sflag:s25] =	ssyncset.done $0x0  }
0xd4: {  	[sflag:s25] =	ssyncadd.s32 $0xFFFFF800  }
0xd5: {  	_ =	swait.ge [sflag:s25], $0x800  }
0xd6: {  	[sflag:s25] =	ssyncset.done $0x0  }
0xd7: {  	[sflag:s25] =	ssyncadd.s32 $0xFFFFF800  }
0xd8: {  	_ =	swait.ge [sflag:s25], $0x800  }
0xd9: {  	[sflag:s25] =	ssyncset.done $0x0  }
0xda: {  	[sflag:s25] =	ssyncadd.s32 $0xFFFFF800  }
0xdb: {  	_ =	swait.ge [sflag:s25], $0x800  }
0xdc: {  	[sflag:s25] =	ssyncset.done $0x0  }
0xdd: {  	[sflag:s25] =	ssyncadd.s32 $0xFFFFF800  }
0xde: {  	_ =	swait.ge [sflag:s25], $0x800  }
0xdf: {  	[sflag:s25] =	ssyncset.done $0x0  }
0xe0: {  	[sflag:s25] =	ssyncadd.s32 $0xFFFFF800  }
0xe1: {  	_ =	swait.ge [sflag:s25], $0x800  }
0xe2: {  	[sflag:s25] =	ssyncset.done $0x0  }
0xe3: {  	[sflag:s25] =	ssyncadd.s32 $0xFFFFF800  }
0xe4: {  	_ =	swait.ge [sflag:s25], $0x800  }
0xe5: {  	[sflag:s25] =	ssyncset.done $0x0  }
0xe6: {  	[sflag:s25] =	ssyncadd.s32 $0xFFFFF800  }
0xe7: {  	_ =	swait.ge [sflag:s25], $0x800  }
0xe8: {  	[sflag:s25] =	ssyncset.done $0x0  }
0xe9: {  	[sflag:s25] =	ssyncadd.s32 $0xFFFFF800  }
0xea: {  	_ =	swait.ge [sflag:s25], $0x800  }
0xeb: {  	[sflag:s25] =	ssyncset.done $0x0  }
0xec: {  	[sflag:s25] =	ssyncadd.s32 $0xFFFFF800  }
0xed: {  	_ =	swait.ge [sflag:s25], $0x800  }
0xee: {  	[sflag:s25] =	ssyncset.done $0x0  }
0xef: {  	[sflag:s25] =	ssyncadd.s32 $0xFFFFF800  }
0xf0: {  	_ =	swait.ge [sflag:s25], $0x800  }
0xf1: {  	[sflag:s25] =	ssyncset.done $0x0  }
0xf2: {  	[sflag:s25] =	ssyncadd.s32 $0xFFFFF800  }
0xf3: {  	_ =	swait.ge [sflag:s25], $0x800  }
0xf4: {  	[sflag:s25] =	ssyncset.done $0x0  }
0xf5: {  	[sflag:s25] =	ssyncadd.s32 $0xFFFFF800  }
0xf6: {  	_ =	swait.ge [sflag:s25], $0x800  }
0xf7: {  	[sflag:s25] =	ssyncset.done $0x0  }
0xf8: {  	[sflag:s25] =	ssyncadd.s32 $0xFFFFF800  }
0xf9: {  	_ =	swait.ge [sflag:s25], $0x800  }
0xfa: {  	[sflag:s25] =	ssyncset.done $0x0  }
0xfb: {  	[sflag:s25] =	ssyncadd.s32 $0xFFFFF800  }
0xfc: {  	_ =	swait.ge [sflag:s25], $0x800  }
0xfd: {  	[sflag:s25] =	ssyncset.done $0x0  }
0xfe: {  	[sflag:s25] =	ssyncadd.s32 $0xFFFFF800  }
0xff: {  	_ =	swait.ge [sflag:s25], $0x800  }
0x100: {  	[sflag:s25] =	ssyncset.done $0x0  }
0x101: {  	[sflag:s25] =	ssyncadd.s32 $0xFFFFF800  }
0x102: {  	_ =	swait.ge [sflag:s25], $0x800  }
0x103: {  	[sflag:s25] =	ssyncset.done $0x0  }
0x104: {  	[sflag:s25] =	ssyncadd.s32 $0xFFFFF800  }
0x105: {  	_ =	swait.ge [sflag:s25], $0x800  }
0x106: {  	p0 =	seq.s32 s31, $0x0;
	p1 =	seq.s32 s31, $0x15180;
	[sflag:s25] =	ssyncset.done $0x0  }
.Ltmp4:
0x107: {  	s7 =	simm.s32 @!p0 $0x2;
	[sflag:s25] =	ssyncadd.s32 $0xFFFFF800;
	(pc) =	sbr.rel @p1 .LBB2_4-.Ltmp4, $4  }
0x108: {  	_ =	swait.ge @!p0 [sflag:s7], $0x500  }
0x109: {  	[sflag:s7] =	ssyncset.done @!p0 $0x0  }
0x10a: {  	[sflag:s7] =	ssyncadd.s32 @!p0 $0xFFFFFB00  }
0x10b: {  	[hbm4b:s30+s2] =	stream.linear.scatter [tilespmem:s26], [sflag:$0x2], $0x500, $0x38;
	[tilespmem:$0x17200] =	vst v63  }
0x10c: {  	s8 =	rddreg [dreg:$0x6]  }
0x10d: {  	s8 =	sadd.s32 s31, s8  }
0x10e: {  	[tilespmem:s2], [sflag:$0x3] =	stream.linear.gather [hbm4b:s8+s2], $0xA00, $0x38;
	[tilespmem:$0x17200] =	vst v63  }
0x10f: {  	_ =	swait.ge [sflag:s13], $0xA00  }
0x110: {  	[sflag:s13] =	ssyncset.done $0x0;
	s1 =	rddreg [dreg:$0x7]  }
0x111: {  	[sflag:s13] =	ssyncadd.s32 $0xFFFFF600;
	s8 =	sadd.s32 s31, s1;
	s1 =	simm.s32 $0x1400  }
0x112: {  	[tilespmem:s1], [sflag:$0x3] =	stream.linear.gather [hbm4b:s8+s2], $0xA00, $0x38;
	[tilespmem:$0x17200] =	vst v63  }
0x113: {  	_ =	swait.ge [sflag:s13], $0xA00  }
0x114: {  	[sflag:s13] =	ssyncset.done $0x0  }
0x115: {  	s8 =	simm.s32 $0x2800;
	[sflag:s13] =	ssyncadd.s32 $0xFFFFF600  }
0x116: {  	[tilespmem:s8], [sflag:$0x1] =	stream.indirect.gather [hbm4b:s3+s15], $0x10, s2, s15, $0xb8;
	[tilespmem:$0x17200] =	vst v63  }
0x117: {  	s8 =	simm.s32 $0x3000  }
0x118: {  	[tilespmem:s8], [sflag:$0x1] =	stream.indirect.gather [hbm4b:s3+s15], $0x10, s15, s15, $0xb8;
	[tilespmem:$0x17200] =	vst v63  }
0x119: {  	s1 =	simm.s32 $0x100;
	s8 =	simm.s32 $0x3800  }
0x11a: {  	[tilespmem:s8], [sflag:$0x1] =	stream.indirect.gather [hbm4b:s3+s15], $0x10, s1, s15, $0xb8;
	[tilespmem:$0x17200] =	vst v63  }
0x11b: {  	s1 =	simm.s32 $0x180;
	s8 =	simm.s32 $0x4000  }
0x11c: {  	[tilespmem:s8], [sflag:$0x1] =	stream.indirect.gather [hbm4b:s3+s15], $0x10, s1, s15, $0xb8;
	[tilespmem:$0x17200] =	vst v63  }
0x11d: {  	s1 =	simm.s32 $0x200;
	s8 =	simm.s32 $0x4800  }
0x11e: {  	[tilespmem:s8], [sflag:$0x1] =	stream.indirect.gather [hbm4b:s3+s15], $0x10, s1, s15, $0xb8;
	[tilespmem:$0x17200] =	vst v63  }
0x11f: {  	s1 =	simm.s32 $0x280;
	s8 =	simm.s32 $0x5000  }
0x120: {  	[tilespmem:s8], [sflag:$0x1] =	stream.indirect.gather [hbm4b:s3+s15], $0x10, s1, s15, $0xb8;
	[tilespmem:$0x17200] =	vst v63  }
0x121: {  	s1 =	simm.s32 $0x300;
	s8 =	simm.s32 $0x5800  }
0x122: {  	[tilespmem:s8], [sflag:$0x1] =	stream.indirect.gather [hbm4b:s3+s15], $0x10, s1, s15, $0xb8;
	[tilespmem:$0x17200] =	vst v63  }
0x123: {  	s1 =	simm.s32 $0x380;
	s8 =	simm.s32 $0x6000  }
0x124: {  	[tilespmem:s8], [sflag:$0x1] =	stream.indirect.gather [hbm4b:s3+s15], $0x10, s1, s15, $0xb8;
	[tilespmem:$0x17200] =	vst v63  }
0x125: {  	s1 =	simm.s32 $0x400;
	s8 =	simm.s32 $0x6800  }
0x126: {  	[tilespmem:s8], [sflag:$0x1] =	stream.indirect.gather [hbm4b:s3+s15], $0x10, s1, s15, $0xb8;
	[tilespmem:$0x17200] =	vst v63  }
0x127: {  	s1 =	simm.s32 $0x480;
	s8 =	simm.s32 $0x7000  }
0x128: {  	[tilespmem:s8], [sflag:$0x1] =	stream.indirect.gather [hbm4b:s3+s15], $0x10, s1, s15, $0xb8;
	[tilespmem:$0x17200] =	vst v63  }
0x129: {  	s1 =	simm.s32 $0x500;
	s8 =	simm.s32 $0x7800  }
0x12a: {  	[tilespmem:s8], [sflag:$0x1] =	stream.indirect.gather [hbm4b:s3+s15], $0x10, s1, s15, $0xb8;
	[tilespmem:$0x17200] =	vst v63  }
0x12b: {  	s1 =	simm.s32 $0x580;
	s8 =	simm.s32 $0x8000  }
0x12c: {  	[tilespmem:s8], [sflag:$0x1] =	stream.indirect.gather [hbm4b:s3+s15], $0x10, s1, s15, $0xb8;
	[tilespmem:$0x17200] =	vst v63  }
0x12d: {  	s1 =	simm.s32 $0x600;
	s8 =	simm.s32 $0x8800  }
0x12e: {  	[tilespmem:s8], [sflag:$0x1] =	stream.indirect.gather [hbm4b:s3+s15], $0x10, s1, s15, $0xb8;
	[tilespmem:$0x17200] =	vst v63  }
0x12f: {  	s1 =	simm.s32 $0x680;
	s8 =	simm.s32 $0x9000  }
0x130: {  	[tilespmem:s8], [sflag:$0x1] =	stream.indirect.gather [hbm4b:s3+s15], $0x10, s1, s15, $0xb8;
	[tilespmem:$0x17200] =	vst v63  }
0x131: {  	s1 =	simm.s32 $0x700;
	s8 =	simm.s32 $0x9800  }
0x132: {  	[tilespmem:s8], [sflag:$0x1] =	stream.indirect.gather [hbm4b:s3+s15], $0x10, s1, s15, $0xb8;
	[tilespmem:$0x17200] =	vst v63  }
0x133: {  	s1 =	simm.s32 $0x780;
	s8 =	simm.s32 $0xA000  }
0x134: {  	[tilespmem:s8], [sflag:$0x1] =	stream.indirect.gather [hbm4b:s3+s15], $0x10, s1, s15, $0xb8;
	[tilespmem:$0x17200] =	vst v63  }
0x135: {  	s1 =	simm.s32 $0x800;
	s8 =	simm.s32 $0xA800  }
0x136: {  	[tilespmem:s8], [sflag:$0x1] =	stream.indirect.gather [hbm4b:s3+s15], $0x10, s1, s15, $0xb8;
	[tilespmem:$0x17200] =	vst v63  }
0x137: {  	s1 =	simm.s32 $0x880;
	s8 =	simm.s32 $0xB000  }
0x138: {  	[tilespmem:s8], [sflag:$0x1] =	stream.indirect.gather [hbm4b:s3+s15], $0x10, s1, s15, $0xb8;
	[tilespmem:$0x17200] =	vst v63  }
.Ltmp5:
0x139: {  	s1 =	simm.s32 $0x900;
	s8 =	simm.s32 $0xB800;
	(pc) =	sbr.rel .LBB2_4-.Ltmp5, $4  }
0x13a: {  	[tilespmem:s8], [sflag:$0x1] =	stream.indirect.gather [hbm4b:s3+s15], $0x10, s1, s15, $0xb8;
	[tilespmem:$0x17200] =	vst v63  }
0x13b: {  	s1 =	simm.s32 $0x980;
	s8 =	simm.s32 $0xC000  }
0x13c: {  	[tilespmem:s8], [sflag:$0x1] =	stream.indirect.gather [hbm4b:s3+s15], $0x10, s1, s15, $0xb8;
	[tilespmem:$0x17200] =	vst v63  }
0x13d: {  	s8 =	simm.s32 $0x1E00  }
.LBB2_6:
0x13e: {  	_ =	sfence.sel $0x180000  }
0x13f: {  	[bflag:$0x0] =	sbarrier.arrive $0xFFFF  }
0x140: {  	_ =	strace $0x9000004D  }
0x141: {  	s0 =	stileid.u32;
	[bflag:$0x2] =	sbarrier.arrive $0xFFFF  }
0x142: {  	p0 =	sne.s32 s0, $0x0;
	s0 =	rddreg [dreg:$0x2]  }
0x143: {  	s0 =	sadd.s32 @!p0 $0x100000, s0  }
0x144: {  	[sflag:s0] =	ssyncadd.tile.s32 @!p0 $0x1;
	_ =	shalt  }
.Lfunc_end2:
_tile_overlayer_lowered:
.L_overlay_start_2:
0x145: {  	(tag) =	ssettag $0x2  }
0x146: {  	s0 =	rddreg [dreg:$0x0];
	s2 =	stileid.u32  }
0x147: {  	s1 =	rddreg [dreg:$0x1];
	p0 =	sne.s32 s2, $0x0  }
0x148: {  	s3 =	rddreg [dreg:$0x2];
	[bflag:$0x3] =	sbarrier.arrive $0xFFFF;
	s2 =	simm.s32 @!p0 $0x1C03  }
0x149: {  	[timem:s3], [sflag:s2] =	dma.local @!p0 [hbm:s0], s1  }
0x14a: {  	s0 =	simm.s32 @!p0 $0x3  }
0x14b: {  	_ =	swait.ge @!p0 [sflag:s0], s1  }
0x14c: {  	s1 =	ssub.s32 @!p0 $0x0, s1;
	[sflag:s0] =	ssyncset.done @!p0 $0x0  }
0x14d: {  	[sflag:s0] =	ssyncadd.s32 @!p0 s1  }
0x14e: {  	[bflag:$0x3] =	sbarrier.arrive $0xFFFF  }
0x14f: {  	_ =	shalt  }

// kernel: sparse-core-data-format-call.1.cloned.1.call-start
scs
called_computation.1_lowered:
.L_overlay_start_0:
0x0: {  	s1 =	sld [smem:$0x3FD9]  }
0x1: {  	s2 =	sld [smem:$0x3FFE];
	_ =	sdelay $0x1  }
0x2: {  	s3 =	srdreg.scid  }
0x3: {  	s0 =	sand.u32 $0x1, s3  }
0x4: {  	s17 =	sshll.u32 s0, $0xA;
	s1 =	sadd.s32 s2, s1  }
0x5: {  	s1 =	sadd.s32 s1, s17  }
0x6: {  	[smem:$0x3FBD] =	sst s1  }
0x7: {  	_ = 	snop  }
0x8: {  	(tm) =	ssettm $0x1  }
0x9: {  	s18 =	sld [smem:$0x3FFB];
	_ =	sdelay $0x3  }
0xa: {  	_ =	strace s18  }
0xb: {  	s1 =	sld [smem:$0x3FFC];
	_ =	sdelay $0x3  }
0xc: {  	_ =	strace s1  }
0xd: {  	s1 =	sld [smem:$0x3FFD];
	_ =	sdelay $0x3  }
0xe: {  	_ =	strace s1  }
0xf: {  	_ =	strace $0x8FFFFFFF  }
0x10: {  	s19 =	sld [smem:$0x3FDB];
	_ =	sdelay $0x1  }
0x11: {  	s20 =	simm.s32 $_scs_section_size  }
0x12: {  	s4 =	simm.s32 $_size__tile_overlayer_lowered;
	s5 =	simm.s32 $_tile_overlayer_lowered  }
0x13: {  	s23 =	simm.s32 $0x1BFF;
	s22 =	sshll.u32 s5, $0x1;
	s1 =	sadd.s32 s20, s19  }
0x14: {  	s6 =	simm.s32 $0x0;
	s21 =	sshll.u32 s4, $0x1;
	s4 =	sadd.s32 s22, s1  }
0x15: {  	[timem:s6], [sflag:s23] =	dma.local [hbm:s4], s21  }
0x16: {  	_ =	swait.ge [sflag:s23], s21  }
0x17: {  	s2 =	ssub.s32 $0x0, s21;
	[sflag:s23] =	ssyncset.done $0x0  }
0x18: {  	[sflag:s23] =	ssyncadd.s32 s2;
	_ =	sdelay $0x1  }
0x19: {  	s24 =	simm.s32 $0x1B8B  }
0x1a: {  	_ =	swait.ge [sflag:s24], $0x1  }
0x1b: {  	[sflag:s24] =	ssyncset.done $0x0  }
0x1c: {  	s26 =	simm.s32 $0x1B8E;
	s25 =	sld [smem:$0x3FFE];
	[sflag:s24] =	ssyncadd.s32 $0xFFFFFFFF  }
0x1d: {  	s27 =	simm.s32 $execute0_lowered;
	[smem:$0x3FD2] =	sst s26  }
0x1e: {  	s4 =	sshll.u32 s27, $0x1;
	_ =	strace $0x80000046;
	[dreg:$0x1] =	wrdreg $0xFFFFFFFF  }
0x1f: {  	s28 =	simm.s32 $_size_execute0_lowered;
	s1 =	sadd.s32 s1, s4;
	[dreg:$0x0] =	wrdreg $0x0  }
0x20: {  	s4 =	sshll.u32 s28, $0x1;
	[dreg:$0x2] =	wrdreg s1  }
0x21: {  	[dreg:$0x3] =	wrdreg s4  }
0x22: {  	[dreg:$0x4] =	wrdreg $0xC0  }
0x23: {  	_ =	task [dreg:s6], $0x5FFFF  }
0x24: {  	[dreg:$0x1] =	wrdreg $0xFFFFFFFF  }
0x25: {  	[dreg:$0x0] =	wrdreg $0x60  }
0x26: {  	[dreg:$0x2] =	wrdreg s25  }
0x27: {  	[dreg:$0x3] =	wrdreg $0xA  }
0x28: {  	_ =	task.clear_ibuf [dreg:s6], $0x4FFFF;
	_ =	strace $0x90000046  }
0x29: {  	s29 =	simm.s32 $0xA;
	_ =	strace $0x80000048  }
0x2a: {  	_ =	swait.ge [sflag:s29], $0x1  }
0x2b: {  	[sflag:s29] =	ssyncadd.s32 $0xFFFFFFFF  }
0x2c: {  	_ =	strace $0x90000048  }
0x2d: {  	_ =	sfence  }
0x2e: {  	s30 =	sld [smem:$0x0];
	_ =	sdelay $0x2  }
0x2f: {  	s31 =	sshll.u32 s3, $0xD;
	s3 =	sshrl.u32 s3, $0x2  }
0x30: {  	s2 =	sand.u32 $0x4000, s31;
	s1 =	sadd.s32 s3, s30  }
0x31: {  	s0 =	sor.u32 s2, s0;
	s1 =	sshll.u32 s1, $0x11  }
0x32: {  	s0 =	sor.u32 s1, s0  }
0x33: {  	s0 =	sadd.s32 $0x8F2B, s0  }
0x34: {  	[sflag:s0] =	ssyncadd.remote.s32 $0x1  }
0x35: {  	_ =	sfence.sel $0xFFFF  }
0x36: {  	[dreg:$0x0] =	wrdreg $0xFFFFFFFF;
	(pc) =	sbr.abs _section_cstart, $3  }
0x37: {  	[dreg:$0x1] =	wrdreg $0xFFFFFFFF  }
0x38: {  	_ =	task.clear_ibuf [dreg:s6], $0x2FFFF;
	_ =	strace $0x9FFFFFFF  }
0x39: {  	(tm) =	ssettm $0x7FFFFFFF  }
tec
execute0_lowered:
.L_overlay_start_1:
0x0: {  	(tag) =	ssettag $0x1  }
0x1: {  	s0 =	srdreg.scid  }
0x2: {  	s1 =	sshll.u32 s0, $0x4  }
0x3: {  	s4 =	rddreg [dreg:$0x0];
	s0 =	stileid.u32;
	s1 =	sand.u32 $0x10, s1  }
0x4: {  	s7 =	simm.s32 $0x1;
	s8 =	simm.s32 $0x2;
	s1 =	sor.u32 s0, s1  }
0x5: {  	s9 =	simm.s32 $0x0;
	s12 =	simm.s32 $0x0;
	s2 =	sshll.u32 s1, $0x2  }
0x6: {  	s11 =	simm.s32 $0x0;
	s3 =	sadd.s32 $0xACA00, s4;
	s6 =	ssub.s32 $0x1540, s2  }
.Ltmp0:
0x7: {  	s4 =	sadd.s32 $0x6A6A00, s4;
	s5 =	sand.u32 $0x7C, s6;
	(pc) =	sbr.rel .LBB1_1-.Ltmp0, $4  }
0x8: {  	s1 =	rddreg [dreg:$0x1];
	_ =	strace $0x80000047;
	p0 =	sne.s32 s5, $0x0  }
0x9: {  	s6 =	sshrl.u32 s6, $0x7;
	s5 =	simm.s32 $0x1;
	s7 =	simm.s32 @!p0 $0x0  }
0xa: {  	s10 =	smov.u32 s2;
	[sflag:s5] =	ssyncpa.u1 $0x0;
	s6 =	sadd.s32 s7, s6  }
0xb: {  	[sflag:s8] =	ssyncpa.u1 $0x0;
	s8 =	simm.s32 $0x0;
	s7 =	sadd.s32 $0x1, s6  }
.LBB1_9:
0xc: {  	s14 =	sadd.s32 $0x80, s10  }
0xd: {  	p1 =	sgt.s32 s14, $0x153F  }
0xe: {  	s14 =	smov.u32 @p1 s2;
	p1 =	sne.s32 s11, s7  }
.Ltmp1:
0xf: {  	p0 =	slt.u32 s11, $0x2;
	(pc) =	sbr.rel @!p1 .LBB1_10-.Ltmp1, $4  }
0x10: {  	s13 =	simm.s32 @!p0 $0x2  }
0x11: {  	s15 =	sadd.s32 $0x1, s11;
	_ =	swait.ge @!p0 [sflag:s13], $0x4000  }
0x12: {  	s12 =	smov.u32 s10;
	s9 =	sadd.s32 $0x4000, s9;
	[sflag:s13] =	ssyncset.done @!p0 $0x0  }
0x13: {  	s11 =	smov.u32 s15;
	s10 =	smov.u32 s14;
	[sflag:s13] =	ssyncadd.s32 @!p0 $0xFFFFC000  }
.LBB1_1:
0x14: {  	p0 =	sge.u32 s11, s6  }
0x15: {  	s13 =	sxor.u32 @!p0 $0xFFFFFFFF, s11  }
0x16: {  	s31 =	sadd.s32 $0xFFFFFFFF, s11;
	s14 =	sshll.u32 @!p0 s10, $0x9;
	s13 =	sshll.u32 @!p0 s13, $0xE  }
0x17: {  	s15 =	simm.s32 @!p0 $0x0;
	s14 =	sadd.s32 @!p0 s3, s14;
	s13 =	sand.u32 @!p0 $0x4000, s13  }
0x18: {  	[tilespmem:s13], [sflag:$0x1] =	stream.linear.gather @!p0 [hbm4b:s14+s15], $0x4000, $0x38;
	[tilespmem:$0x10000] =	vst v63  }
0x19: {  	p0 =	sge.u32 s31, s6  }
.Ltmp2:
0x1a: {  	_ = 	snop;
	(pc) =	sbr.rel @p0 .LBB1_9-.Ltmp2, $1  }
0x1b: {  	_ =	sdelay $0x3  }
0x1c: {  	s14 =	sand.u32 $0x4000, s9  }
0x1d: {  	_ =	swait.ge [sflag:s5], $0x4000;
	s15 =	sshll.u32 s11, $0xE;
	s16 =	simm.s32 $0x0  }
0x1e: {  	s13 =	sor.u32 $0x40, s14;
	[sflag:s5] =	ssyncset.done $0x0;
	s15 =	sand.u32 $0x4000, s15  }
0x1f: {  	s14 =	sor.u32 $0x8040, s14;
	[sflag:s5] =	ssyncadd.s32 $0xFFFFC000;
	s15 =	sor.u32 $0x8000, s15  }
.LBB1_3:
0x20: {  	s17 =	smov.u32 s14;
	s18 =	smov.u32 s13;
	s19 =	simm.s32 $0x0  }
.LBB1_4:
0x21: {  	v0 =	vmov s17;
	v2 =	vld [tilespmem:s18+$0x30]  }
0x22: {  	v4 =	vld [tilespmem:s18+$0xFFFFFFD0]  }
0x23: {  	v6 =	vld [tilespmem:s18+$0xFFFFFFE0]  }
0x24: {  	v7 =	vld [tilespmem:s18+$0xFFFFFFF0]  }
0x25: {  	s20 =	simm.s32 $0x0;
	v1 =	vld [tilespmem:s18+$0x0]  }
0x26: {  	v3 =	vld [tilespmem:s18+$0x10];
	[tilespmem:v0+s20+$0x30 ss:$0x1] =	vst.idx.msk $0xffff, v2  }
0x27: {  	v5 =	vld [tilespmem:s18+$0x20];
	[tilespmem:v0+s20+$0xFFFFFFD0 ss:$0x1] =	vst.idx.msk $0xffff, v4  }
0x28: {  	s21 =	sadd.s32 $0x80, s18;
	v2 =	vld [tilespmem:s18+$0xFFFFFFC0];
	[tilespmem:v0+s20+$0xFFFFFFE0 ss:$0x1] =	vst.idx.msk $0xffff, v6  }
0x29: {  	s22 =	simm.s32 $0x800;
	s23 =	simm.s32 $0x1000;
	v4 =	vld [tilespmem:s21+$0x30];
	[tilespmem:v0+s20+$0xFFFFFFF0 ss:$0x1] =	vst.idx.msk $0xffff, v7  }
.LBB1_5:
0x2a: {  	p0 =	sne.s32 s23, $0x3800;
	v6 =	vld [tilespmem:s21+$0xFFFFFFD0];
	[tilespmem:v0+s20+$0x0 ss:$0x1] =	vst.idx.msk $0xffff, v1  }
0x2b: {  	v7 =	vld [tilespmem:s21+$0xFFFFFFE0];
	[tilespmem:v0+s20+$0x10 ss:$0x1] =	vst.idx.msk $0xffff, v3  }
0x2c: {  	v8 =	vld [tilespmem:s21+$0xFFFFFFF0];
	[tilespmem:v0+s20+$0x20 ss:$0x1] =	vst.idx.msk $0xffff, v5  }
.Ltmp3:
0x2d: {  	v1 =	vld [tilespmem:s21+$0x0];
	[tilespmem:v0+s20+$0xFFFFFFC0 ss:$0x1] =	vst.idx.msk $0xffff, v2;
	s20 =	sshra.s32 s22, $0x2;
	s22 =	smov.u32 s23;
	(pc) =	sbr.rel @p0 .LBB1_5-.Ltmp3, $4  }
0x2e: {  	v3 =	vld [tilespmem:s21+$0x10];
	[tilespmem:v0+s20+$0x30 ss:$0x1] =	vst.idx.msk $0xffff, v4  }
0x2f: {  	[tilespmem:v0+s20+$0xFFFFFFD0 ss:$0x1] =	vst.idx.msk $0xffff, v6;
	v5 =	vld [tilespmem:s21+$0x20]  }
0x30: {  	v2 =	vld [tilespmem:s21+$0xFFFFFFC0];
	[tilespmem:v0+s20+$0xFFFFFFE0 ss:$0x1] =	vst.idx.msk $0xffff, v7;
	s21 =	sadd.s32 $0x80, s21  }
0x31: {  	s23 =	sadd.s32 $0x800, s23;
	v4 =	vld [tilespmem:s21+$0x30];
	[tilespmem:v0+s20+$0xFFFFFFF0 ss:$0x1] =	vst.idx.msk $0xffff, v8  }
0x32: {  	_ =	sdelay $0x3  }
0x33: {  	v6 =	vld [tilespmem:s21+$0xFFFFFFD0];
	[tilespmem:v0+s20+$0x0 ss:$0x1] =	vst.idx.msk $0xffff, v1  }
0x34: {  	v58 =	vld [tilespmem:s21+$0xFFFFFFE0];
	[tilespmem:v0+s20+$0x10 ss:$0x1] =	vst.idx.msk $0xffff, v3  }
0x35: {  	v59 =	vld [tilespmem:s21+$0xFFFFFFF0];
	[tilespmem:v0+s20+$0x20 ss:$0x1] =	vst.idx.msk $0xffff, v5  }
0x36: {  	s22 =	sshra.s32 s22, $0x2;
	v60 =	vld [tilespmem:s21+$0x0];
	[tilespmem:v0+s20+$0xFFFFFFC0 ss:$0x1] =	vst.idx.msk $0xffff, v2  }
0x37: {  	v61 =	vld [tilespmem:s21+$0x10];
	[tilespmem:v0+s22+$0x30 ss:$0x1] =	vst.idx.msk $0xffff, v4  }
0x38: {  	v62 =	vld [tilespmem:s21+$0x20];
	s19 =	sadd.s32 $0x1, s19;
	[tilespmem:v0+s22+$0xFFFFFFD0 ss:$0x1] =	vst.idx.msk $0xffff, v6  }
0x39: {  	v63 =	vld [tilespmem:s21+$0xFFFFFFC0];
	p0 =	sne.s32 s19, $0x4;
	[tilespmem:v0+s22+$0xFFFFFFE0 ss:$0x1] =	vst.idx.msk $0xffff, v58  }
.Ltmp4:
0x3a: {  	[tilespmem:v0+s22+$0xFFFFFFF0 ss:$0x1] =	vst.idx.msk $0xffff, v59;
	(pc) =	sbr.rel @p0 .LBB1_4-.Ltmp4, $4  }
0x3b: {  	[tilespmem:v0+s22+$0x0 ss:$0x1] =	vst.idx.msk $0xffff, v60  }
0x3c: {  	[tilespmem:v0+s22+$0x10 ss:$0x1] =	vst.idx.msk $0xffff, v61  }
0x3d: {  	[tilespmem:v0+s22+$0x20 ss:$0x1] =	vst.idx.msk $0xffff, v62  }
0x3e: {  	s18 =	sadd.s32 $0x400, s18;
	s17 =	sadd.s32 $0x80, s17;
	[tilespmem:v0+s22+$0xFFFFFFC0 ss:$0x1] =	vst.idx.msk $0xffff, v63  }
0x3f: {  	s16 =	sadd.s32 $0x1, s16  }
0x40: {  	p0 =	sne.s32 s16, $0x4  }
.Ltmp5:
0x41: {  	_ = 	snop;
	(pc) =	sbr.rel @p0 .LBB1_3-.Ltmp5, $2  }
0x42: {  	_ =	sdelay $0x2  }
0x43: {  	s13 =	sadd.s32 $0x1000, s13;
	s14 =	sadd.s32 $0x1000, s14  }
.Ltmp6:
0x44: {  	(pc) =	sbr.rel .LBB1_9-.Ltmp6, $4  }
0x45: {  	_ = 	snop  }
0x46: {  	s12 =	sshll.u32 s12, $0x9  }
0x47: {  	s12 =	sadd.s32 s4, s12  }
0x48: {  	[hbm4b:s12+s8] =	stream.linear.scatter [tilespmem:s15], [sflag:$0x2], $0x4000, $0x38;
	[tilespmem:$0x10000] =	vst v63  }
.LBB1_10:
0x49: {  	_ =	sfence.sel $0x180000  }
0x4a: {  	s2 =	simm.s32 $0x1;
	[bflag:$0x0] =	sbarrier.arrive $0xFFFF  }
0x4b: {  	s31 =	simm.s32 $0x2;
	[sflag:s2] =	ssyncpa.u1 $0x1  }
0x4c: {  	[sflag:s31] =	ssyncpa.u1 $0x1  }
0x4d: {  	p0 =	sne.s32 s0, $0x0;
	_ =	strace $0x90000047  }
0x4e: {  	s0 =	sadd.s32 @!p0 $0x100000, s1;
	[bflag:$0x2] =	sbarrier.arrive $0xFFFF  }
0x4f: {  	[sflag:s0] =	ssyncadd.tile.s32 @!p0 $0x1;
	_ =	shalt  }
.Lfunc_end1:
_tile_overlayer_lowered:
.L_overlay_start_2:
0x50: {  	(tag) =	ssettag $0x2  }
0x51: {  	s0 =	rddreg [dreg:$0x0];
	s2 =	stileid.u32  }
0x52: {  	s1 =	rddreg [dreg:$0x1];
	p0 =	sne.s32 s2, $0x0  }
0x53: {  	s3 =	rddreg [dreg:$0x2];
	[bflag:$0x3] =	sbarrier.arrive $0xFFFF;
	s2 =	simm.s32 @!p0 $0x1C01  }
0x54: {  	[timem:s3], [sflag:s2] =	dma.local @!p0 [hbm:s0], s1  }
0x55: {  	s0 =	simm.s32 @!p0 $0x1  }
0x56: {  	_ =	swait.ge @!p0 [sflag:s0], s1  }
0x57: {  	s1 =	ssub.s32 @!p0 $0x0, s1;
	[sflag:s0] =	ssyncset.done @!p0 $0x0  }
0x58: {  	[sflag:s0] =	ssyncadd.s32 @!p0 s1  }
0x59: {  	[bflag:$0x3] =	sbarrier.arrive $0xFFFF  }
0x5a: {  	_ =	shalt  }

// kernel: sparse-core-data-format-call.cloned.1.call-start
scs
called_computation_lowered:
.L_overlay_start_0:
0x0: {  	s2 =	sld [smem:$0x3FD9]  }
0x1: {  	s3 =	sld [smem:$0x3FFE];
	_ =	sdelay $0x1  }
0x2: {  	s1 =	srdreg.scid  }
0x3: {  	s0 =	sand.u32 $0x1, s1  }
0x4: {  	s18 =	sshll.u32 s0, $0xA;
	s2 =	sadd.s32 s3, s2  }
0x5: {  	s2 =	sadd.s32 s2, s18  }
0x6: {  	[smem:$0x3FBD] =	sst s2  }
0x7: {  	_ = 	snop  }
0x8: {  	(tm) =	ssettm $0x1  }
0x9: {  	s19 =	sld [smem:$0x3FFB];
	_ =	sdelay $0x3  }
0xa: {  	_ =	strace s19  }
0xb: {  	s2 =	sld [smem:$0x3FFC];
	_ =	sdelay $0x3  }
0xc: {  	_ =	strace s2  }
0xd: {  	s2 =	sld [smem:$0x3FFD];
	_ =	sdelay $0x3  }
0xe: {  	_ =	strace s2  }
0xf: {  	_ =	strace $0x8FFFFFFF  }
0x10: {  	s20 =	sld [smem:$0x3FDB];
	_ =	sdelay $0x1  }
0x11: {  	s21 =	simm.s32 $_scs_section_size  }
0x12: {  	s4 =	simm.s32 $_size__tile_overlayer_lowered;
	s5 =	simm.s32 $_tile_overlayer_lowered  }
0x13: {  	s6 =	simm.s32 $0x1BFF;
	s22 =	sshll.u32 s5, $0x1;
	s3 =	sadd.s32 s21, s20  }
0x14: {  	s23 =	simm.s32 $0x0;
	s4 =	sshll.u32 s4, $0x1;
	s5 =	sadd.s32 s22, s3  }
0x15: {  	[timem:s23], [sflag:s6] =	dma.local [hbm:s5], s4  }
0x16: {  	_ =	swait.ge [sflag:s6], s4  }
0x17: {  	s4 =	ssub.s32 $0x0, s4;
	[sflag:s6] =	ssyncset.done $0x0  }
0x18: {  	[sflag:s6] =	ssyncadd.s32 s4;
	_ =	sdelay $0x1  }
0x19: {  	s24 =	simm.s32 $0x1B8B  }
0x1a: {  	_ =	swait.ge [sflag:s24], $0x1  }
0x1b: {  	[sflag:s24] =	ssyncset.done $0x0  }
0x1c: {  	[sflag:s24] =	ssyncadd.s32 $0xFFFFFFFF  }
0x1d: {  	s4 =	sld [smem:$0x0]  }
0x1e: {  	s5 =	sand.u32 $0xFFFFFFFE, s1  }
0x1f: {  	p0 =	sne.s32 s1, s5  }
0x20: {  	s5 =	sshll.u32 @p0 s5, $0xE  }
0x21: {  	s5 =	sadd.s32 @p0 $0x11B8D, s5;
	s6 =	sshll.u32 @p0 s4, $0x11  }
0x22: {  	s5 =	sor.u32 @p0 s6, s5  }
0x23: {  	[sflag:s5] =	ssyncadd.remote.s32 @p0 $0x1;
	_ =	sdelay $0x1  }
0x24: {  	s5 =	simm.s32 @p0 $0x1B8D  }
0x25: {  	_ =	swait.eq @p0 [sflag:s5], $0x1  }
0x26: {  	[sflag:s5] =	ssyncadd.s32 @p0 $0xFFFFFFFF  }
0x27: {  	s6 =	sshll.u32 @!p0 s1, $0xE  }
0x28: {  	s6 =	sor.u32 @!p0 $0x4000, s6;
	s5 =	simm.s32 @!p0 $0x1B8D  }
0x29: {  	s4 =	sshll.u32 @!p0 s4, $0x11;
	s6 =	sadd.s32 @!p0 $0x11B8D, s6;
	_ =	swait.eq @!p0 [sflag:s5], $0x1  }
0x2a: {  	s4 =	sor.u32 @!p0 s4, s6;
	[sflag:s5] =	ssyncadd.s32 @!p0 $0xFFFFFFFF  }
0x2b: {  	s26 =	simm.s32 $0x1B8E;
	s25 =	sld [smem:$0x3FFE];
	[sflag:s4] =	ssyncadd.remote.s32 @!p0 $0x1  }
0x2c: {  	s27 =	simm.s32 $execute0_lowered;
	[smem:$0x3FD2] =	sst s26  }
0x2d: {  	s5 =	sshll.u32 s27, $0x1;
	_ =	strace $0x80000049;
	[dreg:$0x1] =	wrdreg $0xFFFFFFFF  }
0x2e: {  	s28 =	simm.s32 $_size_execute0_lowered;
	s3 =	sadd.s32 s3, s5;
	[dreg:$0x0] =	wrdreg $0x0  }
0x2f: {  	s5 =	sshll.u32 s28, $0x1;
	[dreg:$0x2] =	wrdreg s3  }
0x30: {  	[dreg:$0x3] =	wrdreg s5  }
0x31: {  	[dreg:$0x4] =	wrdreg $0xC0  }
0x32: {  	_ =	task [dreg:s23], $0x5FFFF  }
0x33: {  	[dreg:$0x1] =	wrdreg $0xFFFFFFFF  }
0x34: {  	[dreg:$0x0] =	wrdreg $0x60  }
0x35: {  	[dreg:$0x2] =	wrdreg s25  }
0x36: {  	[dreg:$0x3] =	wrdreg $0x9  }
0x37: {  	_ =	task.clear_ibuf [dreg:s23], $0x4FFFF;
	_ =	strace $0x90000049  }
0x38: {  	s29 =	simm.s32 $0x9;
	_ =	strace $0x8000004B  }
0x39: {  	_ =	swait.ge [sflag:s29], $0x1  }
0x3a: {  	[sflag:s29] =	ssyncadd.s32 $0xFFFFFFFF  }
0x3b: {  	_ =	strace $0x9000004B  }
0x3c: {  	_ =	sfence  }
0x3d: {  	s30 =	sld [smem:$0x0];
	_ =	sdelay $0x2  }
0x3e: {  	s31 =	sshll.u32 s1, $0xD;
	s1 =	sshrl.u32 s1, $0x2  }
0x3f: {  	s4 =	sand.u32 $0x4000, s31;
	s1 =	sadd.s32 s1, s30  }
0x40: {  	s0 =	sor.u32 s4, s0;
	s1 =	sshll.u32 s1, $0x11  }
0x41: {  	s0 =	sor.u32 s1, s0  }
0x42: {  	s0 =	sadd.s32 $0x8F2B, s0  }
0x43: {  	[sflag:s0] =	ssyncadd.remote.s32 $0x1  }
0x44: {  	_ =	sfence.sel $0xFFFF  }
0x45: {  	[dreg:$0x0] =	wrdreg $0xFFFFFFFF;
	(pc) =	sbr.abs _section_cstart, $3  }
0x46: {  	[dreg:$0x1] =	wrdreg $0xFFFFFFFF  }
0x47: {  	_ =	task.clear_ibuf [dreg:s23], $0x2FFFF;
	_ =	strace $0x9FFFFFFF  }
0x48: {  	(tm) =	ssettm $0x7FFFFFFF  }
0x49: {  	_ =	shalt  }
tec
execute0_lowered:
.L_overlay_start_1:
0x0: {  	(tag) =	ssettag $0x1  }
0x1: {  	s0 =	srdreg.scid  }
0x2: {  	s1 =	sshll.u32 s0, $0x4  }
0x3: {  	s4 =	rddreg [dreg:$0x0];
	s0 =	stileid.u32;
	s1 =	sand.u32 $0x10, s1  }
0x4: {  	s7 =	simm.s32 $0x1;
	s8 =	simm.s32 $0x2;
	s2 =	sor.u32 s0, s1  }
0x5: {  	s9 =	simm.s32 $0x0;
	s12 =	simm.s32 $0x0;
	s2 =	sshll.u32 s2, $0x2  }
0x6: {  	s11 =	simm.s32 $0x0;
	s3 =	sadd.s32 $0x354A00, s4;
	s6 =	ssub.s32 $0x1540, s2  }
.Ltmp0:
0x7: {  	s4 =	sadd.s32 $0x94EA00, s4;
	s5 =	sand.u32 $0x7C, s6;
	(pc) =	sbr.rel .LBB1_1-.Ltmp0, $4  }
0x8: {  	s1 =	rddreg [dreg:$0x1];
	_ =	strace $0x8000004A;
	p0 =	sne.s32 s5, $0x0  }
0x9: {  	s6 =	sshrl.u32 s6, $0x7;
	s5 =	simm.s32 $0x1;
	s7 =	simm.s32 @!p0 $0x0  }
0xa: {  	s10 =	smov.u32 s2;
	[sflag:s5] =	ssyncpa.u1 $0x0;
	s6 =	sadd.s32 s7, s6  }
0xb: {  	[sflag:s8] =	ssyncpa.u1 $0x0;
	s8 =	simm.s32 $0x0;
	s7 =	sadd.s32 $0x1, s6  }
.LBB1_9:
0xc: {  	s14 =	sadd.s32 $0x80, s10  }
0xd: {  	p1 =	sgt.s32 s14, $0x153F  }
0xe: {  	s14 =	smov.u32 @p1 s2;
	p1 =	sne.s32 s11, s7  }
.Ltmp1:
0xf: {  	p0 =	slt.u32 s11, $0x2;
	(pc) =	sbr.rel @!p1 .LBB1_10-.Ltmp1, $4  }
0x10: {  	s13 =	simm.s32 @!p0 $0x2  }
0x11: {  	s15 =	sadd.s32 $0x1, s11;
	_ =	swait.ge @!p0 [sflag:s13], $0x4000  }
0x12: {  	s12 =	smov.u32 s10;
	s9 =	sadd.s32 $0x4000, s9;
	[sflag:s13] =	ssyncset.done @!p0 $0x0  }
0x13: {  	s11 =	smov.u32 s15;
	s10 =	smov.u32 s14;
	[sflag:s13] =	ssyncadd.s32 @!p0 $0xFFFFC000  }
.LBB1_1:
0x14: {  	p0 =	sge.u32 s11, s6  }
0x15: {  	s13 =	sxor.u32 @!p0 $0xFFFFFFFF, s11  }
0x16: {  	s31 =	sadd.s32 $0xFFFFFFFF, s11;
	s14 =	sshll.u32 @!p0 s10, $0x9;
	s13 =	sshll.u32 @!p0 s13, $0xE  }
0x17: {  	s15 =	simm.s32 @!p0 $0x0;
	s14 =	sadd.s32 @!p0 s3, s14;
	s13 =	sand.u32 @!p0 $0x4000, s13  }
0x18: {  	[tilespmem:s13], [sflag:$0x1] =	stream.linear.gather @!p0 [hbm4b:s14+s15], $0x4000, $0x38;
	[tilespmem:$0x10000] =	vst v63  }
0x19: {  	p0 =	sge.u32 s31, s6  }
.Ltmp2:
0x1a: {  	_ = 	snop;
	(pc) =	sbr.rel @p0 .LBB1_9-.Ltmp2, $1  }
0x1b: {  	_ =	sdelay $0x3  }
0x1c: {  	s14 =	sand.u32 $0x4000, s9  }
0x1d: {  	_ =	swait.ge [sflag:s5], $0x4000;
	s15 =	sshll.u32 s11, $0xE;
	s16 =	simm.s32 $0x0  }
0x1e: {  	s13 =	sor.u32 $0x40, s14;
	[sflag:s5] =	ssyncset.done $0x0;
	s15 =	sand.u32 $0x4000, s15  }
0x1f: {  	s14 =	sor.u32 $0x8040, s14;
	[sflag:s5] =	ssyncadd.s32 $0xFFFFC000;
	s15 =	sor.u32 $0x8000, s15  }
.LBB1_3:
0x20: {  	s17 =	smov.u32 s14;
	s18 =	smov.u32 s13;
	s19 =	simm.s32 $0x0  }
.LBB1_4:
0x21: {  	v0 =	vmov s17;
	v2 =	vld [tilespmem:s18+$0x30]  }
0x22: {  	v4 =	vld [tilespmem:s18+$0xFFFFFFD0]  }
0x23: {  	v6 =	vld [tilespmem:s18+$0xFFFFFFE0]  }
0x24: {  	v7 =	vld [tilespmem:s18+$0xFFFFFFF0]  }
0x25: {  	s20 =	simm.s32 $0x0;
	v1 =	vld [tilespmem:s18+$0x0]  }
0x26: {  	v3 =	vld [tilespmem:s18+$0x10];
	[tilespmem:v0+s20+$0x30 ss:$0x1] =	vst.idx.msk $0xffff, v2  }
0x27: {  	v5 =	vld [tilespmem:s18+$0x20];
	[tilespmem:v0+s20+$0xFFFFFFD0 ss:$0x1] =	vst.idx.msk $0xffff, v4  }
0x28: {  	s21 =	sadd.s32 $0x80, s18;
	v2 =	vld [tilespmem:s18+$0xFFFFFFC0];
	[tilespmem:v0+s20+$0xFFFFFFE0 ss:$0x1] =	vst.idx.msk $0xffff, v6  }
0x29: {  	s22 =	simm.s32 $0x800;
	s23 =	simm.s32 $0x1000;
	v4 =	vld [tilespmem:s21+$0x30];
	[tilespmem:v0+s20+$0xFFFFFFF0 ss:$0x1] =	vst.idx.msk $0xffff, v7  }
.LBB1_5:
0x2a: {  	p0 =	sne.s32 s23, $0x3800;
	v6 =	vld [tilespmem:s21+$0xFFFFFFD0];
	[tilespmem:v0+s20+$0x0 ss:$0x1] =	vst.idx.msk $0xffff, v1  }
0x2b: {  	v7 =	vld [tilespmem:s21+$0xFFFFFFE0];
	[tilespmem:v0+s20+$0x10 ss:$0x1] =	vst.idx.msk $0xffff, v3  }
0x2c: {  	v8 =	vld [tilespmem:s21+$0xFFFFFFF0];
	[tilespmem:v0+s20+$0x20 ss:$0x1] =	vst.idx.msk $0xffff, v5  }
.Ltmp3:
0x2d: {  	v1 =	vld [tilespmem:s21+$0x0];
	[tilespmem:v0+s20+$0xFFFFFFC0 ss:$0x1] =	vst.idx.msk $0xffff, v2;
	s20 =	sshra.s32 s22, $0x2;
	s22 =	smov.u32 s23;
	(pc) =	sbr.rel @p0 .LBB1_5-.Ltmp3, $4  }
0x2e: {  	v3 =	vld [tilespmem:s21+$0x10];
	[tilespmem:v0+s20+$0x30 ss:$0x1] =	vst.idx.msk $0xffff, v4  }
0x2f: {  	[tilespmem:v0+s20+$0xFFFFFFD0 ss:$0x1] =	vst.idx.msk $0xffff, v6;
	v5 =	vld [tilespmem:s21+$0x20]  }
0x30: {  	v2 =	vld [tilespmem:s21+$0xFFFFFFC0];
	[tilespmem:v0+s20+$0xFFFFFFE0 ss:$0x1] =	vst.idx.msk $0xffff, v7;
	s21 =	sadd.s32 $0x80, s21  }
0x31: {  	s23 =	sadd.s32 $0x800, s23;
	v4 =	vld [tilespmem:s21+$0x30];
	[tilespmem:v0+s20+$0xFFFFFFF0 ss:$0x1] =	vst.idx.msk $0xffff, v8  }
0x32: {  	_ =	sdelay $0x3  }
0x33: {  	v6 =	vld [tilespmem:s21+$0xFFFFFFD0];
	[tilespmem:v0+s20+$0x0 ss:$0x1] =	vst.idx.msk $0xffff, v1  }
0x34: {  	v58 =	vld [tilespmem:s21+$0xFFFFFFE0];
	[tilespmem:v0+s20+$0x10 ss:$0x1] =	vst.idx.msk $0xffff, v3  }
0x35: {  	v59 =	vld [tilespmem:s21+$0xFFFFFFF0];
	[tilespmem:v0+s20+$0x20 ss:$0x1] =	vst.idx.msk $0xffff, v5  }
0x36: {  	s22 =	sshra.s32 s22, $0x2;
	v60 =	vld [tilespmem:s21+$0x0];
	[tilespmem:v0+s20+$0xFFFFFFC0 ss:$0x1] =	vst.idx.msk $0xffff, v2  }
0x37: {  	v61 =	vld [tilespmem:s21+$0x10];
	[tilespmem:v0+s22+$0x30 ss:$0x1] =	vst.idx.msk $0xffff, v4  }
0x38: {  	v62 =	vld [tilespmem:s21+$0x20];
	s19 =	sadd.s32 $0x1, s19;
	[tilespmem:v0+s22+$0xFFFFFFD0 ss:$0x1] =	vst.idx.msk $0xffff, v6  }
0x39: {  	v63 =	vld [tilespmem:s21+$0xFFFFFFC0];
	p0 =	sne.s32 s19, $0x4;
	[tilespmem:v0+s22+$0xFFFFFFE0 ss:$0x1] =	vst.idx.msk $0xffff, v58  }
.Ltmp4:
0x3a: {  	[tilespmem:v0+s22+$0xFFFFFFF0 ss:$0x1] =	vst.idx.msk $0xffff, v59;
	(pc) =	sbr.rel @p0 .LBB1_4-.Ltmp4, $4  }
0x3b: {  	[tilespmem:v0+s22+$0x0 ss:$0x1] =	vst.idx.msk $0xffff, v60  }
0x3c: {  	[tilespmem:v0+s22+$0x10 ss:$0x1] =	vst.idx.msk $0xffff, v61  }
0x3d: {  	[tilespmem:v0+s22+$0x20 ss:$0x1] =	vst.idx.msk $0xffff, v62  }
0x3e: {  	s18 =	sadd.s32 $0x400, s18;
	s17 =	sadd.s32 $0x80, s17;
	[tilespmem:v0+s22+$0xFFFFFFC0 ss:$0x1] =	vst.idx.msk $0xffff, v63  }
0x3f: {  	s16 =	sadd.s32 $0x1, s16  }
0x40: {  	p0 =	sne.s32 s16, $0x4  }
.Ltmp5:
0x41: {  	_ = 	snop;
	(pc) =	sbr.rel @p0 .LBB1_3-.Ltmp5, $2  }
0x42: {  	_ =	sdelay $0x2  }
0x43: {  	s13 =	sadd.s32 $0x1000, s13;
	s14 =	sadd.s32 $0x1000, s14  }
.Ltmp6:
0x44: {  	(pc) =	sbr.rel .LBB1_9-.Ltmp6, $4  }
0x45: {  	_ = 	snop  }
0x46: {  	s12 =	sshll.u32 s12, $0x9  }
0x47: {  	s12 =	sadd.s32 s4, s12  }
0x48: {  	[hbm4b:s12+s8] =	stream.linear.scatter [tilespmem:s15], [sflag:$0x2], $0x4000, $0x38;
	[tilespmem:$0x10000] =	vst v63  }
.LBB1_10:
0x49: {  	_ =	sfence.sel $0x180000  }
0x4a: {  	s2 =	simm.s32 $0x1;
	[bflag:$0x0] =	sbarrier.arrive $0xFFFF  }
0x4b: {  	s31 =	simm.s32 $0x2;
	[sflag:s2] =	ssyncpa.u1 $0x1  }
0x4c: {  	[sflag:s31] =	ssyncpa.u1 $0x1  }
0x4d: {  	p0 =	sne.s32 s0, $0x0;
	_ =	strace $0x9000004A  }
0x4e: {  	s0 =	sadd.s32 @!p0 $0x100000, s1;
	[bflag:$0x2] =	sbarrier.arrive $0xFFFF  }
0x4f: {  	[sflag:s0] =	ssyncadd.tile.s32 @!p0 $0x1;
	_ =	shalt  }
.Lfunc_end1:
_tile_overlayer_lowered:
.L_overlay_start_2:
0x50: {  	(tag) =	ssettag $0x2  }
0x51: {  	s0 =	rddreg [dreg:$0x0];
	s2 =	stileid.u32  }
0x52: {  	s1 =	rddreg [dreg:$0x1];
	p0 =	sne.s32 s2, $0x0  }
0x53: {  	s3 =	rddreg [dreg:$0x2];
	[bflag:$0x3] =	sbarrier.arrive $0xFFFF;
	s2 =	simm.s32 @!p0 $0x1C01  }
0x54: {  	[timem:s3], [sflag:s2] =	dma.local @!p0 [hbm:s0], s1  }
0x55: {  	s0 =	simm.s32 @!p0 $0x1  }
0x56: {  	_ =	swait.ge @!p0 [sflag:s0], s1  }
0x57: {  	s1 =	ssub.s32 @!p0 $0x0, s1;
	[sflag:s0] =	ssyncset.done @!p0 $0x0  }
0x58: {  	[sflag:s0] =	ssyncadd.s32 @!p0 s1  }
0x59: {  	[bflag:$0x3] =	sbarrier.arrive $0xFFFF  }
0x5a: {  	_ =	shalt  }

</sc_bundles>
